<compile_context>
chip_gen: v7x
topology: tpu7x:2x2x1
jax: 0.10.2.dev20260603
libtpu: 0.0.44.dev20260713+nightly
codegen_flags: <defaults>
</compile_context>

<pallas_src>
import functools

import jax
import jax.numpy as jnp
from jax import lax
from jax.experimental import pallas as pl
from jax.experimental.pallas import tpu as pltpu
from jax.experimental.pallas import tpu_sc as plsc

NW = 32
LANES = 16


def _worker_id():
    c = lax.axis_index("c")
    s = lax.axis_index("s")
    return s * 2 + c


def _make_deg(N, E, CH):
    PER = E // NW
    assert CH % LANES == 0 and N % LANES == 0 and PER % CH == 0
    mesh = plsc.VectorSubcoreMesh(core_axis_name="c", subcore_axis_name="s")

    @functools.partial(
        pl.kernel,
        out_type=[
            jax.ShapeDtypeStruct((NW, N), jnp.float32),
            jax.ShapeDtypeStruct((E,), jnp.int32),
        ],
        mesh=mesh,
        compiler_params=pltpu.CompilerParams(needs_layout_passes=False),
        scratch_types=[
            pltpu.VMEM((N,), jnp.float32),
            pltpu.VMEM((CH,), jnp.int32),
            pltpu.VMEM((CH,), jnp.int32),
            pltpu.VMEM((CH,), jnp.float32),
            pltpu.VMEM((CH,), jnp.int32),
            pltpu.SemaphoreType.DMA,
        ],
    )
    def deg_kernel(src, dst, ew, degp, pk, acc, src_v, dst_v, ew_v, pk_v, sem):
        wid = _worker_id()
        ebase = wid * PER
        copies = [
            pltpu.make_async_copy(src.at[pl.ds(ebase, CH)], src_v, sem),
            pltpu.make_async_copy(dst.at[pl.ds(ebase, CH)], dst_v, sem),
            pltpu.make_async_copy(ew.at[pl.ds(ebase, CH)], ew_v, sem),
        ]
        for cp in copies:
            cp.start()

        zero = jnp.zeros((LANES,), jnp.float32)

        @plsc.parallel_loop(0, N, LANES, unroll=8)
        def _zero(i):
            acc[pl.ds(i, LANES)] = zero

        for cp in copies:
            cp.wait()

        @plsc.parallel_loop(0, CH, LANES, unroll=8)
        def _grp(i):
            sv = src_v[pl.ds(i, LANES)]
            dv = dst_v[pl.ds(i, LANES)]
            wv = ew_v[pl.ds(i, LANES)]
            pk_v[pl.ds(i, LANES)] = jnp.bitwise_or(
                jnp.left_shift(dv, 16), sv)
            plsc.addupdate_scatter(acc, [dv], wv)

        pltpu.sync_copy(pk_v, pk.at[pl.ds(ebase, CH)])
        pltpu.sync_copy(acc, degp.at[wid])

    return deg_kernel


def _make_agg(N, E, F, FB, G, CH):
    NFB = F // FB
    assert G * NFB == NW
    assert CH % LANES == 0 and N % LANES == 0
    NP = FB // 2
    HALF = F // 2
    PER = E // G
    NCH = PER // CH
    NB = 2 if NCH > 1 else 1
    assert NCH % NB == 0
    mesh = plsc.VectorSubcoreMesh(core_axis_name="c", subcore_axis_name="s")
    scratch = (
        [pltpu.VMEM((N,), jnp.int32) for _ in range(NP)]
        + [pltpu.VMEM((N,), jnp.float32) for _ in range(FB)]
        + [pltpu.VMEM((CH,), jnp.int32) for _ in range(NB)]
        + [pltpu.VMEM((CH,), jnp.float32) for _ in range(NB)]
        + [pltpu.SemaphoreType.DMA for _ in range(NB + 1)]
    )

    @functools.partial(
        pl.kernel,
        out_type=jax.ShapeDtypeStruct((G, F, N), jnp.float32),
        mesh=mesh,
        compiler_params=pltpu.CompilerParams(needs_layout_passes=False),
        scratch_types=scratch,
    )
    def agg_kernel(hTk, pk, ew, part, *scr):
        tbls = scr[:NP]
        accs = scr[NP:NP + FB]
        pk_v = scr[NP + FB:NP + FB + NB]
        ew_v = scr[NP + FB + NB:NP + FB + 2 * NB]
        sems = scr[NP + FB + 2 * NB:NP + FB + 3 * NB]
        tsem = scr[NP + FB + 3 * NB]
        wid = _worker_id()
        g = wid % G
        fb = wid // G
        pbase = fb * NP
        ebase = g * PER

        def edge_copies(ci, b):
            off = ebase + ci * CH
            return [
                pltpu.make_async_copy(pk.at[pl.ds(off, CH)], pk_v[b], sems[b]),
                pltpu.make_async_copy(ew.at[pl.ds(off, CH)], ew_v[b], sems[b]),
            ]

        def issue(ci, b):
            for cp in edge_copies(ci, b):
                cp.start()

        def wait(ci, b):
            for cp in edge_copies(ci, b):
                cp.wait()

        for b in range(NB):
            issue(b, b)
        tcopies = [
            pltpu.make_async_copy(hTk.at[pbase + j], tbls[j], tsem)
            for j in range(NP)
        ]
        for cp in tcopies:
            cp.start()

        zero = jnp.zeros((LANES,), jnp.float32)

        @plsc.parallel_loop(0, N, LANES, unroll=4)
        def _zero(i):
            for k in range(FB):
                accs[k][pl.ds(i, LANES)] = zero

        for cp in tcopies:
            cp.wait()

        def process(b):
            @plsc.parallel_loop(0, CH, LANES, unroll=8)
            def _grp(i):
                pkv = pk_v[b][pl.ds(i, LANES)]
                sv = jnp.bitwise_and(pkv, jnp.int32(0xFFFF))
                dv = jnp.right_shift(pkv, 16)
                wv = ew_v[b][pl.ds(i, LANES)]
                for j in range(NP):
                    gv = plsc.load_gather(tbls[j], [sv])
                    lo = plsc.bitcast(jnp.left_shift(gv, 16), jnp.float32)
                    hi = plsc.bitcast(
                        jnp.bitwise_and(gv, jnp.int32(-65536)), jnp.float32)
                    plsc.addupdate_scatter(accs[2 * j], [dv], lo * wv)
                    plsc.addupdate_scatter(accs[2 * j + 1], [dv], hi * wv)

        if NB == 1:
            def chunk(ci, _):
                wait(ci, 0)
                process(0)

                @pl.when(ci + 1 < NCH)
                def _():
                    issue(ci + 1, 0)
                return 0

            lax.fori_loop(0, NCH, chunk, 0)
        else:
            def pair(pi, _):
                ci0 = pi * 2
                for b in range(2):
                    wait(ci0 + b, b)
                    process(b)

                    @pl.when(ci0 + b + 2 < NCH)
                    def _():
                        issue(ci0 + b + 2, b)
                return 0

            lax.fori_loop(0, NCH // 2, pair, 0)

        for j in range(NP):
            pltpu.sync_copy(accs[2 * j], part.at[g, pbase + j])
            pltpu.sync_copy(accs[2 * j + 1], part.at[g, pbase + j + HALF])

    return agg_kernel


def _pack_pairs(zp):
    half = zp.shape[0] // 2
    lo = lax.bitcast_convert_type(
        zp[:half].astype(jnp.bfloat16), jnp.uint16).astype(jnp.uint32)
    hi = lax.bitcast_convert_type(
        zp[half:].astype(jnp.bfloat16), jnp.uint16).astype(jnp.uint32)
    return lax.bitcast_convert_type(
        jnp.bitwise_or(jnp.left_shift(hi, 16), lo), jnp.int32)


def _tc_head(degp, x, W1, BN):
    NWp, N = degp.shape
    D = x.shape[1]
    H = W1.shape[1]
    grid = (pl.cdiv(N, BN),)

    def body(degp_ref, x_ref, w_ref, zp_ref, dinv_ref, zpk_ref):
        deg = jnp.sum(degp_ref[...], axis=0, keepdims=True) + 1.0
        dinv = lax.rsqrt(deg)
        z = lax.dot_general(w_ref[...], x_ref[...], (((0,), (1,)), ((), ())),
                            preferred_element_type=jnp.float32)
        zp = z * dinv
        zp_ref[...] = zp
        dinv_ref[...] = dinv
        zpk_ref[...] = _pack_pairs(zp)

    return pl.pallas_call(
        body,
        grid=grid,
        in_specs=[
            pl.BlockSpec((NWp, BN), lambda i: (0, i)),
            pl.BlockSpec((BN, D), lambda i: (i, 0)),
            pl.BlockSpec((D, H), lambda i: (0, 0)),
        ],
        out_specs=[
            pl.BlockSpec((H, BN), lambda i: (0, i)),
            pl.BlockSpec((1, BN), lambda i: (0, i)),
            pl.BlockSpec((H // 2, BN), lambda i: (0, i)),
        ],
        out_shape=[
            jax.ShapeDtypeStruct((H, N), jnp.float32),
            jax.ShapeDtypeStruct((1, N), jnp.float32),
            jax.ShapeDtypeStruct((H // 2, N), jnp.int32),
        ],
    )(degp, x, W1)


def _tc_mid(part, zp, dinv, b, W, BN):
    G, F, N = part.shape
    Hn = W.shape[1]
    grid = (pl.cdiv(N, BN),)

    def body(part_ref, zp_ref, dinv_ref, b_ref, w_ref, out_ref, outk_ref):
        red = jnp.sum(part_ref[...], axis=0)
        dinv = dinv_ref[...]
        h = jnp.maximum(dinv * (red + zp_ref[...]) + b_ref[...], 0.0)
        z = lax.dot_general(w_ref[...], h, (((0,), (0,)), ((), ())),
                            preferred_element_type=jnp.float32)
        zp_next = z * dinv
        out_ref[...] = zp_next
        outk_ref[...] = _pack_pairs(zp_next)

    return pl.pallas_call(
        body,
        grid=grid,
        in_specs=[
            pl.BlockSpec((G, F, BN), lambda i: (0, 0, i)),
            pl.BlockSpec((F, BN), lambda i: (0, i)),
            pl.BlockSpec((1, BN), lambda i: (0, i)),
            pl.BlockSpec((F, 1), lambda i: (0, 0)),
            pl.BlockSpec((F, Hn), lambda i: (0, 0)),
        ],
        out_specs=[
            pl.BlockSpec((Hn, BN), lambda i: (0, i)),
            pl.BlockSpec((Hn // 2, BN), lambda i: (0, i)),
        ],
        out_shape=[
            jax.ShapeDtypeStruct((Hn, N), jnp.float32),
            jax.ShapeDtypeStruct((Hn // 2, N), jnp.int32),
        ],
    )(part, zp, dinv, b, W)


def _tc_tail(part, zp, dinv, b, BN):
    G, C, N = part.shape
    grid = (pl.cdiv(N, BN),)

    def body(part_ref, zp_ref, dinv_ref, b_ref, out_ref):
        red = jnp.sum(part_ref[...], axis=0)
        t = dinv_ref[...] * (red + zp_ref[...]) + b_ref[...]
        m = jnp.max(t, axis=0, keepdims=True)
        u = t - m
        lse = jnp.log(jnp.sum(jnp.exp(u), axis=0, keepdims=True))
        out_ref[...] = u - lse

    return pl.pallas_call(
        body,
        grid=grid,
        in_specs=[
            pl.BlockSpec((G, C, BN), lambda i: (0, 0, i)),
            pl.BlockSpec((C, BN), lambda i: (0, i)),
            pl.BlockSpec((1, BN), lambda i: (0, i)),
            pl.BlockSpec((C, 1), lambda i: (0, 0)),
        ],
        out_specs=pl.BlockSpec((C, BN), lambda i: (0, i)),
        out_shape=jax.ShapeDtypeStruct((C, N), jnp.float32),
    )(part, zp, dinv, b)


def kernel(x, edge_index, edge_weight, W1, b1, W2, b2, W3, b3):
    N, D = x.shape
    E = edge_index.shape[1]
    H1 = W1.shape[1]
    H2 = W2.shape[1]
    C = W3.shape[1]
    BN = 2048

    src = edge_index[0]
    dst = edge_index[1]

    degp, pk = _make_deg(N, E, E // NW)(src, dst, edge_weight)
    z1p, dinv, z1k = _tc_head(degp, x, W1, BN)

    agg_h = _make_agg(N, E, H1, 4, 4, 4000)
    p1 = agg_h(z1k, pk, edge_weight)
    z2p, z2k = _tc_mid(p1, z1p, dinv, b1.reshape(H1, 1), W2, BN)
    p2 = agg_h(z2k, pk, edge_weight)
    z3p, z3k = _tc_mid(p2, z2p, dinv, b2.reshape(H2, 1), W3, BN)

    p3 = _make_agg(N, E, C, C, NW, E // NW)(z3k, pk, edge_weight)
    outT = _tc_tail(p3, z3p, dinv, b3.reshape(C, 1), BN)
    return outT.T

# --- scband reference (transcript-rebuilt; emitter-appended) ---
"""Pipeline reference for scband-pro-emogi-3521873182782 (READ-ONLY COPY).

The authoritative reference and input builder live on the scoring server;
editing this copy changes nothing except your own understanding.
"""

import jax, jax.numpy as jnp
import numpy as np

N = 10000
E = 320000
D = 128
H1 = 32
H2 = 32
OUT = 2


def _glorot(key, fan_in, fan_out):
    limit = float(np.sqrt(6.0 / (fan_in + fan_out)))
    return jax.random.uniform(key, (fan_in, fan_out), dtype=jnp.float32, minval=-limit, maxval=limit)


def setup_inputs(seed: int = 0) -> dict:
    key = jax.random.key(seed)
    ks = jax.random.split(key, 9)
    x = jax.random.normal(ks[0], (N, D), dtype=jnp.float32)
    edge_index = jax.random.randint(ks[1], (2, E), 0, N, dtype=jnp.int32)
    edge_weight = jax.random.uniform(ks[2], (E,), dtype=jnp.float32)
    W1 = _glorot(ks[3], D, H1)
    b1 = jnp.zeros((H1,), dtype=jnp.float32)
    W2 = _glorot(ks[4], H1, H2)
    b2 = jnp.zeros((H2,), dtype=jnp.float32)
    W3 = _glorot(ks[5], H2, OUT)
    b3 = jnp.zeros((OUT,), dtype=jnp.float32)
    return {"x": x, "edge_index": edge_index, "edge_weight": edge_weight,
            "W1": W1, "b1": b1, "W2": W2, "b2": b2, "W3": W3, "b3": b3}


def gcn_conv(x, edge_index, edge_weight, W, b):
    # GCNConv: add self-loops (weight 1), symmetric normalization, then aggregate.
    n = x.shape[0]
    src = edge_index[0]
    dst = edge_index[1]
    loop = jnp.arange(n, dtype=src.dtype)
    src_f = jnp.concatenate([src, loop])
    dst_f = jnp.concatenate([dst, loop])
    ew_f = jnp.concatenate([edge_weight, jnp.ones((n,), dtype=x.dtype)])
    deg = jnp.zeros((n,), dtype=x.dtype).at[dst_f].add(ew_f)
    dinv = jnp.where(deg > 0, 1.0 / jnp.sqrt(deg), 0.0)
    norm = dinv[src_f] * ew_f * dinv[dst_f]
    h = x @ W
    msg = h[src_f] * norm[:, None]
    out = jnp.zeros((n, h.shape[1]), dtype=x.dtype).at[dst_f].add(msg)
    return out + b


def reference(x, edge_index, edge_weight, W1, b1, W2, b2, W3, b3):
    h = gcn_conv(x, edge_index, edge_weight, W1, b1)
    h = jax.nn.relu(h)
    # dropout is identity in eval mode
    h = gcn_conv(h, edge_index, edge_weight, W2, b2)
    h = jax.nn.relu(h)
    h = gcn_conv(h, edge_index, edge_weight, W3, b3)
    return jax.nn.log_softmax(h, axis=1)

if __name__ == "__main__":
    import jax
    _d = setup_inputs()
    print(jax.jit(kernel)(*tuple(_d.values())))

</pallas_src>

<mosaic_0001>
#map = affine_map<(d0, d1) -> (0, 0)>
#map1 = affine_map<(d0, d1) -> (0)>
#map2 = affine_map<(d0, d1) -> (0, 0, 0)>
module attributes {stable_mosaic.version = 14 : i64} {
  func.func @agg_kernel(%arg0: i32, %arg1: i32, %arg2: memref<16x10000xi32, #tpu.memory_space<hbm>>, %arg3: memref<320000xi32, #tpu.memory_space<hbm>>, %arg4: memref<320000xf32, #tpu.memory_space<hbm>>, %arg5: memref<4x32x10000xf32, #tpu.memory_space<hbm>>, %arg6: memref<10000xi32, #tpu.memory_space<vmem>>, %arg7: memref<10000xi32, #tpu.memory_space<vmem>>, %arg8: memref<10000xf32, #tpu.memory_space<vmem>>, %arg9: memref<10000xf32, #tpu.memory_space<vmem>>, %arg10: memref<10000xf32, #tpu.memory_space<vmem>>, %arg11: memref<10000xf32, #tpu.memory_space<vmem>>, %arg12: memref<4000xi32, #tpu.memory_space<vmem>>, %arg13: memref<4000xi32, #tpu.memory_space<vmem>>, %arg14: memref<4000xf32, #tpu.memory_space<vmem>>, %arg15: memref<4000xf32, #tpu.memory_space<vmem>>, %arg16: memref<!tpu.dma_semaphore, #tpu.memory_space<semaphore_mem>>, %arg17: memref<!tpu.dma_semaphore, #tpu.memory_space<semaphore_mem>>, %arg18: memref<!tpu.dma_semaphore, #tpu.memory_space<semaphore_mem>>) attributes {dimension_semantics = [#tpu.dimension_semantics<core_parallel>, #tpu.dimension_semantics<subcore_parallel>], iteration_bounds = array<i64: 2, 16>, scalar_prefetch = 0 : i64, scratch_operands = 13 : i64, tpu.core_type = #tpu.core_type<sc_vector_subcore>, window_params = [{transform_indices = #map}, {transform_indices = #map1}, {transform_indices = #map1}, {transform_indices = #map2}]} {
    %mul3A = arith.constant 2 : i32
    %mul3A_0 = arith.muli %arg1, %mul3A : i32
    %add3A = arith.addi %mul3A_0, %arg0 : i32
    %jit3A = arith.constant 4 : i32
    %eq3A = arith.constant 0 : i32
    %eq3A_1 = arith.cmpi eq, %jit3A, %eq3A : i32
    %jit3A_2 = arith.constant 1 : i32
    %select_n3A = arith.select %eq3A_1, %jit3A_2, %jit3A : i32
    %rem3A = arith.remsi %add3A, %select_n3A : i32
    %ne3A = arith.constant 0 : i32
    %ne3A_3 = arith.cmpi ne, %rem3A, %ne3A : i32
    %lt3A = arith.constant 0 : i32
    %lt3A_4 = arith.cmpi slt, %rem3A, %lt3A : i32
    %lt3A_5 = arith.constant 0 : i32
    %lt3A_6 = arith.cmpi slt, %select_n3A, %lt3A_5 : i32
    %ne3A_7 = arith.xori %lt3A_4, %lt3A_6 : i1
    %and3A = arith.andi %ne3A_7, %ne3A_3 : i1
    %add3A_8 = arith.addi %rem3A, %select_n3A : i32
    %select_n3A_9 = arith.select %and3A, %add3A_8, %rem3A : i32
    %jit3A_10 = arith.constant 4 : i32
    %div3A = arith.divsi %add3A, %jit3A_10 : i32
    %sign3A = arith.constant 0 : i32
    %sign3A_11 = arith.cmpi sgt, %add3A, %sign3A : i32
    %sign3A_12 = arith.extui %sign3A_11 : i1 to i32
    %sign3A_13 = arith.constant 0 : i32
    %sign3A_14 = arith.cmpi slt, %add3A, %sign3A_13 : i32
    %sign3A_15 = arith.extui %sign3A_14 : i1 to i32
    %sign3A_16 = arith.subi %sign3A_12, %sign3A_15 : i32
    %sign3A_17 = arith.constant 0 : i32
    %sign3A_18 = arith.cmpi sgt, %jit3A_10, %sign3A_17 : i32
    %sign3A_19 = arith.extui %sign3A_18 : i1 to i32
    %sign3A_20 = arith.constant 0 : i32
    %sign3A_21 = arith.cmpi slt, %jit3A_10, %sign3A_20 : i32
    %sign3A_22 = arith.extui %sign3A_21 : i1 to i32
    %sign3A_23 = arith.subi %sign3A_19, %sign3A_22 : i32
    %ne3A_24 = arith.cmpi ne, %sign3A_16, %sign3A_23 : i32
    %rem3A_25 = arith.remsi %add3A, %jit3A_10 : i32
    %ne3A_26 = arith.constant 0 : i32
    %ne3A_27 = arith.cmpi ne, %rem3A_25, %ne3A_26 : i32
    %and3A_28 = arith.andi %ne3A_24, %ne3A_27 : i1
    %sub3A = arith.constant 1 : i32
    %sub3A_29 = arith.subi %div3A, %sub3A : i32
    %select_n3A_30 = arith.select %and3A_28, %sub3A_29, %div3A : i32
    %mul3A_31 = arith.constant 2 : i32
    %mul3A_32 = arith.muli %select_n3A_30, %mul3A_31 : i32
    %mul3A_33 = arith.constant 80000 : i32
    %mul3A_34 = arith.muli %select_n3A_9, %mul3A_33 : i32
    %add3A_35 = arith.constant 0 : i32
    %add3A_36 = arith.addi %mul3A_34, %add3A_35 : i32
    %dma_start3A = tpu.memref_slice %arg3[%add3A_36] : memref<320000xi32, #tpu.memory_space<hbm>> -> memref<4000xi32, #tpu.memory_space<hbm>>
    %dma_start3A_37 = tpu.memref_slice %arg3[%add3A_36] : memref<320000xi32, #tpu.memory_space<hbm>> -> memref<4000xi32, #tpu.memory_space<hbm>>
    tpu.enqueue_dma source(%dma_start3A_37 : memref<4000xi32, #tpu.memory_space<hbm>>) target(%arg12 : memref<4000xi32, #tpu.memory_space<vmem>>) target_semaphore(%arg16 : memref<!tpu.dma_semaphore, #tpu.memory_space<semaphore_mem>>)
    %dma_start3A_38 = tpu.memref_slice %arg4[%add3A_36] : memref<320000xf32, #tpu.memory_space<hbm>> -> memref<4000xf32, #tpu.memory_space<hbm>>
    %dma_start3A_39 = tpu.memref_slice %arg4[%add3A_36] : memref<320000xf32, #tpu.memory_space<hbm>> -> memref<4000xf32, #tpu.memory_space<hbm>>
    tpu.enqueue_dma source(%dma_start3A_39 : memref<4000xf32, #tpu.memory_space<hbm>>) target(%arg14 : memref<4000xf32, #tpu.memory_space<vmem>>) target_semaphore(%arg16 : memref<!tpu.dma_semaphore, #tpu.memory_space<semaphore_mem>>)
    %add3A_40 = arith.constant 4000 : i32
    %add3A_41 = arith.addi %mul3A_34, %add3A_40 : i32
    %dma_start3A_42 = tpu.memref_slice %arg3[%add3A_41] : memref<320000xi32, #tpu.memory_space<hbm>> -> memref<4000xi32, #tpu.memory_space<hbm>>
    %dma_start3A_43 = tpu.memref_slice %arg3[%add3A_41] : memref<320000xi32, #tpu.memory_space<hbm>> -> memref<4000xi32, #tpu.memory_space<hbm>>
    tpu.enqueue_dma source(%dma_start3A_43 : memref<4000xi32, #tpu.memory_space<hbm>>) target(%arg13 : memref<4000xi32, #tpu.memory_space<vmem>>) target_semaphore(%arg17 : memref<!tpu.dma_semaphore, #tpu.memory_space<semaphore_mem>>)
    %dma_start3A_44 = tpu.memref_slice %arg4[%add3A_41] : memref<320000xf32, #tpu.memory_space<hbm>> -> memref<4000xf32, #tpu.memory_space<hbm>>
    %dma_start3A_45 = tpu.memref_slice %arg4[%add3A_41] : memref<320000xf32, #tpu.memory_space<hbm>> -> memref<4000xf32, #tpu.memory_space<hbm>>
    tpu.enqueue_dma source(%dma_start3A_45 : memref<4000xf32, #tpu.memory_space<hbm>>) target(%arg15 : memref<4000xf32, #tpu.memory_space<vmem>>) target_semaphore(%arg17 : memref<!tpu.dma_semaphore, #tpu.memory_space<semaphore_mem>>)
    %add3A_46 = arith.constant 0 : i32
    %add3A_47 = arith.addi %mul3A_32, %add3A_46 : i32
    %add3A_48 = arith.constant 1 : i32
    %add3A_49 = arith.addi %mul3A_32, %add3A_48 : i32
    %dma_start3A_50 = arith.constant 0 : i32
    %dma_start3A_51 = tpu.memref_slice %arg2[%add3A_47, %dma_start3A_50] : memref<16x10000xi32, #tpu.memory_space<hbm>> -> memref<1x10000xi32, #tpu.memory_space<hbm>>
    %dma_start3A_52 = tpu.memref_squeeze %dma_start3A_51 : memref<1x10000xi32, #tpu.memory_space<hbm>> -> memref<10000xi32, #tpu.memory_space<hbm>>
    %dma_start3A_53 = arith.constant 0 : i32
    %dma_start3A_54 = tpu.memref_slice %arg2[%add3A_47, %dma_start3A_53] : memref<16x10000xi32, #tpu.memory_space<hbm>> -> memref<1x10000xi32, #tpu.memory_space<hbm>>
    %dma_start3A_55 = tpu.memref_squeeze %dma_start3A_54 : memref<1x10000xi32, #tpu.memory_space<hbm>> -> memref<10000xi32, #tpu.memory_space<hbm>>
    tpu.enqueue_dma source(%dma_start3A_55 : memref<10000xi32, #tpu.memory_space<hbm>>) target(%arg6 : memref<10000xi32, #tpu.memory_space<vmem>>) target_semaphore(%arg18 : memref<!tpu.dma_semaphore, #tpu.memory_space<semaphore_mem>>)
    %dma_start3A_56 = arith.constant 0 : i32
    %dma_start3A_57 = tpu.memref_slice %arg2[%add3A_49, %dma_start3A_56] : memref<16x10000xi32, #tpu.memory_space<hbm>> -> memref<1x10000xi32, #tpu.memory_space<hbm>>
    %dma_start3A_58 = tpu.memref_squeeze %dma_start3A_57 : memref<1x10000xi32, #tpu.memory_space<hbm>> -> memref<10000xi32, #tpu.memory_space<hbm>>
    %dma_start3A_59 = arith.constant 0 : i32
    %dma_start3A_60 = tpu.memref_slice %arg2[%add3A_49, %dma_start3A_59] : memref<16x10000xi32, #tpu.memory_space<hbm>> -> memref<1x10000xi32, #tpu.memory_space<hbm>>
    %dma_start3A_61 = tpu.memref_squeeze %dma_start3A_60 : memref<1x10000xi32, #tpu.memory_space<hbm>> -> memref<10000xi32, #tpu.memory_space<hbm>>
    tpu.enqueue_dma source(%dma_start3A_61 : memref<10000xi32, #tpu.memory_space<hbm>>) target(%arg7 : memref<10000xi32, #tpu.memory_space<vmem>>) target_semaphore(%arg18 : memref<!tpu.dma_semaphore, #tpu.memory_space<semaphore_mem>>)
    %broadcast_in_dim3A = arith.constant 0.000000e+00 : f32
    %broadcast_in_dim3A_62 = vector.broadcast %broadcast_in_dim3A : f32 to vector<16xf32>
    %parallel_loop3A = arith.constant 0 : i32
    %parallel_loop3A_63 = arith.constant 10000 : i32
    %parallel_loop3A_64 = arith.constant 16 : i32
    scf.for %parallel_loop3A_94 = %parallel_loop3A to %parallel_loop3A_63 step %parallel_loop3A_64  : i32 {
      %parallel_loop3A_95 = arith.index_cast %parallel_loop3A_94 : i32 to index
      %parallel_loop3A_96 = tpu.vector_load %arg8[%parallel_loop3A_95] {strides = array<i32>} : memref<10000xf32, #tpu.memory_space<vmem>>, vector<16xf32>,
      tpu.vector_store %arg8[%parallel_loop3A_95], %broadcast_in_dim3A_62 {strides = array<i32>} : memref<10000xf32, #tpu.memory_space<vmem>>, vector<16xf32>,
      %parallel_loop3A_97 = arith.index_cast %parallel_loop3A_94 : i32 to index
      %parallel_loop3A_98 = tpu.vector_load %arg9[%parallel_loop3A_97] {strides = array<i32>} : memref<10000xf32, #tpu.memory_space<vmem>>, vector<16xf32>,
      tpu.vector_store %arg9[%parallel_loop3A_97], %broadcast_in_dim3A_62 {strides = array<i32>} : memref<10000xf32, #tpu.memory_space<vmem>>, vector<16xf32>,
      %parallel_loop3A_99 = arith.index_cast %parallel_loop3A_94 : i32 to index
      %parallel_loop3A_100 = tpu.vector_load %arg10[%parallel_loop3A_99] {strides = array<i32>} : memref<10000xf32, #tpu.memory_space<vmem>>, vector<16xf32>,
      tpu.vector_store %arg10[%parallel_loop3A_99], %broadcast_in_dim3A_62 {strides = array<i32>} : memref<10000xf32, #tpu.memory_space<vmem>>, vector<16xf32>,
      %parallel_loop3A_101 = arith.index_cast %parallel_loop3A_94 : i32 to index
      %parallel_loop3A_102 = tpu.vector_load %arg11[%parallel_loop3A_101] {strides = array<i32>} : memref<10000xf32, #tpu.memory_space<vmem>>, vector<16xf32>,
      tpu.vector_store %arg11[%parallel_loop3A_101], %broadcast_in_dim3A_62 {strides = array<i32>} : memref<10000xf32, #tpu.memory_space<vmem>>, vector<16xf32>,
    } {sc.loop_unroll_factor = 4 : i64, sc.parallel_access}
    %dma_wait3A = arith.constant 0 : i32
    %dma_wait3A_65 = tpu.memref_slice %arg2[%add3A_47, %dma_wait3A] : memref<16x10000xi32, #tpu.memory_space<hbm>> -> memref<1x10000xi32, #tpu.memory_space<hbm>>
    %dma_wait3A_66 = tpu.memref_squeeze %dma_wait3A_65 : memref<1x10000xi32, #tpu.memory_space<hbm>> -> memref<10000xi32, #tpu.memory_space<hbm>>
    %dma_wait3A_67 = arith.constant 0 : i32
    %dma_wait3A_68 = tpu.memref_slice %arg2[%add3A_47, %dma_wait3A_67] : memref<16x10000xi32, #tpu.memory_space<hbm>> -> memref<1x10000xi32, #tpu.memory_space<hbm>>
    %dma_wait3A_69 = tpu.memref_squeeze %dma_wait3A_68 : memref<1x10000xi32, #tpu.memory_space<hbm>> -> memref<10000xi32, #tpu.memory_space<hbm>>
    tpu.wait_dma2 semaphore(%arg18 : memref<!tpu.dma_semaphore, #tpu.memory_space<semaphore_mem>>) src(%dma_wait3A_69 : memref<10000xi32, #tpu.memory_space<hbm>>) dst(%arg6 : memref<10000xi32, #tpu.memory_space<vmem>>)
    %dma_wait3A_70 = arith.constant 0 : i32
    %dma_wait3A_71 = tpu.memref_slice %arg2[%add3A_49, %dma_wait3A_70] : memref<16x10000xi32, #tpu.memory_space<hbm>> -> memref<1x10000xi32, #tpu.memory_space<hbm>>
    %dma_wait3A_72 = tpu.memref_squeeze %dma_wait3A_71 : memref<1x10000xi32, #tpu.memory_space<hbm>> -> memref<10000xi32, #tpu.memory_space<hbm>>
    %dma_wait3A_73 = arith.constant 0 : i32
    %dma_wait3A_74 = tpu.memref_slice %arg2[%add3A_49, %dma_wait3A_73] : memref<16x10000xi32, #tpu.memory_space<hbm>> -> memref<1x10000xi32, #tpu.memory_space<hbm>>
    %dma_wait3A_75 = tpu.memref_squeeze %dma_wait3A_74 : memref<1x10000xi32, #tpu.memory_space<hbm>> -> memref<10000xi32, #tpu.memory_space<hbm>>
    tpu.wait_dma2 semaphore(%arg18 : memref<!tpu.dma_semaphore, #tpu.memory_space<semaphore_mem>>) src(%dma_wait3A_75 : memref<10000xi32, #tpu.memory_space<hbm>>) dst(%arg7 : memref<10000xi32, #tpu.memory_space<vmem>>)
    %scan3A = arith.constant 0 : i32
    %scan3A_76 = arith.constant 0 : i32
    %scan3A_77 = arith.constant 10 : i32
    %scan3A_78 = arith.addi %scan3A_76, %scan3A_77 : i32
    %scan3A_79 = arith.constant 1 : i32
    %scan3A_80 = scf.for %scan3A_94 = %scan3A_76 to %scan3A_78 step %scan3A_79 iter_args(%scan3A_95 = %scan3A) -> (i32)  : i32 {
      %mul3A_96 = arith.constant 2 : i32
      %mul3A_97 = arith.muli %scan3A_94, %mul3A_96 : i32
      %add3A_98 = arith.constant 0 : i32
      %add3A_99 = arith.addi %mul3A_97, %add3A_98 : i32
      %mul3A_100 = arith.constant 4000 : i32
      %mul3A_101 = arith.muli %add3A_99, %mul3A_100 : i32
      %add3A_102 = arith.addi %mul3A_34, %mul3A_101 : i32
      %dma_wait3A_103 = tpu.memref_slice %arg3[%add3A_102] : memref<320000xi32, #tpu.memory_space<hbm>> -> memref<4000xi32, #tpu.memory_space<hbm>>
      %dma_wait3A_104 = tpu.memref_slice %arg3[%add3A_102] : memref<320000xi32, #tpu.memory_space<hbm>> -> memref<4000xi32, #tpu.memory_space<hbm>>
      tpu.wait_dma2 semaphore(%arg16 : memref<!tpu.dma_semaphore, #tpu.memory_space<semaphore_mem>>) src(%dma_wait3A_104 : memref<4000xi32, #tpu.memory_space<hbm>>) dst(%arg12 : memref<4000xi32, #tpu.memory_space<vmem>>)
      %dma_wait3A_105 = tpu.memref_slice %arg4[%add3A_102] : memref<320000xf32, #tpu.memory_space<hbm>> -> memref<4000xf32, #tpu.memory_space<hbm>>
      %dma_wait3A_106 = tpu.memref_slice %arg4[%add3A_102] : memref<320000xf32, #tpu.memory_space<hbm>> -> memref<4000xf32, #tpu.memory_space<hbm>>
      tpu.wait_dma2 semaphore(%arg16 : memref<!tpu.dma_semaphore, #tpu.memory_space<semaphore_mem>>) src(%dma_wait3A_106 : memref<4000xf32, #tpu.memory_space<hbm>>) dst(%arg14 : memref<4000xf32, #tpu.memory_space<vmem>>)
      %parallel_loop3A_107 = arith.constant 0 : i32
      %parallel_loop3A_108 = arith.constant 4000 : i32
      %parallel_loop3A_109 = arith.constant 16 : i32
      scf.for %parallel_loop3A_139 = %parallel_loop3A_107 to %parallel_loop3A_108 step %parallel_loop3A_109  : i32 {
        %parallel_loop3A_140 = arith.index_cast %parallel_loop3A_139 : i32 to index
        %parallel_loop3A_141 = tpu.vector_load %arg12[%parallel_loop3A_140] {strides = array<i32>} : memref<4000xi32, #tpu.memory_space<vmem>>, vector<16xi32>,
        %parallel_loop3A_142 = arith.constant 65535 : i32
        %parallel_loop3A_143 = vector.broadcast %parallel_loop3A_142 : i32 to vector<16xi32>
        %parallel_loop3A_144 = arith.andi %parallel_loop3A_141, %parallel_loop3A_143 : vector<16xi32>
        %parallel_loop3A_145 = arith.constant 16 : i32
        %parallel_loop3A_146 = vector.broadcast %parallel_loop3A_145 : i32 to vector<16xi32>
        %parallel_loop3A_147 = arith.shrsi %parallel_loop3A_141, %parallel_loop3A_146 : vector<16xi32>
        %parallel_loop3A_148 = arith.index_cast %parallel_loop3A_139 : i32 to index
        %parallel_loop3A_149 = tpu.vector_load %arg14[%parallel_loop3A_148] {strides = array<i32>} : memref<4000xf32, #tpu.memory_space<vmem>>, vector<16xf32>,
        %parallel_loop3A_150 = tpu.vector_load_idx %arg6[%parallel_loop3A_144] : memref<10000xi32, #tpu.memory_space<vmem>>[vector<16xi32>], vector<16xi32>,
        %parallel_loop3A_151 = arith.constant 16 : i32
        %parallel_loop3A_152 = vector.broadcast %parallel_loop3A_151 : i32 to vector<16xi32>
        %parallel_loop3A_153 = arith.shli %parallel_loop3A_150, %parallel_loop3A_152 : vector<16xi32>
        %parallel_loop3A_154 = vector.bitcast %parallel_loop3A_153 : vector<16xi32> to vector<16xf32>
        %parallel_loop3A_155 = arith.constant -65536 : i32
        %parallel_loop3A_156 = vector.broadcast %parallel_loop3A_155 : i32 to vector<16xi32>
        %parallel_loop3A_157 = arith.andi %parallel_loop3A_150, %parallel_loop3A_156 : vector<16xi32>
        %parallel_loop3A_158 = vector.bitcast %parallel_loop3A_157 : vector<16xi32> to vector<16xf32>
        %parallel_loop3A_159 = arith.mulf %parallel_loop3A_154, %parallel_loop3A_149 : vector<16xf32>
        tpu.vector_store_idx %arg8[%parallel_loop3A_147], %parallel_loop3A_159 {add = true} : memref<10000xf32, #tpu.memory_space<vmem>>[vector<16xi32>], vector<16xf32>,
        %parallel_loop3A_160 = arith.mulf %parallel_loop3A_158, %parallel_loop3A_149 : vector<16xf32>
        tpu.vector_store_idx %arg9[%parallel_loop3A_147], %parallel_loop3A_160 {add = true} : memref<10000xf32, #tpu.memory_space<vmem>>[vector<16xi32>], vector<16xf32>,
        %parallel_loop3A_161 = tpu.vector_load_idx %arg7[%parallel_loop3A_144] : memref<10000xi32, #tpu.memory_space<vmem>>[vector<16xi32>], vector<16xi32>,
        %parallel_loop3A_162 = arith.constant 16 : i32
        %parallel_loop3A_163 = vector.broadcast %parallel_loop3A_162 : i32 to vector<16xi32>
        %parallel_loop3A_164 = arith.shli %parallel_loop3A_161, %parallel_loop3A_163 : vector<16xi32>
        %parallel_loop3A_165 = vector.bitcast %parallel_loop3A_164 : vector<16xi32> to vector<16xf32>
        %parallel_loop3A_166 = arith.constant -65536 : i32
        %parallel_loop3A_167 = vector.broadcast %parallel_loop3A_166 : i32 to vector<16xi32>
        %parallel_loop3A_168 = arith.andi %parallel_loop3A_161, %parallel_loop3A_167 : vector<16xi32>
        %parallel_loop3A_169 = vector.bitcast %parallel_loop3A_168 : vector<16xi32> to vector<16xf32>
        %parallel_loop3A_170 = arith.mulf %parallel_loop3A_165, %parallel_loop3A_149 : vector<16xf32>
        tpu.vector_store_idx %arg10[%parallel_loop3A_147], %parallel_loop3A_170 {add = true} : memref<10000xf32, #tpu.memory_space<vmem>>[vector<16xi32>], vector<16xf32>,
        %parallel_loop3A_171 = arith.mulf %parallel_loop3A_169, %parallel_loop3A_149 : vector<16xf32>
        tpu.vector_store_idx %arg11[%parallel_loop3A_147], %parallel_loop3A_171 {add = true} : memref<10000xf32, #tpu.memory_space<vmem>>[vector<16xi32>], vector<16xf32>,
      } {sc.loop_unroll_factor = 8 : i64, sc.parallel_access}
      %add3A_110 = arith.constant 0 : i32
      %add3A_111 = arith.addi %mul3A_97, %add3A_110 : i32
      %add3A_112 = arith.constant 2 : i32
      %add3A_113 = arith.addi %add3A_111, %add3A_112 : i32
      %lt3A_114 = arith.constant 20 : i32
      %lt3A_115 = arith.cmpi slt, %add3A_113, %lt3A_114 : i32
      %convert_element_type3A = arith.extui %lt3A_115 : i1 to i32
      %cond3A = arith.constant 0 : i32
      %cond3A_116 = arith.cmpi ne, %convert_element_type3A, %cond3A : i32
      scf.if %cond3A_116 {
        %add3A_139 = arith.constant 0 : i32
        %add3A_140 = arith.addi %mul3A_97, %add3A_139 : i32
        %add3A_141 = arith.constant 2 : i32
        %add3A_142 = arith.addi %add3A_140, %add3A_141 : i32
        %mul3A_143 = arith.constant 4000 : i32
        %mul3A_144 = arith.muli %add3A_142, %mul3A_143 : i32
        %add3A_145 = arith.addi %mul3A_34, %mul3A_144 : i32
        %dma_start3A_146 = tpu.memref_slice %arg3[%add3A_145] : memref<320000xi32, #tpu.memory_space<hbm>> -> memref<4000xi32, #tpu.memory_space<hbm>>
        %dma_start3A_147 = tpu.memref_slice %arg3[%add3A_145] : memref<320000xi32, #tpu.memory_space<hbm>> -> memref<4000xi32, #tpu.memory_space<hbm>>
        tpu.enqueue_dma source(%dma_start3A_147 : memref<4000xi32, #tpu.memory_space<hbm>>) target(%arg12 : memref<4000xi32, #tpu.memory_space<vmem>>) target_semaphore(%arg16 : memref<!tpu.dma_semaphore, #tpu.memory_space<semaphore_mem>>)
        %dma_start3A_148 = tpu.memref_slice %arg4[%add3A_145] : memref<320000xf32, #tpu.memory_space<hbm>> -> memref<4000xf32, #tpu.memory_space<hbm>>
        %dma_start3A_149 = tpu.memref_slice %arg4[%add3A_145] : memref<320000xf32, #tpu.memory_space<hbm>> -> memref<4000xf32, #tpu.memory_space<hbm>>
        tpu.enqueue_dma source(%dma_start3A_149 : memref<4000xf32, #tpu.memory_space<hbm>>) target(%arg14 : memref<4000xf32, #tpu.memory_space<vmem>>) target_semaphore(%arg16 : memref<!tpu.dma_semaphore, #tpu.memory_space<semaphore_mem>>)
      } else {
      }
      %add3A_117 = arith.constant 1 : i32
      %add3A_118 = arith.addi %mul3A_97, %add3A_117 : i32
      %mul3A_119 = arith.constant 4000 : i32
      %mul3A_120 = arith.muli %add3A_118, %mul3A_119 : i32
      %add3A_121 = arith.addi %mul3A_34, %mul3A_120 : i32
      %dma_wait3A_122 = tpu.memref_slice %arg3[%add3A_121] : memref<320000xi32, #tpu.memory_space<hbm>> -> memref<4000xi32, #tpu.memory_space<hbm>>
      %dma_wait3A_123 = tpu.memref_slice %arg3[%add3A_121] : memref<320000xi32, #tpu.memory_space<hbm>> -> memref<4000xi32, #tpu.memory_space<hbm>>
      tpu.wait_dma2 semaphore(%arg17 : memref<!tpu.dma_semaphore, #tpu.memory_space<semaphore_mem>>) src(%dma_wait3A_123 : memref<4000xi32, #tpu.memory_space<hbm>>) dst(%arg13 : memref<4000xi32, #tpu.memory_space<vmem>>)
      %dma_wait3A_124 = tpu.memref_slice %arg4[%add3A_121] : memref<320000xf32, #tpu.memory_space<hbm>> -> memref<4000xf32, #tpu.memory_space<hbm>>
      %dma_wait3A_125 = tpu.memref_slice %arg4[%add3A_121] : memref<320000xf32, #tpu.memory_space<hbm>> -> memref<4000xf32, #tpu.memory_space<hbm>>
      tpu.wait_dma2 semaphore(%arg17 : memref<!tpu.dma_semaphore, #tpu.memory_space<semaphore_mem>>) src(%dma_wait3A_125 : memref<4000xf32, #tpu.memory_space<hbm>>) dst(%arg15 : memref<4000xf32, #tpu.memory_space<vmem>>)
      %parallel_loop3A_126 = arith.constant 0 : i32
      %parallel_loop3A_127 = arith.constant 4000 : i32
      %parallel_loop3A_128 = arith.constant 16 : i32
      scf.for %parallel_loop3A_139 = %parallel_loop3A_126 to %parallel_loop3A_127 step %parallel_loop3A_128  : i32 {
        %parallel_loop3A_140 = arith.index_cast %parallel_loop3A_139 : i32 to index
        %parallel_loop3A_141 = tpu.vector_load %arg13[%parallel_loop3A_140] {strides = array<i32>} : memref<4000xi32, #tpu.memory_space<vmem>>, vector<16xi32>,
        %parallel_loop3A_142 = arith.constant 65535 : i32
        %parallel_loop3A_143 = vector.broadcast %parallel_loop3A_142 : i32 to vector<16xi32>
        %parallel_loop3A_144 = arith.andi %parallel_loop3A_141, %parallel_loop3A_143 : vector<16xi32>
        %parallel_loop3A_145 = arith.constant 16 : i32
        %parallel_loop3A_146 = vector.broadcast %parallel_loop3A_145 : i32 to vector<16xi32>
        %parallel_loop3A_147 = arith.shrsi %parallel_loop3A_141, %parallel_loop3A_146 : vector<16xi32>
        %parallel_loop3A_148 = arith.index_cast %parallel_loop3A_139 : i32 to index
        %parallel_loop3A_149 = tpu.vector_load %arg15[%parallel_loop3A_148] {strides = array<i32>} : memref<4000xf32, #tpu.memory_space<vmem>>, vector<16xf32>,
        %parallel_loop3A_150 = tpu.vector_load_idx %arg6[%parallel_loop3A_144] : memref<10000xi32, #tpu.memory_space<vmem>>[vector<16xi32>], vector<16xi32>,
        %parallel_loop3A_151 = arith.constant 16 : i32
        %parallel_loop3A_152 = vector.broadcast %parallel_loop3A_151 : i32 to vector<16xi32>
        %parallel_loop3A_153 = arith.shli %parallel_loop3A_150, %parallel_loop3A_152 : vector<16xi32>
        %parallel_loop3A_154 = vector.bitcast %parallel_loop3A_153 : vector<16xi32> to vector<16xf32>
        %parallel_loop3A_155 = arith.constant -65536 : i32
        %parallel_loop3A_156 = vector.broadcast %parallel_loop3A_155 : i32 to vector<16xi32>
        %parallel_loop3A_157 = arith.andi %parallel_loop3A_150, %parallel_loop3A_156 : vector<16xi32>
        %parallel_loop3A_158 = vector.bitcast %parallel_loop3A_157 : vector<16xi32> to vector<16xf32>
        %parallel_loop3A_159 = arith.mulf %parallel_loop3A_154, %parallel_loop3A_149 : vector<16xf32>
        tpu.vector_store_idx %arg8[%parallel_loop3A_147], %parallel_loop3A_159 {add = true} : memref<10000xf32, #tpu.memory_space<vmem>>[vector<16xi32>], vector<16xf32>,
        %parallel_loop3A_160 = arith.mulf %parallel_loop3A_158, %parallel_loop3A_149 : vector<16xf32>
        tpu.vector_store_idx %arg9[%parallel_loop3A_147], %parallel_loop3A_160 {add = true} : memref<10000xf32, #tpu.memory_space<vmem>>[vector<16xi32>], vector<16xf32>,
        %parallel_loop3A_161 = tpu.vector_load_idx %arg7[%parallel_loop3A_144] : memref<10000xi32, #tpu.memory_space<vmem>>[vector<16xi32>], vector<16xi32>,
        %parallel_loop3A_162 = arith.constant 16 : i32
        %parallel_loop3A_163 = vector.broadcast %parallel_loop3A_162 : i32 to vector<16xi32>
        %parallel_loop3A_164 = arith.shli %parallel_loop3A_161, %parallel_loop3A_163 : vector<16xi32>
        %parallel_loop3A_165 = vector.bitcast %parallel_loop3A_164 : vector<16xi32> to vector<16xf32>
        %parallel_loop3A_166 = arith.constant -65536 : i32
        %parallel_loop3A_167 = vector.broadcast %parallel_loop3A_166 : i32 to vector<16xi32>
        %parallel_loop3A_168 = arith.andi %parallel_loop3A_161, %parallel_loop3A_167 : vector<16xi32>
        %parallel_loop3A_169 = vector.bitcast %parallel_loop3A_168 : vector<16xi32> to vector<16xf32>
        %parallel_loop3A_170 = arith.mulf %parallel_loop3A_165, %parallel_loop3A_149 : vector<16xf32>
        tpu.vector_store_idx %arg10[%parallel_loop3A_147], %parallel_loop3A_170 {add = true} : memref<10000xf32, #tpu.memory_space<vmem>>[vector<16xi32>], vector<16xf32>,
        %parallel_loop3A_171 = arith.mulf %parallel_loop3A_169, %parallel_loop3A_149 : vector<16xf32>
        tpu.vector_store_idx %arg11[%parallel_loop3A_147], %parallel_loop3A_171 {add = true} : memref<10000xf32, #tpu.memory_space<vmem>>[vector<16xi32>], vector<16xf32>,
      } {sc.loop_unroll_factor = 8 : i64, sc.parallel_access}
      %add3A_129 = arith.constant 1 : i32
      %add3A_130 = arith.addi %mul3A_97, %add3A_129 : i32
      %add3A_131 = arith.constant 2 : i32
      %add3A_132 = arith.addi %add3A_130, %add3A_131 : i32
      %lt3A_133 = arith.constant 20 : i32
      %lt3A_134 = arith.cmpi slt, %add3A_132, %lt3A_133 : i32
      %convert_element_type3A_135 = arith.extui %lt3A_134 : i1 to i32
      %cond3A_136 = arith.constant 0 : i32
      %cond3A_137 = arith.cmpi ne, %convert_element_type3A_135, %cond3A_136 : i32
      scf.if %cond3A_137 {
        %add3A_139 = arith.constant 1 : i32
        %add3A_140 = arith.addi %mul3A_97, %add3A_139 : i32
        %add3A_141 = arith.constant 2 : i32
        %add3A_142 = arith.addi %add3A_140, %add3A_141 : i32
        %mul3A_143 = arith.constant 4000 : i32
        %mul3A_144 = arith.muli %add3A_142, %mul3A_143 : i32
        %add3A_145 = arith.addi %mul3A_34, %mul3A_144 : i32
        %dma_start3A_146 = tpu.memref_slice %arg3[%add3A_145] : memref<320000xi32, #tpu.memory_space<hbm>> -> memref<4000xi32, #tpu.memory_space<hbm>>
        %dma_start3A_147 = tpu.memref_slice %arg3[%add3A_145] : memref<320000xi32, #tpu.memory_space<hbm>> -> memref<4000xi32, #tpu.memory_space<hbm>>
        tpu.enqueue_dma source(%dma_start3A_147 : memref<4000xi32, #tpu.memory_space<hbm>>) target(%arg13 : memref<4000xi32, #tpu.memory_space<vmem>>) target_semaphore(%arg17 : memref<!tpu.dma_semaphore, #tpu.memory_space<semaphore_mem>>)
        %dma_start3A_148 = tpu.memref_slice %arg4[%add3A_145] : memref<320000xf32, #tpu.memory_space<hbm>> -> memref<4000xf32, #tpu.memory_space<hbm>>
        %dma_start3A_149 = tpu.memref_slice %arg4[%add3A_145] : memref<320000xf32, #tpu.memory_space<hbm>> -> memref<4000xf32, #tpu.memory_space<hbm>>
        tpu.enqueue_dma source(%dma_start3A_149 : memref<4000xf32, #tpu.memory_space<hbm>>) target(%arg15 : memref<4000xf32, #tpu.memory_space<vmem>>) target_semaphore(%arg17 : memref<!tpu.dma_semaphore, #tpu.memory_space<semaphore_mem>>)
      } else {
      }
      %scan3A_138 = arith.constant 0 : i32
      scf.yield %scan3A_138 : i32
    }
    %scan3A_81 = arith.constant 10 : i32
    %add3A_82 = arith.constant 0 : i32
    %add3A_83 = arith.addi %mul3A_32, %add3A_82 : i32
    "tpu.region"() ({
      %run_scoped3A = tpu.sem_alloc : memref<!tpu.dma_semaphore, #tpu.memory_space<semaphore_mem>>
      %dma_start3A_94 = arith.constant 0 : i32
      %dma_start3A_95 = tpu.memref_slice %arg5[%select_n3A_9, %add3A_83, %dma_start3A_94] : memref<4x32x10000xf32, #tpu.memory_space<hbm>> -> memref<1x1x10000xf32, #tpu.memory_space<hbm>>
      %dma_start3A_96 = tpu.memref_squeeze %dma_start3A_95 : memref<1x1x10000xf32, #tpu.memory_space<hbm>> -> memref<10000xf32, #tpu.memory_space<hbm>>
      %dma_start3A_97 = arith.constant 0 : i32
      %dma_start3A_98 = tpu.memref_slice %arg5[%select_n3A_9, %add3A_83, %dma_start3A_97] : memref<4x32x10000xf32, #tpu.memory_space<hbm>> -> memref<1x1x10000xf32, #tpu.memory_space<hbm>>
      %dma_start3A_99 = tpu.memref_squeeze %dma_start3A_98 : memref<1x1x10000xf32, #tpu.memory_space<hbm>> -> memref<10000xf32, #tpu.memory_space<hbm>>
      tpu.enqueue_dma source(%arg8 : memref<10000xf32, #tpu.memory_space<vmem>>) target(%dma_start3A_99 : memref<10000xf32, #tpu.memory_space<hbm>>) target_semaphore(%run_scoped3A : memref<!tpu.dma_semaphore, #tpu.memory_space<semaphore_mem>>)
      %dma_wait3A_100 = arith.constant 0 : i32
      %dma_wait3A_101 = tpu.memref_slice %arg5[%select_n3A_9, %add3A_83, %dma_wait3A_100] : memref<4x32x10000xf32, #tpu.memory_space<hbm>> -> memref<1x1x10000xf32, #tpu.memory_space<hbm>>
      %dma_wait3A_102 = tpu.memref_squeeze %dma_wait3A_101 : memref<1x1x10000xf32, #tpu.memory_space<hbm>> -> memref<10000xf32, #tpu.memory_space<hbm>>
      %dma_wait3A_103 = arith.constant 0 : i32
      %dma_wait3A_104 = tpu.memref_slice %arg5[%select_n3A_9, %add3A_83, %dma_wait3A_103] : memref<4x32x10000xf32, #tpu.memory_space<hbm>> -> memref<1x1x10000xf32, #tpu.memory_space<hbm>>
      %dma_wait3A_105 = tpu.memref_squeeze %dma_wait3A_104 : memref<1x1x10000xf32, #tpu.memory_space<hbm>> -> memref<10000xf32, #tpu.memory_space<hbm>>
      tpu.wait_dma2 semaphore(%run_scoped3A : memref<!tpu.dma_semaphore, #tpu.memory_space<semaphore_mem>>) src(%arg8 : memref<10000xf32, #tpu.memory_space<vmem>>) dst(%dma_wait3A_105 : memref<10000xf32, #tpu.memory_space<hbm>>)
      tpu.yield
    }) : () -> ()
    %add3A_84 = arith.constant 0 : i32
    %add3A_85 = arith.addi %mul3A_32, %add3A_84 : i32
    %add3A_86 = arith.constant 16 : i32
    %add3A_87 = arith.addi %add3A_85, %add3A_86 : i32
    "tpu.region"() ({
      %run_scoped3A = tpu.sem_alloc : memref<!tpu.dma_semaphore, #tpu.memory_space<semaphore_mem>>
      %dma_start3A_94 = arith.constant 0 : i32
      %dma_start3A_95 = tpu.memref_slice %arg5[%select_n3A_9, %add3A_87, %dma_start3A_94] : memref<4x32x10000xf32, #tpu.memory_space<hbm>> -> memref<1x1x10000xf32, #tpu.memory_space<hbm>>
      %dma_start3A_96 = tpu.memref_squeeze %dma_start3A_95 : memref<1x1x10000xf32, #tpu.memory_space<hbm>> -> memref<10000xf32, #tpu.memory_space<hbm>>
      %dma_start3A_97 = arith.constant 0 : i32
      %dma_start3A_98 = tpu.memref_slice %arg5[%select_n3A_9, %add3A_87, %dma_start3A_97] : memref<4x32x10000xf32, #tpu.memory_space<hbm>> -> memref<1x1x10000xf32, #tpu.memory_space<hbm>>
      %dma_start3A_99 = tpu.memref_squeeze %dma_start3A_98 : memref<1x1x10000xf32, #tpu.memory_space<hbm>> -> memref<10000xf32, #tpu.memory_space<hbm>>
      tpu.enqueue_dma source(%arg9 : memref<10000xf32, #tpu.memory_space<vmem>>) target(%dma_start3A_99 : memref<10000xf32, #tpu.memory_space<hbm>>) target_semaphore(%run_scoped3A : memref<!tpu.dma_semaphore, #tpu.memory_space<semaphore_mem>>)
      %dma_wait3A_100 = arith.constant 0 : i32
      %dma_wait3A_101 = tpu.memref_slice %arg5[%select_n3A_9, %add3A_87, %dma_wait3A_100] : memref<4x32x10000xf32, #tpu.memory_space<hbm>> -> memref<1x1x10000xf32, #tpu.memory_space<hbm>>
      %dma_wait3A_102 = tpu.memref_squeeze %dma_wait3A_101 : memref<1x1x10000xf32, #tpu.memory_space<hbm>> -> memref<10000xf32, #tpu.memory_space<hbm>>
      %dma_wait3A_103 = arith.constant 0 : i32
      %dma_wait3A_104 = tpu.memref_slice %arg5[%select_n3A_9, %add3A_87, %dma_wait3A_103] : memref<4x32x10000xf32, #tpu.memory_space<hbm>> -> memref<1x1x10000xf32, #tpu.memory_space<hbm>>
      %dma_wait3A_105 = tpu.memref_squeeze %dma_wait3A_104 : memref<1x1x10000xf32, #tpu.memory_space<hbm>> -> memref<10000xf32, #tpu.memory_space<hbm>>
      tpu.wait_dma2 semaphore(%run_scoped3A : memref<!tpu.dma_semaphore, #tpu.memory_space<semaphore_mem>>) src(%arg9 : memref<10000xf32, #tpu.memory_space<vmem>>) dst(%dma_wait3A_105 : memref<10000xf32, #tpu.memory_space<hbm>>)
      tpu.yield
    }) : () -> ()
    %add3A_88 = arith.constant 1 : i32
    %add3A_89 = arith.addi %mul3A_32, %add3A_88 : i32
    "tpu.region"() ({
      %run_scoped3A = tpu.sem_alloc : memref<!tpu.dma_semaphore, #tpu.memory_space<semaphore_mem>>
      %dma_start3A_94 = arith.constant 0 : i32
      %dma_start3A_95 = tpu.memref_slice %arg5[%select_n3A_9, %add3A_89, %dma_start3A_94] : memref<4x32x10000xf32, #tpu.memory_space<hbm>> -> memref<1x1x10000xf32, #tpu.memory_space<hbm>>
      %dma_start3A_96 = tpu.memref_squeeze %dma_start3A_95 : memref<1x1x10000xf32, #tpu.memory_space<hbm>> -> memref<10000xf32, #tpu.memory_space<hbm>>
      %dma_start3A_97 = arith.constant 0 : i32
      %dma_start3A_98 = tpu.memref_slice %arg5[%select_n3A_9, %add3A_89, %dma_start3A_97] : memref<4x32x10000xf32, #tpu.memory_space<hbm>> -> memref<1x1x10000xf32, #tpu.memory_space<hbm>>
      %dma_start3A_99 = tpu.memref_squeeze %dma_start3A_98 : memref<1x1x10000xf32, #tpu.memory_space<hbm>> -> memref<10000xf32, #tpu.memory_space<hbm>>
      tpu.enqueue_dma source(%arg10 : memref<10000xf32, #tpu.memory_space<vmem>>) target(%dma_start3A_99 : memref<10000xf32, #tpu.memory_space<hbm>>) target_semaphore(%run_scoped3A : memref<!tpu.dma_semaphore, #tpu.memory_space<semaphore_mem>>)
      %dma_wait3A_100 = arith.constant 0 : i32
      %dma_wait3A_101 = tpu.memref_slice %arg5[%select_n3A_9, %add3A_89, %dma_wait3A_100] : memref<4x32x10000xf32, #tpu.memory_space<hbm>> -> memref<1x1x10000xf32, #tpu.memory_space<hbm>>
      %dma_wait3A_102 = tpu.memref_squeeze %dma_wait3A_101 : memref<1x1x10000xf32, #tpu.memory_space<hbm>> -> memref<10000xf32, #tpu.memory_space<hbm>>
      %dma_wait3A_103 = arith.constant 0 : i32
      %dma_wait3A_104 = tpu.memref_slice %arg5[%select_n3A_9, %add3A_89, %dma_wait3A_103] : memref<4x32x10000xf32, #tpu.memory_space<hbm>> -> memref<1x1x10000xf32, #tpu.memory_space<hbm>>
      %dma_wait3A_105 = tpu.memref_squeeze %dma_wait3A_104 : memref<1x1x10000xf32, #tpu.memory_space<hbm>> -> memref<10000xf32, #tpu.memory_space<hbm>>
      tpu.wait_dma2 semaphore(%run_scoped3A : memref<!tpu.dma_semaphore, #tpu.memory_space<semaphore_mem>>) src(%arg10 : memref<10000xf32, #tpu.memory_space<vmem>>) dst(%dma_wait3A_105 : memref<10000xf32, #tpu.memory_space<hbm>>)
      tpu.yield
    }) : () -> ()
    %add3A_90 = arith.constant 1 : i32
    %add3A_91 = arith.addi %mul3A_32, %add3A_90 : i32
    %add3A_92 = arith.constant 16 : i32
    %add3A_93 = arith.addi %add3A_91, %add3A_92 : i32
    "tpu.region"() ({
      %run_scoped3A = tpu.sem_alloc : memref<!tpu.dma_semaphore, #tpu.memory_space<semaphore_mem>>
      %dma_start3A_94 = arith.constant 0 : i32
      %dma_start3A_95 = tpu.memref_slice %arg5[%select_n3A_9, %add3A_93, %dma_start3A_94] : memref<4x32x10000xf32, #tpu.memory_space<hbm>> -> memref<1x1x10000xf32, #tpu.memory_space<hbm>>
      %dma_start3A_96 = tpu.memref_squeeze %dma_start3A_95 : memref<1x1x10000xf32, #tpu.memory_space<hbm>> -> memref<10000xf32, #tpu.memory_space<hbm>>
      %dma_start3A_97 = arith.constant 0 : i32
      %dma_start3A_98 = tpu.memref_slice %arg5[%select_n3A_9, %add3A_93, %dma_start3A_97] : memref<4x32x10000xf32, #tpu.memory_space<hbm>> -> memref<1x1x10000xf32, #tpu.memory_space<hbm>>
      %dma_start3A_99 = tpu.memref_squeeze %dma_start3A_98 : memref<1x1x10000xf32, #tpu.memory_space<hbm>> -> memref<10000xf32, #tpu.memory_space<hbm>>
      tpu.enqueue_dma source(%arg11 : memref<10000xf32, #tpu.memory_space<vmem>>) target(%dma_start3A_99 : memref<10000xf32, #tpu.memory_space<hbm>>) target_semaphore(%run_scoped3A : memref<!tpu.dma_semaphore, #tpu.memory_space<semaphore_mem>>)
      %dma_wait3A_100 = arith.constant 0 : i32
      %dma_wait3A_101 = tpu.memref_slice %arg5[%select_n3A_9, %add3A_93, %dma_wait3A_100] : memref<4x32x10000xf32, #tpu.memory_space<hbm>> -> memref<1x1x10000xf32, #tpu.memory_space<hbm>>
      %dma_wait3A_102 = tpu.memref_squeeze %dma_wait3A_101 : memref<1x1x10000xf32, #tpu.memory_space<hbm>> -> memref<10000xf32, #tpu.memory_space<hbm>>
      %dma_wait3A_103 = arith.constant 0 : i32
      %dma_wait3A_104 = tpu.memref_slice %arg5[%select_n3A_9, %add3A_93, %dma_wait3A_103] : memref<4x32x10000xf32, #tpu.memory_space<hbm>> -> memref<1x1x10000xf32, #tpu.memory_space<hbm>>
      %dma_wait3A_105 = tpu.memref_squeeze %dma_wait3A_104 : memref<1x1x10000xf32, #tpu.memory_space<hbm>> -> memref<10000xf32, #tpu.memory_space<hbm>>
      tpu.wait_dma2 semaphore(%run_scoped3A : memref<!tpu.dma_semaphore, #tpu.memory_space<semaphore_mem>>) src(%arg11 : memref<10000xf32, #tpu.memory_space<vmem>>) dst(%dma_wait3A_105 : memref<10000xf32, #tpu.memory_space<hbm>>)
      tpu.yield
    }) : () -> ()
    return
  }
}

#map = affine_map<(d0, d1) -> (0, 0)>
#map1 = affine_map<(d0, d1) -> (0)>
#map2 = affine_map<(d0, d1) -> (0, 0, 0)>
module attributes {stable_mosaic.version = 14 : i64} {
  func.func @agg_kernel(%arg0: i32, %arg1: i32, %arg2: memref<1x10000xi32, #tpu.memory_space<hbm>>, %arg3: memref<320000xi32, #tpu.memory_space<hbm>>, %arg4: memref<320000xf32, #tpu.memory_space<hbm>>, %arg5: memref<32x2x10000xf32, #tpu.memory_space<hbm>>, %arg6: memref<10000xi32, #tpu.memory_space<vmem>>, %arg7: memref<10000xf32, #tpu.memory_space<vmem>>, %arg8: memref<10000xf32, #tpu.memory_space<vmem>>, %arg9: memref<10000xi32, #tpu.memory_space<vmem>>, %arg10: memref<10000xf32, #tpu.memory_space<vmem>>, %arg11: memref<!tpu.dma_semaphore, #tpu.memory_space<semaphore_mem>>, %arg12: memref<!tpu.dma_semaphore, #tpu.memory_space<semaphore_mem>>) attributes {dimension_semantics = [#tpu.dimension_semantics<core_parallel>, #tpu.dimension_semantics<subcore_parallel>], iteration_bounds = array<i64: 2, 16>, scalar_prefetch = 0 : i64, scratch_operands = 7 : i64, tpu.core_type = #tpu.core_type<sc_vector_subcore>, window_params = [{transform_indices = #map}, {transform_indices = #map1}, {transform_indices = #map1}, {transform_indices = #map2}]} {
    %mul3A = arith.constant 2 : i32
    %mul3A_0 = arith.muli %arg1, %mul3A : i32
    %add3A = arith.addi %mul3A_0, %arg0 : i32
    %jit3A = arith.constant 32 : i32
    %eq3A = arith.constant 0 : i32
    %eq3A_1 = arith.cmpi eq, %jit3A, %eq3A : i32
    %jit3A_2 = arith.constant 1 : i32
    %select_n3A = arith.select %eq3A_1, %jit3A_2, %jit3A : i32
    %rem3A = arith.remsi %add3A, %select_n3A : i32
    %ne3A = arith.constant 0 : i32
    %ne3A_3 = arith.cmpi ne, %rem3A, %ne3A : i32
    %lt3A = arith.constant 0 : i32
    %lt3A_4 = arith.cmpi slt, %rem3A, %lt3A : i32
    %lt3A_5 = arith.constant 0 : i32
    %lt3A_6 = arith.cmpi slt, %select_n3A, %lt3A_5 : i32
    %ne3A_7 = arith.xori %lt3A_4, %lt3A_6 : i1
    %and3A = arith.andi %ne3A_7, %ne3A_3 : i1
    %add3A_8 = arith.addi %rem3A, %select_n3A : i32
    %select_n3A_9 = arith.select %and3A, %add3A_8, %rem3A : i32
    %jit3A_10 = arith.constant 32 : i32
    %div3A = arith.divsi %add3A, %jit3A_10 : i32
    %sign3A = arith.constant 0 : i32
    %sign3A_11 = arith.cmpi sgt, %add3A, %sign3A : i32
    %sign3A_12 = arith.extui %sign3A_11 : i1 to i32
    %sign3A_13 = arith.constant 0 : i32
    %sign3A_14 = arith.cmpi slt, %add3A, %sign3A_13 : i32
    %sign3A_15 = arith.extui %sign3A_14 : i1 to i32
    %sign3A_16 = arith.subi %sign3A_12, %sign3A_15 : i32
    %sign3A_17 = arith.constant 0 : i32
    %sign3A_18 = arith.cmpi sgt, %jit3A_10, %sign3A_17 : i32
    %sign3A_19 = arith.extui %sign3A_18 : i1 to i32
    %sign3A_20 = arith.constant 0 : i32
    %sign3A_21 = arith.cmpi slt, %jit3A_10, %sign3A_20 : i32
    %sign3A_22 = arith.extui %sign3A_21 : i1 to i32
    %sign3A_23 = arith.subi %sign3A_19, %sign3A_22 : i32
    %ne3A_24 = arith.cmpi ne, %sign3A_16, %sign3A_23 : i32
    %rem3A_25 = arith.remsi %add3A, %jit3A_10 : i32
    %ne3A_26 = arith.constant 0 : i32
    %ne3A_27 = arith.cmpi ne, %rem3A_25, %ne3A_26 : i32
    %and3A_28 = arith.andi %ne3A_24, %ne3A_27 : i1
    %sub3A = arith.constant 1 : i32
    %sub3A_29 = arith.subi %div3A, %sub3A : i32
    %select_n3A_30 = arith.select %and3A_28, %sub3A_29, %div3A : i32
    %mul3A_31 = arith.constant 1 : i32
    %mul3A_32 = arith.muli %select_n3A_30, %mul3A_31 : i32
    %mul3A_33 = arith.constant 10000 : i32
    %mul3A_34 = arith.muli %select_n3A_9, %mul3A_33 : i32
    %add3A_35 = arith.constant 0 : i32
    %add3A_36 = arith.addi %mul3A_34, %add3A_35 : i32
    %dma_start3A = tpu.memref_slice %arg3[%add3A_36] : memref<320000xi32, #tpu.memory_space<hbm>> -> memref<10000xi32, #tpu.memory_space<hbm>>
    %dma_start3A_37 = tpu.memref_slice %arg3[%add3A_36] : memref<320000xi32, #tpu.memory_space<hbm>> -> memref<10000xi32, #tpu.memory_space<hbm>>
    tpu.enqueue_dma source(%dma_start3A_37 : memref<10000xi32, #tpu.memory_space<hbm>>) target(%arg9 : memref<10000xi32, #tpu.memory_space<vmem>>) target_semaphore(%arg11 : memref<!tpu.dma_semaphore, #tpu.memory_space<semaphore_mem>>)
    %dma_start3A_38 = tpu.memref_slice %arg4[%add3A_36] : memref<320000xf32, #tpu.memory_space<hbm>> -> memref<10000xf32, #tpu.memory_space<hbm>>
    %dma_start3A_39 = tpu.memref_slice %arg4[%add3A_36] : memref<320000xf32, #tpu.memory_space<hbm>> -> memref<10000xf32, #tpu.memory_space<hbm>>
    tpu.enqueue_dma source(%dma_start3A_39 : memref<10000xf32, #tpu.memory_space<hbm>>) target(%arg10 : memref<10000xf32, #tpu.memory_space<vmem>>) target_semaphore(%arg11 : memref<!tpu.dma_semaphore, #tpu.memory_space<semaphore_mem>>)
    %add3A_40 = arith.constant 0 : i32
    %add3A_41 = arith.addi %mul3A_32, %add3A_40 : i32
    %dma_start3A_42 = arith.constant 0 : i32
    %dma_start3A_43 = tpu.memref_slice %arg2[%add3A_41, %dma_start3A_42] : memref<1x10000xi32, #tpu.memory_space<hbm>> -> memref<1x10000xi32, #tpu.memory_space<hbm>>
    %dma_start3A_44 = tpu.memref_squeeze %dma_start3A_43 : memref<1x10000xi32, #tpu.memory_space<hbm>> -> memref<10000xi32, #tpu.memory_space<hbm>>
    %dma_start3A_45 = arith.constant 0 : i32
    %dma_start3A_46 = tpu.memref_slice %arg2[%add3A_41, %dma_start3A_45] : memref<1x10000xi32, #tpu.memory_space<hbm>> -> memref<1x10000xi32, #tpu.memory_space<hbm>>
    %dma_start3A_47 = tpu.memref_squeeze %dma_start3A_46 : memref<1x10000xi32, #tpu.memory_space<hbm>> -> memref<10000xi32, #tpu.memory_space<hbm>>
    tpu.enqueue_dma source(%dma_start3A_47 : memref<10000xi32, #tpu.memory_space<hbm>>) target(%arg6 : memref<10000xi32, #tpu.memory_space<vmem>>) target_semaphore(%arg12 : memref<!tpu.dma_semaphore, #tpu.memory_space<semaphore_mem>>)
    %broadcast_in_dim3A = arith.constant 0.000000e+00 : f32
    %broadcast_in_dim3A_48 = vector.broadcast %broadcast_in_dim3A : f32 to vector<16xf32>
    %parallel_loop3A = arith.constant 0 : i32
    %parallel_loop3A_49 = arith.constant 10000 : i32
    %parallel_loop3A_50 = arith.constant 16 : i32
    scf.for %parallel_loop3A_80 = %parallel_loop3A to %parallel_loop3A_49 step %parallel_loop3A_50  : i32 {
      %parallel_loop3A_81 = arith.index_cast %parallel_loop3A_80 : i32 to index
      %parallel_loop3A_82 = tpu.vector_load %arg7[%parallel_loop3A_81] {strides = array<i32>} : memref<10000xf32, #tpu.memory_space<vmem>>, vector<16xf32>,
      tpu.vector_store %arg7[%parallel_loop3A_81], %broadcast_in_dim3A_48 {strides = array<i32>} : memref<10000xf32, #tpu.memory_space<vmem>>, vector<16xf32>,
      %parallel_loop3A_83 = arith.index_cast %parallel_loop3A_80 : i32 to index
      %parallel_loop3A_84 = tpu.vector_load %arg8[%parallel_loop3A_83] {strides = array<i32>} : memref<10000xf32, #tpu.memory_space<vmem>>, vector<16xf32>,
      tpu.vector_store %arg8[%parallel_loop3A_83], %broadcast_in_dim3A_48 {strides = array<i32>} : memref<10000xf32, #tpu.memory_space<vmem>>, vector<16xf32>,
    } {sc.loop_unroll_factor = 4 : i64, sc.parallel_access}
    %dma_wait3A = arith.constant 0 : i32
    %dma_wait3A_51 = tpu.memref_slice %arg2[%add3A_41, %dma_wait3A] : memref<1x10000xi32, #tpu.memory_space<hbm>> -> memref<1x10000xi32, #tpu.memory_space<hbm>>
    %dma_wait3A_52 = tpu.memref_squeeze %dma_wait3A_51 : memref<1x10000xi32, #tpu.memory_space<hbm>> -> memref<10000xi32, #tpu.memory_space<hbm>>
    %dma_wait3A_53 = arith.constant 0 : i32
    %dma_wait3A_54 = tpu.memref_slice %arg2[%add3A_41, %dma_wait3A_53] : memref<1x10000xi32, #tpu.memory_space<hbm>> -> memref<1x10000xi32, #tpu.memory_space<hbm>>
    %dma_wait3A_55 = tpu.memref_squeeze %dma_wait3A_54 : memref<1x10000xi32, #tpu.memory_space<hbm>> -> memref<10000xi32, #tpu.memory_space<hbm>>
    tpu.wait_dma2 semaphore(%arg12 : memref<!tpu.dma_semaphore, #tpu.memory_space<semaphore_mem>>) src(%dma_wait3A_55 : memref<10000xi32, #tpu.memory_space<hbm>>) dst(%arg6 : memref<10000xi32, #tpu.memory_space<vmem>>)
    %scan3A = arith.constant 0 : i32
    %scan3A_56 = arith.constant 0 : i32
    %mul3A_57 = arith.constant 10000 : i32
    %mul3A_58 = arith.muli %scan3A_56, %mul3A_57 : i32
    %add3A_59 = arith.addi %mul3A_34, %mul3A_58 : i32
    %dma_wait3A_60 = tpu.memref_slice %arg3[%add3A_59] : memref<320000xi32, #tpu.memory_space<hbm>> -> memref<10000xi32, #tpu.memory_space<hbm>>
    %dma_wait3A_61 = tpu.memref_slice %arg3[%add3A_59] : memref<320000xi32, #tpu.memory_space<hbm>> -> memref<10000xi32, #tpu.memory_space<hbm>>
    tpu.wait_dma2 semaphore(%arg11 : memref<!tpu.dma_semaphore, #tpu.memory_space<semaphore_mem>>) src(%dma_wait3A_61 : memref<10000xi32, #tpu.memory_space<hbm>>) dst(%arg9 : memref<10000xi32, #tpu.memory_space<vmem>>)
    %dma_wait3A_62 = tpu.memref_slice %arg4[%add3A_59] : memref<320000xf32, #tpu.memory_space<hbm>> -> memref<10000xf32, #tpu.memory_space<hbm>>
    %dma_wait3A_63 = tpu.memref_slice %arg4[%add3A_59] : memref<320000xf32, #tpu.memory_space<hbm>> -> memref<10000xf32, #tpu.memory_space<hbm>>
    tpu.wait_dma2 semaphore(%arg11 : memref<!tpu.dma_semaphore, #tpu.memory_space<semaphore_mem>>) src(%dma_wait3A_63 : memref<10000xf32, #tpu.memory_space<hbm>>) dst(%arg10 : memref<10000xf32, #tpu.memory_space<vmem>>)
    %parallel_loop3A_64 = arith.constant 0 : i32
    %parallel_loop3A_65 = arith.constant 10000 : i32
    %parallel_loop3A_66 = arith.constant 16 : i32
    scf.for %parallel_loop3A_80 = %parallel_loop3A_64 to %parallel_loop3A_65 step %parallel_loop3A_66  : i32 {
      %parallel_loop3A_81 = arith.index_cast %parallel_loop3A_80 : i32 to index
      %parallel_loop3A_82 = tpu.vector_load %arg9[%parallel_loop3A_81] {strides = array<i32>} : memref<10000xi32, #tpu.memory_space<vmem>>, vector<16xi32>,
      %parallel_loop3A_83 = arith.constant 65535 : i32
      %parallel_loop3A_84 = vector.broadcast %parallel_loop3A_83 : i32 to vector<16xi32>
      %parallel_loop3A_85 = arith.andi %parallel_loop3A_82, %parallel_loop3A_84 : vector<16xi32>
      %parallel_loop3A_86 = arith.constant 16 : i32
      %parallel_loop3A_87 = vector.broadcast %parallel_loop3A_86 : i32 to vector<16xi32>
      %parallel_loop3A_88 = arith.shrsi %parallel_loop3A_82, %parallel_loop3A_87 : vector<16xi32>
      %parallel_loop3A_89 = arith.index_cast %parallel_loop3A_80 : i32 to index
      %parallel_loop3A_90 = tpu.vector_load %arg10[%parallel_loop3A_89] {strides = array<i32>} : memref<10000xf32, #tpu.memory_space<vmem>>, vector<16xf32>,
      %parallel_loop3A_91 = tpu.vector_load_idx %arg6[%parallel_loop3A_85] : memref<10000xi32, #tpu.memory_space<vmem>>[vector<16xi32>], vector<16xi32>,
      %parallel_loop3A_92 = arith.constant 16 : i32
      %parallel_loop3A_93 = vector.broadcast %parallel_loop3A_92 : i32 to vector<16xi32>
      %parallel_loop3A_94 = arith.shli %parallel_loop3A_91, %parallel_loop3A_93 : vector<16xi32>
      %parallel_loop3A_95 = vector.bitcast %parallel_loop3A_94 : vector<16xi32> to vector<16xf32>
      %parallel_loop3A_96 = arith.constant -65536 : i32
      %parallel_loop3A_97 = vector.broadcast %parallel_loop3A_96 : i32 to vector<16xi32>
      %parallel_loop3A_98 = arith.andi %parallel_loop3A_91, %parallel_loop3A_97 : vector<16xi32>
      %parallel_loop3A_99 = vector.bitcast %parallel_loop3A_98 : vector<16xi32> to vector<16xf32>
      %parallel_loop3A_100 = arith.mulf %parallel_loop3A_95, %parallel_loop3A_90 : vector<16xf32>
      tpu.vector_store_idx %arg7[%parallel_loop3A_88], %parallel_loop3A_100 {add = true} : memref<10000xf32, #tpu.memory_space<vmem>>[vector<16xi32>], vector<16xf32>,
      %parallel_loop3A_101 = arith.mulf %parallel_loop3A_99, %parallel_loop3A_90 : vector<16xf32>
      tpu.vector_store_idx %arg8[%parallel_loop3A_88], %parallel_loop3A_101 {add = true} : memref<10000xf32, #tpu.memory_space<vmem>>[vector<16xi32>], vector<16xf32>,
    } {sc.loop_unroll_factor = 8 : i64, sc.parallel_access}
    %add3A_67 = arith.constant 1 : i32
    %add3A_68 = arith.addi %scan3A_56, %add3A_67 : i32
    %lt3A_69 = arith.constant 1 : i32
    %lt3A_70 = arith.cmpi slt, %add3A_68, %lt3A_69 : i32
    %convert_element_type3A = arith.extui %lt3A_70 : i1 to i32
    %cond3A = arith.constant 0 : i32
    %cond3A_71 = arith.cmpi ne, %convert_element_type3A, %cond3A : i32
    scf.if %cond3A_71 {
      %add3A_80 = arith.constant 1 : i32
      %add3A_81 = arith.addi %scan3A_56, %add3A_80 : i32
      %mul3A_82 = arith.constant 10000 : i32
      %mul3A_83 = arith.muli %add3A_81, %mul3A_82 : i32
      %add3A_84 = arith.addi %mul3A_34, %mul3A_83 : i32
      %dma_start3A_85 = tpu.memref_slice %arg3[%add3A_84] : memref<320000xi32, #tpu.memory_space<hbm>> -> memref<10000xi32, #tpu.memory_space<hbm>>
      %dma_start3A_86 = tpu.memref_slice %arg3[%add3A_84] : memref<320000xi32, #tpu.memory_space<hbm>> -> memref<10000xi32, #tpu.memory_space<hbm>>
      tpu.enqueue_dma source(%dma_start3A_86 : memref<10000xi32, #tpu.memory_space<hbm>>) target(%arg9 : memref<10000xi32, #tpu.memory_space<vmem>>) target_semaphore(%arg11 : memref<!tpu.dma_semaphore, #tpu.memory_space<semaphore_mem>>)
      %dma_start3A_87 = tpu.memref_slice %arg4[%add3A_84] : memref<320000xf32, #tpu.memory_space<hbm>> -> memref<10000xf32, #tpu.memory_space<hbm>>
      %dma_start3A_88 = tpu.memref_slice %arg4[%add3A_84] : memref<320000xf32, #tpu.memory_space<hbm>> -> memref<10000xf32, #tpu.memory_space<hbm>>
      tpu.enqueue_dma source(%dma_start3A_88 : memref<10000xf32, #tpu.memory_space<hbm>>) target(%arg10 : memref<10000xf32, #tpu.memory_space<vmem>>) target_semaphore(%arg11 : memref<!tpu.dma_semaphore, #tpu.memory_space<semaphore_mem>>)
    } else {
    }
    %scan3A_72 = arith.constant 0 : i32
    %scan3A_73 = arith.constant 1 : i32
    %add3A_74 = arith.constant 0 : i32
    %add3A_75 = arith.addi %mul3A_32, %add3A_74 : i32
    "tpu.region"() ({
      %run_scoped3A = tpu.sem_alloc : memref<!tpu.dma_semaphore, #tpu.memory_space<semaphore_mem>>
      %dma_start3A_80 = arith.constant 0 : i32
      %dma_start3A_81 = tpu.memref_slice %arg5[%select_n3A_9, %add3A_75, %dma_start3A_80] : memref<32x2x10000xf32, #tpu.memory_space<hbm>> -> memref<1x1x10000xf32, #tpu.memory_space<hbm>>
      %dma_start3A_82 = tpu.memref_squeeze %dma_start3A_81 : memref<1x1x10000xf32, #tpu.memory_space<hbm>> -> memref<10000xf32, #tpu.memory_space<hbm>>
      %dma_start3A_83 = arith.constant 0 : i32
      %dma_start3A_84 = tpu.memref_slice %arg5[%select_n3A_9, %add3A_75, %dma_start3A_83] : memref<32x2x10000xf32, #tpu.memory_space<hbm>> -> memref<1x1x10000xf32, #tpu.memory_space<hbm>>
      %dma_start3A_85 = tpu.memref_squeeze %dma_start3A_84 : memref<1x1x10000xf32, #tpu.memory_space<hbm>> -> memref<10000xf32, #tpu.memory_space<hbm>>
      tpu.enqueue_dma source(%arg7 : memref<10000xf32, #tpu.memory_space<vmem>>) target(%dma_start3A_85 : memref<10000xf32, #tpu.memory_space<hbm>>) target_semaphore(%run_scoped3A : memref<!tpu.dma_semaphore, #tpu.memory_space<semaphore_mem>>)
      %dma_wait3A_86 = arith.constant 0 : i32
      %dma_wait3A_87 = tpu.memref_slice %arg5[%select_n3A_9, %add3A_75, %dma_wait3A_86] : memref<32x2x10000xf32, #tpu.memory_space<hbm>> -> memref<1x1x10000xf32, #tpu.memory_space<hbm>>
      %dma_wait3A_88 = tpu.memref_squeeze %dma_wait3A_87 : memref<1x1x10000xf32, #tpu.memory_space<hbm>> -> memref<10000xf32, #tpu.memory_space<hbm>>
      %dma_wait3A_89 = arith.constant 0 : i32
      %dma_wait3A_90 = tpu.memref_slice %arg5[%select_n3A_9, %add3A_75, %dma_wait3A_89] : memref<32x2x10000xf32, #tpu.memory_space<hbm>> -> memref<1x1x10000xf32, #tpu.memory_space<hbm>>
      %dma_wait3A_91 = tpu.memref_squeeze %dma_wait3A_90 : memref<1x1x10000xf32, #tpu.memory_space<hbm>> -> memref<10000xf32, #tpu.memory_space<hbm>>
      tpu.wait_dma2 semaphore(%run_scoped3A : memref<!tpu.dma_semaphore, #tpu.memory_space<semaphore_mem>>) src(%arg7 : memref<10000xf32, #tpu.memory_space<vmem>>) dst(%dma_wait3A_91 : memref<10000xf32, #tpu.memory_space<hbm>>)
      tpu.yield
    }) : () -> ()
    %add3A_76 = arith.constant 0 : i32
    %add3A_77 = arith.addi %mul3A_32, %add3A_76 : i32
    %add3A_78 = arith.constant 1 : i32
    %add3A_79 = arith.addi %add3A_77, %add3A_78 : i32
    "tpu.region"() ({
      %run_scoped3A = tpu.sem_alloc : memref<!tpu.dma_semaphore, #tpu.memory_space<semaphore_mem>>
      %dma_start3A_80 = arith.constant 0 : i32
      %dma_start3A_81 = tpu.memref_slice %arg5[%select_n3A_9, %add3A_79, %dma_start3A_80] : memref<32x2x10000xf32, #tpu.memory_space<hbm>> -> memref<1x1x10000xf32, #tpu.memory_space<hbm>>
      %dma_start3A_82 = tpu.memref_squeeze %dma_start3A_81 : memref<1x1x10000xf32, #tpu.memory_space<hbm>> -> memref<10000xf32, #tpu.memory_space<hbm>>
      %dma_start3A_83 = arith.constant 0 : i32
      %dma_start3A_84 = tpu.memref_slice %arg5[%select_n3A_9, %add3A_79, %dma_start3A_83] : memref<32x2x10000xf32, #tpu.memory_space<hbm>> -> memref<1x1x10000xf32, #tpu.memory_space<hbm>>
      %dma_start3A_85 = tpu.memref_squeeze %dma_start3A_84 : memref<1x1x10000xf32, #tpu.memory_space<hbm>> -> memref<10000xf32, #tpu.memory_space<hbm>>
      tpu.enqueue_dma source(%arg8 : memref<10000xf32, #tpu.memory_space<vmem>>) target(%dma_start3A_85 : memref<10000xf32, #tpu.memory_space<hbm>>) target_semaphore(%run_scoped3A : memref<!tpu.dma_semaphore, #tpu.memory_space<semaphore_mem>>)
      %dma_wait3A_86 = arith.constant 0 : i32
      %dma_wait3A_87 = tpu.memref_slice %arg5[%select_n3A_9, %add3A_79, %dma_wait3A_86] : memref<32x2x10000xf32, #tpu.memory_space<hbm>> -> memref<1x1x10000xf32, #tpu.memory_space<hbm>>
      %dma_wait3A_88 = tpu.memref_squeeze %dma_wait3A_87 : memref<1x1x10000xf32, #tpu.memory_space<hbm>> -> memref<10000xf32, #tpu.memory_space<hbm>>
      %dma_wait3A_89 = arith.constant 0 : i32
      %dma_wait3A_90 = tpu.memref_slice %arg5[%select_n3A_9, %add3A_79, %dma_wait3A_89] : memref<32x2x10000xf32, #tpu.memory_space<hbm>> -> memref<1x1x10000xf32, #tpu.memory_space<hbm>>
      %dma_wait3A_91 = tpu.memref_squeeze %dma_wait3A_90 : memref<1x1x10000xf32, #tpu.memory_space<hbm>> -> memref<10000xf32, #tpu.memory_space<hbm>>
      tpu.wait_dma2 semaphore(%run_scoped3A : memref<!tpu.dma_semaphore, #tpu.memory_space<semaphore_mem>>) src(%arg8 : memref<10000xf32, #tpu.memory_space<vmem>>) dst(%dma_wait3A_91 : memref<10000xf32, #tpu.memory_space<hbm>>)
      tpu.yield
    }) : () -> ()
    return
  }
}

#map = affine_map<(d0, d1) -> (0)>
#map1 = affine_map<(d0, d1) -> (0, 0)>
module attributes {stable_mosaic.version = 14 : i64} {
  func.func @deg_kernel(%arg0: i32, %arg1: i32, %arg2: memref<320000xi32, #tpu.memory_space<hbm>>, %arg3: memref<320000xi32, #tpu.memory_space<hbm>>, %arg4: memref<320000xf32, #tpu.memory_space<hbm>>, %arg5: memref<32x10000xf32, #tpu.memory_space<hbm>>, %arg6: memref<320000xi32, #tpu.memory_space<hbm>>, %arg7: memref<10000xf32, #tpu.memory_space<vmem>>, %arg8: memref<10000xi32, #tpu.memory_space<vmem>>, %arg9: memref<10000xi32, #tpu.memory_space<vmem>>, %arg10: memref<10000xf32, #tpu.memory_space<vmem>>, %arg11: memref<10000xi32, #tpu.memory_space<vmem>>, %arg12: memref<!tpu.dma_semaphore, #tpu.memory_space<semaphore_mem>>) attributes {dimension_semantics = [#tpu.dimension_semantics<core_parallel>, #tpu.dimension_semantics<subcore_parallel>], iteration_bounds = array<i64: 2, 16>, scalar_prefetch = 0 : i64, scratch_operands = 6 : i64, tpu.core_type = #tpu.core_type<sc_vector_subcore>, window_params = [{transform_indices = #map}, {transform_indices = #map}, {transform_indices = #map}, {transform_indices = #map1}, {transform_indices = #map}]} {
    %mul3A = arith.constant 2 : i32
    %mul3A_0 = arith.muli %arg1, %mul3A : i32
    %add3A = arith.addi %mul3A_0, %arg0 : i32
    %mul3A_1 = arith.constant 10000 : i32
    %mul3A_2 = arith.muli %add3A, %mul3A_1 : i32
    %dma_start3A = tpu.memref_slice %arg2[%mul3A_2] : memref<320000xi32, #tpu.memory_space<hbm>> -> memref<10000xi32, #tpu.memory_space<hbm>>
    %dma_start3A_3 = tpu.memref_slice %arg2[%mul3A_2] : memref<320000xi32, #tpu.memory_space<hbm>> -> memref<10000xi32, #tpu.memory_space<hbm>>
    tpu.enqueue_dma source(%dma_start3A_3 : memref<10000xi32, #tpu.memory_space<hbm>>) target(%arg8 : memref<10000xi32, #tpu.memory_space<vmem>>) target_semaphore(%arg12 : memref<!tpu.dma_semaphore, #tpu.memory_space<semaphore_mem>>)
    %dma_start3A_4 = tpu.memref_slice %arg3[%mul3A_2] : memref<320000xi32, #tpu.memory_space<hbm>> -> memref<10000xi32, #tpu.memory_space<hbm>>
    %dma_start3A_5 = tpu.memref_slice %arg3[%mul3A_2] : memref<320000xi32, #tpu.memory_space<hbm>> -> memref<10000xi32, #tpu.memory_space<hbm>>
    tpu.enqueue_dma source(%dma_start3A_5 : memref<10000xi32, #tpu.memory_space<hbm>>) target(%arg9 : memref<10000xi32, #tpu.memory_space<vmem>>) target_semaphore(%arg12 : memref<!tpu.dma_semaphore, #tpu.memory_space<semaphore_mem>>)
    %dma_start3A_6 = tpu.memref_slice %arg4[%mul3A_2] : memref<320000xf32, #tpu.memory_space<hbm>> -> memref<10000xf32, #tpu.memory_space<hbm>>
    %dma_start3A_7 = tpu.memref_slice %arg4[%mul3A_2] : memref<320000xf32, #tpu.memory_space<hbm>> -> memref<10000xf32, #tpu.memory_space<hbm>>
    tpu.enqueue_dma source(%dma_start3A_7 : memref<10000xf32, #tpu.memory_space<hbm>>) target(%arg10 : memref<10000xf32, #tpu.memory_space<vmem>>) target_semaphore(%arg12 : memref<!tpu.dma_semaphore, #tpu.memory_space<semaphore_mem>>)
    %broadcast_in_dim3A = arith.constant 0.000000e+00 : f32
    %broadcast_in_dim3A_8 = vector.broadcast %broadcast_in_dim3A : f32 to vector<16xf32>
    %parallel_loop3A = arith.constant 0 : i32
    %parallel_loop3A_9 = arith.constant 10000 : i32
    %parallel_loop3A_10 = arith.constant 16 : i32
    scf.for %parallel_loop3A_19 = %parallel_loop3A to %parallel_loop3A_9 step %parallel_loop3A_10  : i32 {
      %parallel_loop3A_20 = arith.index_cast %parallel_loop3A_19 : i32 to index
      %parallel_loop3A_21 = tpu.vector_load %arg7[%parallel_loop3A_20] {strides = array<i32>} : memref<10000xf32, #tpu.memory_space<vmem>>, vector<16xf32>,
      tpu.vector_store %arg7[%parallel_loop3A_20], %broadcast_in_dim3A_8 {strides = array<i32>} : memref<10000xf32, #tpu.memory_space<vmem>>, vector<16xf32>,
    } {sc.loop_unroll_factor = 8 : i64, sc.parallel_access}
    %dma_wait3A = tpu.memref_slice %arg2[%mul3A_2] : memref<320000xi32, #tpu.memory_space<hbm>> -> memref<10000xi32, #tpu.memory_space<hbm>>
    %dma_wait3A_11 = tpu.memref_slice %arg2[%mul3A_2] : memref<320000xi32, #tpu.memory_space<hbm>> -> memref<10000xi32, #tpu.memory_space<hbm>>
    tpu.wait_dma2 semaphore(%arg12 : memref<!tpu.dma_semaphore, #tpu.memory_space<semaphore_mem>>) src(%dma_wait3A_11 : memref<10000xi32, #tpu.memory_space<hbm>>) dst(%arg8 : memref<10000xi32, #tpu.memory_space<vmem>>)
    %dma_wait3A_12 = tpu.memref_slice %arg3[%mul3A_2] : memref<320000xi32, #tpu.memory_space<hbm>> -> memref<10000xi32, #tpu.memory_space<hbm>>
    %dma_wait3A_13 = tpu.memref_slice %arg3[%mul3A_2] : memref<320000xi32, #tpu.memory_space<hbm>> -> memref<10000xi32, #tpu.memory_space<hbm>>
    tpu.wait_dma2 semaphore(%arg12 : memref<!tpu.dma_semaphore, #tpu.memory_space<semaphore_mem>>) src(%dma_wait3A_13 : memref<10000xi32, #tpu.memory_space<hbm>>) dst(%arg9 : memref<10000xi32, #tpu.memory_space<vmem>>)
    %dma_wait3A_14 = tpu.memref_slice %arg4[%mul3A_2] : memref<320000xf32, #tpu.memory_space<hbm>> -> memref<10000xf32, #tpu.memory_space<hbm>>
    %dma_wait3A_15 = tpu.memref_slice %arg4[%mul3A_2] : memref<320000xf32, #tpu.memory_space<hbm>> -> memref<10000xf32, #tpu.memory_space<hbm>>
    tpu.wait_dma2 semaphore(%arg12 : memref<!tpu.dma_semaphore, #tpu.memory_space<semaphore_mem>>) src(%dma_wait3A_15 : memref<10000xf32, #tpu.memory_space<hbm>>) dst(%arg10 : memref<10000xf32, #tpu.memory_space<vmem>>)
    %parallel_loop3A_16 = arith.constant 0 : i32
    %parallel_loop3A_17 = arith.constant 10000 : i32
    %parallel_loop3A_18 = arith.constant 16 : i32
    scf.for %parallel_loop3A_19 = %parallel_loop3A_16 to %parallel_loop3A_17 step %parallel_loop3A_18  : i32 {
      %parallel_loop3A_20 = arith.index_cast %parallel_loop3A_19 : i32 to index
      %parallel_loop3A_21 = tpu.vector_load %arg8[%parallel_loop3A_20] {strides = array<i32>} : memref<10000xi32, #tpu.memory_space<vmem>>, vector<16xi32>,
      %parallel_loop3A_22 = arith.index_cast %parallel_loop3A_19 : i32 to index
      %parallel_loop3A_23 = tpu.vector_load %arg9[%parallel_loop3A_22] {strides = array<i32>} : memref<10000xi32, #tpu.memory_space<vmem>>, vector<16xi32>,
      %parallel_loop3A_24 = arith.index_cast %parallel_loop3A_19 : i32 to index
      %parallel_loop3A_25 = tpu.vector_load %arg10[%parallel_loop3A_24] {strides = array<i32>} : memref<10000xf32, #tpu.memory_space<vmem>>, vector<16xf32>,
      %parallel_loop3A_26 = arith.constant 16 : i32
      %parallel_loop3A_27 = vector.broadcast %parallel_loop3A_26 : i32 to vector<16xi32>
      %parallel_loop3A_28 = arith.shli %parallel_loop3A_23, %parallel_loop3A_27 : vector<16xi32>
      %parallel_loop3A_29 = arith.ori %parallel_loop3A_28, %parallel_loop3A_21 : vector<16xi32>
      %parallel_loop3A_30 = arith.index_cast %parallel_loop3A_19 : i32 to index
      %parallel_loop3A_31 = tpu.vector_load %arg11[%parallel_loop3A_30] {strides = array<i32>} : memref<10000xi32, #tpu.memory_space<vmem>>, vector<16xi32>,
      tpu.vector_store %arg11[%parallel_loop3A_30], %parallel_loop3A_29 {strides = array<i32>} : memref<10000xi32, #tpu.memory_space<vmem>>, vector<16xi32>,
      tpu.vector_store_idx %arg7[%parallel_loop3A_23], %parallel_loop3A_25 {add = true} : memref<10000xf32, #tpu.memory_space<vmem>>[vector<16xi32>], vector<16xf32>,
    } {sc.loop_unroll_factor = 8 : i64, sc.parallel_access}
    "tpu.region"() ({
      %run_scoped3A = tpu.sem_alloc : memref<!tpu.dma_semaphore, #tpu.memory_space<semaphore_mem>>
      %dma_start3A_19 = tpu.memref_slice %arg6[%mul3A_2] : memref<320000xi32, #tpu.memory_space<hbm>> -> memref<10000xi32, #tpu.memory_space<hbm>>
      %dma_start3A_20 = tpu.memref_slice %arg6[%mul3A_2] : memref<320000xi32, #tpu.memory_space<hbm>> -> memref<10000xi32, #tpu.memory_space<hbm>>
      tpu.enqueue_dma source(%arg11 : memref<10000xi32, #tpu.memory_space<vmem>>) target(%dma_start3A_20 : memref<10000xi32, #tpu.memory_space<hbm>>) target_semaphore(%run_scoped3A : memref<!tpu.dma_semaphore, #tpu.memory_space<semaphore_mem>>)
      %dma_wait3A_21 = tpu.memref_slice %arg6[%mul3A_2] : memref<320000xi32, #tpu.memory_space<hbm>> -> memref<10000xi32, #tpu.memory_space<hbm>>
      %dma_wait3A_22 = tpu.memref_slice %arg6[%mul3A_2] : memref<320000xi32, #tpu.memory_space<hbm>> -> memref<10000xi32, #tpu.memory_space<hbm>>
      tpu.wait_dma2 semaphore(%run_scoped3A : memref<!tpu.dma_semaphore, #tpu.memory_space<semaphore_mem>>) src(%arg11 : memref<10000xi32, #tpu.memory_space<vmem>>) dst(%dma_wait3A_22 : memref<10000xi32, #tpu.memory_space<hbm>>)
      tpu.yield
    }) : () -> ()
    "tpu.region"() ({
      %run_scoped3A = tpu.sem_alloc : memref<!tpu.dma_semaphore, #tpu.memory_space<semaphore_mem>>
      %dma_start3A_19 = arith.constant 0 : i32
      %dma_start3A_20 = tpu.memref_slice %arg5[%add3A, %dma_start3A_19] : memref<32x10000xf32, #tpu.memory_space<hbm>> -> memref<1x10000xf32, #tpu.memory_space<hbm>>
      %dma_start3A_21 = tpu.memref_squeeze %dma_start3A_20 : memref<1x10000xf32, #tpu.memory_space<hbm>> -> memref<10000xf32, #tpu.memory_space<hbm>>
      %dma_start3A_22 = arith.constant 0 : i32
      %dma_start3A_23 = tpu.memref_slice %arg5[%add3A, %dma_start3A_22] : memref<32x10000xf32, #tpu.memory_space<hbm>> -> memref<1x10000xf32, #tpu.memory_space<hbm>>
      %dma_start3A_24 = tpu.memref_squeeze %dma_start3A_23 : memref<1x10000xf32, #tpu.memory_space<hbm>> -> memref<10000xf32, #tpu.memory_space<hbm>>
      tpu.enqueue_dma source(%arg7 : memref<10000xf32, #tpu.memory_space<vmem>>) target(%dma_start3A_24 : memref<10000xf32, #tpu.memory_space<hbm>>) target_semaphore(%run_scoped3A : memref<!tpu.dma_semaphore, #tpu.memory_space<semaphore_mem>>)
      %dma_wait3A_25 = arith.constant 0 : i32
      %dma_wait3A_26 = tpu.memref_slice %arg5[%add3A, %dma_wait3A_25] : memref<32x10000xf32, #tpu.memory_space<hbm>> -> memref<1x10000xf32, #tpu.memory_space<hbm>>
      %dma_wait3A_27 = tpu.memref_squeeze %dma_wait3A_26 : memref<1x10000xf32, #tpu.memory_space<hbm>> -> memref<10000xf32, #tpu.memory_space<hbm>>
      %dma_wait3A_28 = arith.constant 0 : i32
      %dma_wait3A_29 = tpu.memref_slice %arg5[%add3A, %dma_wait3A_28] : memref<32x10000xf32, #tpu.memory_space<hbm>> -> memref<1x10000xf32, #tpu.memory_space<hbm>>
      %dma_wait3A_30 = tpu.memref_squeeze %dma_wait3A_29 : memref<1x10000xf32, #tpu.memory_space<hbm>> -> memref<10000xf32, #tpu.memory_space<hbm>>
      tpu.wait_dma2 semaphore(%run_scoped3A : memref<!tpu.dma_semaphore, #tpu.memory_space<semaphore_mem>>) src(%arg7 : memref<10000xf32, #tpu.memory_space<vmem>>) dst(%dma_wait3A_30 : memref<10000xf32, #tpu.memory_space<hbm>>)
      tpu.yield
    }) : () -> ()
    return
  }
}

#map = affine_map<(d0, d1) -> (0, 0)>
#map1 = affine_map<(d0, d1) -> (0)>
#map2 = affine_map<(d0, d1) -> (0, 0, 0)>
module attributes {stable_mosaic.version = 14 : i64} {
  func.func @agg_kernel(%arg0: i32, %arg1: i32, %arg2: memref<16x10000xi32, #tpu.memory_space<hbm>>, %arg3: memref<320000xi32, #tpu.memory_space<hbm>>, %arg4: memref<320000xf32, #tpu.memory_space<hbm>>, %arg5: memref<4x32x10000xf32, #tpu.memory_space<hbm>>, %arg6: memref<10000xi32, #tpu.memory_space<vmem>>, %arg7: memref<10000xi32, #tpu.memory_space<vmem>>, %arg8: memref<10000xf32, #tpu.memory_space<vmem>>, %arg9: memref<10000xf32, #tpu.memory_space<vmem>>, %arg10: memref<10000xf32, #tpu.memory_space<vmem>>, %arg11: memref<10000xf32, #tpu.memory_space<vmem>>, %arg12: memref<4000xi32, #tpu.memory_space<vmem>>, %arg13: memref<4000xi32, #tpu.memory_space<vmem>>, %arg14: memref<4000xf32, #tpu.memory_space<vmem>>, %arg15: memref<4000xf32, #tpu.memory_space<vmem>>, %arg16: memref<!tpu.dma_semaphore, #tpu.memory_space<semaphore_mem>>, %arg17: memref<!tpu.dma_semaphore, #tpu.memory_space<semaphore_mem>>, %arg18: memref<!tpu.dma_semaphore, #tpu.memory_space<semaphore_mem>>) attributes {dimension_semantics = [#tpu.dimension_semantics<core_parallel>, #tpu.dimension_semantics<subcore_parallel>], iteration_bounds = array<i64: 2, 16>, scalar_prefetch = 0 : i64, scratch_operands = 13 : i64, tpu.core_type = #tpu.core_type<sc_vector_subcore>, window_params = [{transform_indices = #map}, {transform_indices = #map1}, {transform_indices = #map1}, {transform_indices = #map2}]} {
    %mul3A = arith.constant 2 : i32
    %mul3A_0 = arith.muli %arg1, %mul3A : i32
    %add3A = arith.addi %mul3A_0, %arg0 : i32
    %jit3A = arith.constant 4 : i32
    %eq3A = arith.constant 0 : i32
    %eq3A_1 = arith.cmpi eq, %jit3A, %eq3A : i32
    %jit3A_2 = arith.constant 1 : i32
    %select_n3A = arith.select %eq3A_1, %jit3A_2, %jit3A : i32
    %rem3A = arith.remsi %add3A, %select_n3A : i32
    %ne3A = arith.constant 0 : i32
    %ne3A_3 = arith.cmpi ne, %rem3A, %ne3A : i32
    %lt3A = arith.constant 0 : i32
    %lt3A_4 = arith.cmpi slt, %rem3A, %lt3A : i32
    %lt3A_5 = arith.constant 0 : i32
    %lt3A_6 = arith.cmpi slt, %select_n3A, %lt3A_5 : i32
    %ne3A_7 = arith.xori %lt3A_4, %lt3A_6 : i1
    %and3A = arith.andi %ne3A_7, %ne3A_3 : i1
    %add3A_8 = arith.addi %rem3A, %select_n3A : i32
    %select_n3A_9 = arith.select %and3A, %add3A_8, %rem3A : i32
    %jit3A_10 = arith.constant 4 : i32
    %div3A = arith.divsi %add3A, %jit3A_10 : i32
    %sign3A = arith.constant 0 : i32
    %sign3A_11 = arith.cmpi sgt, %add3A, %sign3A : i32
    %sign3A_12 = arith.extui %sign3A_11 : i1 to i32
    %sign3A_13 = arith.constant 0 : i32
    %sign3A_14 = arith.cmpi slt, %add3A, %sign3A_13 : i32
    %sign3A_15 = arith.extui %sign3A_14 : i1 to i32
    %sign3A_16 = arith.subi %sign3A_12, %sign3A_15 : i32
    %sign3A_17 = arith.constant 0 : i32
    %sign3A_18 = arith.cmpi sgt, %jit3A_10, %sign3A_17 : i32
    %sign3A_19 = arith.extui %sign3A_18 : i1 to i32
    %sign3A_20 = arith.constant 0 : i32
    %sign3A_21 = arith.cmpi slt, %jit3A_10, %sign3A_20 : i32
    %sign3A_22 = arith.extui %sign3A_21 : i1 to i32
    %sign3A_23 = arith.subi %sign3A_19, %sign3A_22 : i32
    %ne3A_24 = arith.cmpi ne, %sign3A_16, %sign3A_23 : i32
    %rem3A_25 = arith.remsi %add3A, %jit3A_10 : i32
    %ne3A_26 = arith.constant 0 : i32
    %ne3A_27 = arith.cmpi ne, %rem3A_25, %ne3A_26 : i32
    %and3A_28 = arith.andi %ne3A_24, %ne3A_27 : i1
    %sub3A = arith.constant 1 : i32
    %sub3A_29 = arith.subi %div3A, %sub3A : i32
    %select_n3A_30 = arith.select %and3A_28, %sub3A_29, %div3A : i32
    %mul3A_31 = arith.constant 2 : i32
    %mul3A_32 = arith.muli %select_n3A_30, %mul3A_31 : i32
    %mul3A_33 = arith.constant 80000 : i32
    %mul3A_34 = arith.muli %select_n3A_9, %mul3A_33 : i32
    %add3A_35 = arith.constant 0 : i32
    %add3A_36 = arith.addi %mul3A_34, %add3A_35 : i32
    %dma_start3A = tpu.memref_slice %arg3[%add3A_36] : memref<320000xi32, #tpu.memory_space<hbm>> -> memref<4000xi32, #tpu.memory_space<hbm>>
    %dma_start3A_37 = tpu.memref_slice %arg3[%add3A_36] : memref<320000xi32, #tpu.memory_space<hbm>> -> memref<4000xi32, #tpu.memory_space<hbm>>
    tpu.enqueue_dma source(%dma_start3A_37 : memref<4000xi32, #tpu.memory_space<hbm>>) target(%arg12 : memref<4000xi32, #tpu.memory_space<vmem>>) target_semaphore(%arg16 : memref<!tpu.dma_semaphore, #tpu.memory_space<semaphore_mem>>)
    %dma_start3A_38 = tpu.memref_slice %arg4[%add3A_36] : memref<320000xf32, #tpu.memory_space<hbm>> -> memref<4000xf32, #tpu.memory_space<hbm>>
    %dma_start3A_39 = tpu.memref_slice %arg4[%add3A_36] : memref<320000xf32, #tpu.memory_space<hbm>> -> memref<4000xf32, #tpu.memory_space<hbm>>
    tpu.enqueue_dma source(%dma_start3A_39 : memref<4000xf32, #tpu.memory_space<hbm>>) target(%arg14 : memref<4000xf32, #tpu.memory_space<vmem>>) target_semaphore(%arg16 : memref<!tpu.dma_semaphore, #tpu.memory_space<semaphore_mem>>)
    %add3A_40 = arith.constant 4000 : i32
    %add3A_41 = arith.addi %mul3A_34, %add3A_40 : i32
    %dma_start3A_42 = tpu.memref_slice %arg3[%add3A_41] : memref<320000xi32, #tpu.memory_space<hbm>> -> memref<4000xi32, #tpu.memory_space<hbm>>
    %dma_start3A_43 = tpu.memref_slice %arg3[%add3A_41] : memref<320000xi32, #tpu.memory_space<hbm>> -> memref<4000xi32, #tpu.memory_space<hbm>>
    tpu.enqueue_dma source(%dma_start3A_43 : memref<4000xi32, #tpu.memory_space<hbm>>) target(%arg13 : memref<4000xi32, #tpu.memory_space<vmem>>) target_semaphore(%arg17 : memref<!tpu.dma_semaphore, #tpu.memory_space<semaphore_mem>>)
    %dma_start3A_44 = tpu.memref_slice %arg4[%add3A_41] : memref<320000xf32, #tpu.memory_space<hbm>> -> memref<4000xf32, #tpu.memory_space<hbm>>
    %dma_start3A_45 = tpu.memref_slice %arg4[%add3A_41] : memref<320000xf32, #tpu.memory_space<hbm>> -> memref<4000xf32, #tpu.memory_space<hbm>>
    tpu.enqueue_dma source(%dma_start3A_45 : memref<4000xf32, #tpu.memory_space<hbm>>) target(%arg15 : memref<4000xf32, #tpu.memory_space<vmem>>) target_semaphore(%arg17 : memref<!tpu.dma_semaphore, #tpu.memory_space<semaphore_mem>>)
    %add3A_46 = arith.constant 0 : i32
    %add3A_47 = arith.addi %mul3A_32, %add3A_46 : i32
    %add3A_48 = arith.constant 1 : i32
    %add3A_49 = arith.addi %mul3A_32, %add3A_48 : i32
    %dma_start3A_50 = arith.constant 0 : i32
    %dma_start3A_51 = tpu.memref_slice %arg2[%add3A_47, %dma_start3A_50] : memref<16x10000xi32, #tpu.memory_space<hbm>> -> memref<1x10000xi32, #tpu.memory_space<hbm>>
    %dma_start3A_52 = tpu.memref_squeeze %dma_start3A_51 : memref<1x10000xi32, #tpu.memory_space<hbm>> -> memref<10000xi32, #tpu.memory_space<hbm>>
    %dma_start3A_53 = arith.constant 0 : i32
    %dma_start3A_54 = tpu.memref_slice %arg2[%add3A_47, %dma_start3A_53] : memref<16x10000xi32, #tpu.memory_space<hbm>> -> memref<1x10000xi32, #tpu.memory_space<hbm>>
    %dma_start3A_55 = tpu.memref_squeeze %dma_start3A_54 : memref<1x10000xi32, #tpu.memory_space<hbm>> -> memref<10000xi32, #tpu.memory_space<hbm>>
    tpu.enqueue_dma source(%dma_start3A_55 : memref<10000xi32, #tpu.memory_space<hbm>>) target(%arg6 : memref<10000xi32, #tpu.memory_space<vmem>>) target_semaphore(%arg18 : memref<!tpu.dma_semaphore, #tpu.memory_space<semaphore_mem>>)
    %dma_start3A_56 = arith.constant 0 : i32
    %dma_start3A_57 = tpu.memref_slice %arg2[%add3A_49, %dma_start3A_56] : memref<16x10000xi32, #tpu.memory_space<hbm>> -> memref<1x10000xi32, #tpu.memory_space<hbm>>
    %dma_start3A_58 = tpu.memref_squeeze %dma_start3A_57 : memref<1x10000xi32, #tpu.memory_space<hbm>> -> memref<10000xi32, #tpu.memory_space<hbm>>
    %dma_start3A_59 = arith.constant 0 : i32
    %dma_start3A_60 = tpu.memref_slice %arg2[%add3A_49, %dma_start3A_59] : memref<16x10000xi32, #tpu.memory_space<hbm>> -> memref<1x10000xi32, #tpu.memory_space<hbm>>
    %dma_start3A_61 = tpu.memref_squeeze %dma_start3A_60 : memref<1x10000xi32, #tpu.memory_space<hbm>> -> memref<10000xi32, #tpu.memory_space<hbm>>
    tpu.enqueue_dma source(%dma_start3A_61 : memref<10000xi32, #tpu.memory_space<hbm>>) target(%arg7 : memref<10000xi32, #tpu.memory_space<vmem>>) target_semaphore(%arg18 : memref<!tpu.dma_semaphore, #tpu.memory_space<semaphore_mem>>)
    %broadcast_in_dim3A = arith.constant 0.000000e+00 : f32
    %broadcast_in_dim3A_62 = vector.broadcast %broadcast_in_dim3A : f32 to vector<16xf32>
    %parallel_loop3A = arith.constant 0 : i32
    %parallel_loop3A_63 = arith.constant 10000 : i32
    %parallel_loop3A_64 = arith.constant 16 : i32
    scf.for %parallel_loop3A_94 = %parallel_loop3A to %parallel_loop3A_63 step %parallel_loop3A_64  : i32 {
      %parallel_loop3A_95 = arith.index_cast %parallel_loop3A_94 : i32 to index
      %parallel_loop3A_96 = tpu.vector_load %arg8[%parallel_loop3A_95] {strides = array<i32>} : memref<10000xf32, #tpu.memory_space<vmem>>, vector<16xf32>,
      tpu.vector_store %arg8[%parallel_loop3A_95], %broadcast_in_dim3A_62 {strides = array<i32>} : memref<10000xf32, #tpu.memory_space<vmem>>, vector<16xf32>,
      %parallel_loop3A_97 = arith.index_cast %parallel_loop3A_94 : i32 to index
      %parallel_loop3A_98 = tpu.vector_load %arg9[%parallel_loop3A_97] {strides = array<i32>} : memref<10000xf32, #tpu.memory_space<vmem>>, vector<16xf32>,
      tpu.vector_store %arg9[%parallel_loop3A_97], %broadcast_in_dim3A_62 {strides = array<i32>} : memref<10000xf32, #tpu.memory_space<vmem>>, vector<16xf32>,
      %parallel_loop3A_99 = arith.index_cast %parallel_loop3A_94 : i32 to index
      %parallel_loop3A_100 = tpu.vector_load %arg10[%parallel_loop3A_99] {strides = array<i32>} : memref<10000xf32, #tpu.memory_space<vmem>>, vector<16xf32>,
      tpu.vector_store %arg10[%parallel_loop3A_99], %broadcast_in_dim3A_62 {strides = array<i32>} : memref<10000xf32, #tpu.memory_space<vmem>>, vector<16xf32>,
      %parallel_loop3A_101 = arith.index_cast %parallel_loop3A_94 : i32 to index
      %parallel_loop3A_102 = tpu.vector_load %arg11[%parallel_loop3A_101] {strides = array<i32>} : memref<10000xf32, #tpu.memory_space<vmem>>, vector<16xf32>,
      tpu.vector_store %arg11[%parallel_loop3A_101], %broadcast_in_dim3A_62 {strides = array<i32>} : memref<10000xf32, #tpu.memory_space<vmem>>, vector<16xf32>,
    } {sc.loop_unroll_factor = 4 : i64, sc.parallel_access}
    %dma_wait3A = arith.constant 0 : i32
    %dma_wait3A_65 = tpu.memref_slice %arg2[%add3A_47, %dma_wait3A] : memref<16x10000xi32, #tpu.memory_space<hbm>> -> memref<1x10000xi32, #tpu.memory_space<hbm>>
    %dma_wait3A_66 = tpu.memref_squeeze %dma_wait3A_65 : memref<1x10000xi32, #tpu.memory_space<hbm>> -> memref<10000xi32, #tpu.memory_space<hbm>>
    %dma_wait3A_67 = arith.constant 0 : i32
    %dma_wait3A_68 = tpu.memref_slice %arg2[%add3A_47, %dma_wait3A_67] : memref<16x10000xi32, #tpu.memory_space<hbm>> -> memref<1x10000xi32, #tpu.memory_space<hbm>>
    %dma_wait3A_69 = tpu.memref_squeeze %dma_wait3A_68 : memref<1x10000xi32, #tpu.memory_space<hbm>> -> memref<10000xi32, #tpu.memory_space<hbm>>
    tpu.wait_dma2 semaphore(%arg18 : memref<!tpu.dma_semaphore, #tpu.memory_space<semaphore_mem>>) src(%dma_wait3A_69 : memref<10000xi32, #tpu.memory_space<hbm>>) dst(%arg6 : memref<10000xi32, #tpu.memory_space<vmem>>)
    %dma_wait3A_70 = arith.constant 0 : i32
    %dma_wait3A_71 = tpu.memref_slice %arg2[%add3A_49, %dma_wait3A_70] : memref<16x10000xi32, #tpu.memory_space<hbm>> -> memref<1x10000xi32, #tpu.memory_space<hbm>>
    %dma_wait3A_72 = tpu.memref_squeeze %dma_wait3A_71 : memref<1x10000xi32, #tpu.memory_space<hbm>> -> memref<10000xi32, #tpu.memory_space<hbm>>
    %dma_wait3A_73 = arith.constant 0 : i32
    %dma_wait3A_74 = tpu.memref_slice %arg2[%add3A_49, %dma_wait3A_73] : memref<16x10000xi32, #tpu.memory_space<hbm>> -> memref<1x10000xi32, #tpu.memory_space<hbm>>
    %dma_wait3A_75 = tpu.memref_squeeze %dma_wait3A_74 : memref<1x10000xi32, #tpu.memory_space<hbm>> -> memref<10000xi32, #tpu.memory_space<hbm>>
    tpu.wait_dma2 semaphore(%arg18 : memref<!tpu.dma_semaphore, #tpu.memory_space<semaphore_mem>>) src(%dma_wait3A_75 : memref<10000xi32, #tpu.memory_space<hbm>>) dst(%arg7 : memref<10000xi32, #tpu.memory_space<vmem>>)
    %scan3A = arith.constant 0 : i32
    %scan3A_76 = arith.constant 0 : i32
    %scan3A_77 = arith.constant 10 : i32
    %scan3A_78 = arith.addi %scan3A_76, %scan3A_77 : i32
    %scan3A_79 = arith.constant 1 : i32
    %scan3A_80 = scf.for %scan3A_94 = %scan3A_76 to %scan3A_78 step %scan3A_79 iter_args(%scan3A_95 = %scan3A) -> (i32)  : i32 {
      %mul3A_96 = arith.constant 2 : i32
      %mul3A_97 = arith.muli %scan3A_94, %mul3A_96 : i32
      %add3A_98 = arith.constant 0 : i32
      %add3A_99 = arith.addi %mul3A_97, %add3A_98 : i32
      %mul3A_100 = arith.constant 4000 : i32
      %mul3A_101 = arith.muli %add3A_99, %mul3A_100 : i32
      %add3A_102 = arith.addi %mul3A_34, %mul3A_101 : i32
      %dma_wait3A_103 = tpu.memref_slice %arg3[%add3A_102] : memref<320000xi32, #tpu.memory_space<hbm>> -> memref<4000xi32, #tpu.memory_space<hbm>>
      %dma_wait3A_104 = tpu.memref_slice %arg3[%add3A_102] : memref<320000xi32, #tpu.memory_space<hbm>> -> memref<4000xi32, #tpu.memory_space<hbm>>
      tpu.wait_dma2 semaphore(%arg16 : memref<!tpu.dma_semaphore, #tpu.memory_space<semaphore_mem>>) src(%dma_wait3A_104 : memref<4000xi32, #tpu.memory_space<hbm>>) dst(%arg12 : memref<4000xi32, #tpu.memory_space<vmem>>)
      %dma_wait3A_105 = tpu.memref_slice %arg4[%add3A_102] : memref<320000xf32, #tpu.memory_space<hbm>> -> memref<4000xf32, #tpu.memory_space<hbm>>
      %dma_wait3A_106 = tpu.memref_slice %arg4[%add3A_102] : memref<320000xf32, #tpu.memory_space<hbm>> -> memref<4000xf32, #tpu.memory_space<hbm>>
      tpu.wait_dma2 semaphore(%arg16 : memref<!tpu.dma_semaphore, #tpu.memory_space<semaphore_mem>>) src(%dma_wait3A_106 : memref<4000xf32, #tpu.memory_space<hbm>>) dst(%arg14 : memref<4000xf32, #tpu.memory_space<vmem>>)
      %parallel_loop3A_107 = arith.constant 0 : i32
      %parallel_loop3A_108 = arith.constant 4000 : i32
      %parallel_loop3A_109 = arith.constant 16 : i32
      scf.for %parallel_loop3A_139 = %parallel_loop3A_107 to %parallel_loop3A_108 step %parallel_loop3A_109  : i32 {
        %parallel_loop3A_140 = arith.index_cast %parallel_loop3A_139 : i32 to index
        %parallel_loop3A_141 = tpu.vector_load %arg12[%parallel_loop3A_140] {strides = array<i32>} : memref<4000xi32, #tpu.memory_space<vmem>>, vector<16xi32>,
        %parallel_loop3A_142 = arith.constant 65535 : i32
        %parallel_loop3A_143 = vector.broadcast %parallel_loop3A_142 : i32 to vector<16xi32>
        %parallel_loop3A_144 = arith.andi %parallel_loop3A_141, %parallel_loop3A_143 : vector<16xi32>
        %parallel_loop3A_145 = arith.constant 16 : i32
        %parallel_loop3A_146 = vector.broadcast %parallel_loop3A_145 : i32 to vector<16xi32>
        %parallel_loop3A_147 = arith.shrsi %parallel_loop3A_141, %parallel_loop3A_146 : vector<16xi32>
        %parallel_loop3A_148 = arith.index_cast %parallel_loop3A_139 : i32 to index
        %parallel_loop3A_149 = tpu.vector_load %arg14[%parallel_loop3A_148] {strides = array<i32>} : memref<4000xf32, #tpu.memory_space<vmem>>, vector<16xf32>,
        %parallel_loop3A_150 = tpu.vector_load_idx %arg6[%parallel_loop3A_144] : memref<10000xi32, #tpu.memory_space<vmem>>[vector<16xi32>], vector<16xi32>,
        %parallel_loop3A_151 = arith.constant 16 : i32
        %parallel_loop3A_152 = vector.broadcast %parallel_loop3A_151 : i32 to vector<16xi32>
        %parallel_loop3A_153 = arith.shli %parallel_loop3A_150, %parallel_loop3A_152 : vector<16xi32>
        %parallel_loop3A_154 = vector.bitcast %parallel_loop3A_153 : vector<16xi32> to vector<16xf32>
        %parallel_loop3A_155 = arith.constant -65536 : i32
        %parallel_loop3A_156 = vector.broadcast %parallel_loop3A_155 : i32 to vector<16xi32>
        %parallel_loop3A_157 = arith.andi %parallel_loop3A_150, %parallel_loop3A_156 : vector<16xi32>
        %parallel_loop3A_158 = vector.bitcast %parallel_loop3A_157 : vector<16xi32> to vector<16xf32>
        %parallel_loop3A_159 = arith.mulf %parallel_loop3A_154, %parallel_loop3A_149 : vector<16xf32>
        tpu.vector_store_idx %arg8[%parallel_loop3A_147], %parallel_loop3A_159 {add = true} : memref<10000xf32, #tpu.memory_space<vmem>>[vector<16xi32>], vector<16xf32>,
        %parallel_loop3A_160 = arith.mulf %parallel_loop3A_158, %parallel_loop3A_149 : vector<16xf32>
        tpu.vector_store_idx %arg9[%parallel_loop3A_147], %parallel_loop3A_160 {add = true} : memref<10000xf32, #tpu.memory_space<vmem>>[vector<16xi32>], vector<16xf32>,
        %parallel_loop3A_161 = tpu.vector_load_idx %arg7[%parallel_loop3A_144] : memref<10000xi32, #tpu.memory_space<vmem>>[vector<16xi32>], vector<16xi32>,
        %parallel_loop3A_162 = arith.constant 16 : i32
        %parallel_loop3A_163 = vector.broadcast %parallel_loop3A_162 : i32 to vector<16xi32>
        %parallel_loop3A_164 = arith.shli %parallel_loop3A_161, %parallel_loop3A_163 : vector<16xi32>
        %parallel_loop3A_165 = vector.bitcast %parallel_loop3A_164 : vector<16xi32> to vector<16xf32>
        %parallel_loop3A_166 = arith.constant -65536 : i32
        %parallel_loop3A_167 = vector.broadcast %parallel_loop3A_166 : i32 to vector<16xi32>
        %parallel_loop3A_168 = arith.andi %parallel_loop3A_161, %parallel_loop3A_167 : vector<16xi32>
        %parallel_loop3A_169 = vector.bitcast %parallel_loop3A_168 : vector<16xi32> to vector<16xf32>
        %parallel_loop3A_170 = arith.mulf %parallel_loop3A_165, %parallel_loop3A_149 : vector<16xf32>
        tpu.vector_store_idx %arg10[%parallel_loop3A_147], %parallel_loop3A_170 {add = true} : memref<10000xf32, #tpu.memory_space<vmem>>[vector<16xi32>], vector<16xf32>,
        %parallel_loop3A_171 = arith.mulf %parallel_loop3A_169, %parallel_loop3A_149 : vector<16xf32>
        tpu.vector_store_idx %arg11[%parallel_loop3A_147], %parallel_loop3A_171 {add = true} : memref<10000xf32, #tpu.memory_space<vmem>>[vector<16xi32>], vector<16xf32>,
      } {sc.loop_unroll_factor = 8 : i64, sc.parallel_access}
      %add3A_110 = arith.constant 0 : i32
      %add3A_111 = arith.addi %mul3A_97, %add3A_110 : i32
      %add3A_112 = arith.constant 2 : i32
      %add3A_113 = arith.addi %add3A_111, %add3A_112 : i32
      %lt3A_114 = arith.constant 20 : i32
      %lt3A_115 = arith.cmpi slt, %add3A_113, %lt3A_114 : i32
      %convert_element_type3A = arith.extui %lt3A_115 : i1 to i32
      %cond3A = arith.constant 0 : i32
      %cond3A_116 = arith.cmpi ne, %convert_element_type3A, %cond3A : i32
      scf.if %cond3A_116 {
        %add3A_139 = arith.constant 0 : i32
        %add3A_140 = arith.addi %mul3A_97, %add3A_139 : i32
        %add3A_141 = arith.constant 2 : i32
        %add3A_142 = arith.addi %add3A_140, %add3A_141 : i32
        %mul3A_143 = arith.constant 4000 : i32
        %mul3A_144 = arith.muli %add3A_142, %mul3A_143 : i32
        %add3A_145 = arith.addi %mul3A_34, %mul3A_144 : i32
        %dma_start3A_146 = tpu.memref_slice %arg3[%add3A_145] : memref<320000xi32, #tpu.memory_space<hbm>> -> memref<4000xi32, #tpu.memory_space<hbm>>
        %dma_start3A_147 = tpu.memref_slice %arg3[%add3A_145] : memref<320000xi32, #tpu.memory_space<hbm>> -> memref<4000xi32, #tpu.memory_space<hbm>>
        tpu.enqueue_dma source(%dma_start3A_147 : memref<4000xi32, #tpu.memory_space<hbm>>) target(%arg12 : memref<4000xi32, #tpu.memory_space<vmem>>) target_semaphore(%arg16 : memref<!tpu.dma_semaphore, #tpu.memory_space<semaphore_mem>>)
        %dma_start3A_148 = tpu.memref_slice %arg4[%add3A_145] : memref<320000xf32, #tpu.memory_space<hbm>> -> memref<4000xf32, #tpu.memory_space<hbm>>
        %dma_start3A_149 = tpu.memref_slice %arg4[%add3A_145] : memref<320000xf32, #tpu.memory_space<hbm>> -> memref<4000xf32, #tpu.memory_space<hbm>>
        tpu.enqueue_dma source(%dma_start3A_149 : memref<4000xf32, #tpu.memory_space<hbm>>) target(%arg14 : memref<4000xf32, #tpu.memory_space<vmem>>) target_semaphore(%arg16 : memref<!tpu.dma_semaphore, #tpu.memory_space<semaphore_mem>>)
      } else {
      }
      %add3A_117 = arith.constant 1 : i32
      %add3A_118 = arith.addi %mul3A_97, %add3A_117 : i32
      %mul3A_119 = arith.constant 4000 : i32
      %mul3A_120 = arith.muli %add3A_118, %mul3A_119 : i32
      %add3A_121 = arith.addi %mul3A_34, %mul3A_120 : i32
      %dma_wait3A_122 = tpu.memref_slice %arg3[%add3A_121] : memref<320000xi32, #tpu.memory_space<hbm>> -> memref<4000xi32, #tpu.memory_space<hbm>>
      %dma_wait3A_123 = tpu.memref_slice %arg3[%add3A_121] : memref<320000xi32, #tpu.memory_space<hbm>> -> memref<4000xi32, #tpu.memory_space<hbm>>
      tpu.wait_dma2 semaphore(%arg17 : memref<!tpu.dma_semaphore, #tpu.memory_space<semaphore_mem>>) src(%dma_wait3A_123 : memref<4000xi32, #tpu.memory_space<hbm>>) dst(%arg13 : memref<4000xi32, #tpu.memory_space<vmem>>)
      %dma_wait3A_124 = tpu.memref_slice %arg4[%add3A_121] : memref<320000xf32, #tpu.memory_space<hbm>> -> memref<4000xf32, #tpu.memory_space<hbm>>
      %dma_wait3A_125 = tpu.memref_slice %arg4[%add3A_121] : memref<320000xf32, #tpu.memory_space<hbm>> -> memref<4000xf32, #tpu.memory_space<hbm>>
      tpu.wait_dma2 semaphore(%arg17 : memref<!tpu.dma_semaphore, #tpu.memory_space<semaphore_mem>>) src(%dma_wait3A_125 : memref<4000xf32, #tpu.memory_space<hbm>>) dst(%arg15 : memref<4000xf32, #tpu.memory_space<vmem>>)
      %parallel_loop3A_126 = arith.constant 0 : i32
      %parallel_loop3A_127 = arith.constant 4000 : i32
      %parallel_loop3A_128 = arith.constant 16 : i32
      scf.for %parallel_loop3A_139 = %parallel_loop3A_126 to %parallel_loop3A_127 step %parallel_loop3A_128  : i32 {
        %parallel_loop3A_140 = arith.index_cast %parallel_loop3A_139 : i32 to index
        %parallel_loop3A_141 = tpu.vector_load %arg13[%parallel_loop3A_140] {strides = array<i32>} : memref<4000xi32, #tpu.memory_space<vmem>>, vector<16xi32>,
        %parallel_loop3A_142 = arith.constant 65535 : i32
        %parallel_loop3A_143 = vector.broadcast %parallel_loop3A_142 : i32 to vector<16xi32>
        %parallel_loop3A_144 = arith.andi %parallel_loop3A_141, %parallel_loop3A_143 : vector<16xi32>
        %parallel_loop3A_145 = arith.constant 16 : i32
        %parallel_loop3A_146 = vector.broadcast %parallel_loop3A_145 : i32 to vector<16xi32>
        %parallel_loop3A_147 = arith.shrsi %parallel_loop3A_141, %parallel_loop3A_146 : vector<16xi32>
        %parallel_loop3A_148 = arith.index_cast %parallel_loop3A_139 : i32 to index
        %parallel_loop3A_149 = tpu.vector_load %arg15[%parallel_loop3A_148] {strides = array<i32>} : memref<4000xf32, #tpu.memory_space<vmem>>, vector<16xf32>,
        %parallel_loop3A_150 = tpu.vector_load_idx %arg6[%parallel_loop3A_144] : memref<10000xi32, #tpu.memory_space<vmem>>[vector<16xi32>], vector<16xi32>,
        %parallel_loop3A_151 = arith.constant 16 : i32
        %parallel_loop3A_152 = vector.broadcast %parallel_loop3A_151 : i32 to vector<16xi32>
        %parallel_loop3A_153 = arith.shli %parallel_loop3A_150, %parallel_loop3A_152 : vector<16xi32>
        %parallel_loop3A_154 = vector.bitcast %parallel_loop3A_153 : vector<16xi32> to vector<16xf32>
        %parallel_loop3A_155 = arith.constant -65536 : i32
        %parallel_loop3A_156 = vector.broadcast %parallel_loop3A_155 : i32 to vector<16xi32>
        %parallel_loop3A_157 = arith.andi %parallel_loop3A_150, %parallel_loop3A_156 : vector<16xi32>
        %parallel_loop3A_158 = vector.bitcast %parallel_loop3A_157 : vector<16xi32> to vector<16xf32>
        %parallel_loop3A_159 = arith.mulf %parallel_loop3A_154, %parallel_loop3A_149 : vector<16xf32>
        tpu.vector_store_idx %arg8[%parallel_loop3A_147], %parallel_loop3A_159 {add = true} : memref<10000xf32, #tpu.memory_space<vmem>>[vector<16xi32>], vector<16xf32>,
        %parallel_loop3A_160 = arith.mulf %parallel_loop3A_158, %parallel_loop3A_149 : vector<16xf32>
        tpu.vector_store_idx %arg9[%parallel_loop3A_147], %parallel_loop3A_160 {add = true} : memref<10000xf32, #tpu.memory_space<vmem>>[vector<16xi32>], vector<16xf32>,
        %parallel_loop3A_161 = tpu.vector_load_idx %arg7[%parallel_loop3A_144] : memref<10000xi32, #tpu.memory_space<vmem>>[vector<16xi32>], vector<16xi32>,
        %parallel_loop3A_162 = arith.constant 16 : i32
        %parallel_loop3A_163 = vector.broadcast %parallel_loop3A_162 : i32 to vector<16xi32>
        %parallel_loop3A_164 = arith.shli %parallel_loop3A_161, %parallel_loop3A_163 : vector<16xi32>
        %parallel_loop3A_165 = vector.bitcast %parallel_loop3A_164 : vector<16xi32> to vector<16xf32>
        %parallel_loop3A_166 = arith.constant -65536 : i32
        %parallel_loop3A_167 = vector.broadcast %parallel_loop3A_166 : i32 to vector<16xi32>
        %parallel_loop3A_168 = arith.andi %parallel_loop3A_161, %parallel_loop3A_167 : vector<16xi32>
        %parallel_loop3A_169 = vector.bitcast %parallel_loop3A_168 : vector<16xi32> to vector<16xf32>
        %parallel_loop3A_170 = arith.mulf %parallel_loop3A_165, %parallel_loop3A_149 : vector<16xf32>
        tpu.vector_store_idx %arg10[%parallel_loop3A_147], %parallel_loop3A_170 {add = true} : memref<10000xf32, #tpu.memory_space<vmem>>[vector<16xi32>], vector<16xf32>,
        %parallel_loop3A_171 = arith.mulf %parallel_loop3A_169, %parallel_loop3A_149 : vector<16xf32>
        tpu.vector_store_idx %arg11[%parallel_loop3A_147], %parallel_loop3A_171 {add = true} : memref<10000xf32, #tpu.memory_space<vmem>>[vector<16xi32>], vector<16xf32>,
      } {sc.loop_unroll_factor = 8 : i64, sc.parallel_access}
      %add3A_129 = arith.constant 1 : i32
      %add3A_130 = arith.addi %mul3A_97, %add3A_129 : i32
      %add3A_131 = arith.constant 2 : i32
      %add3A_132 = arith.addi %add3A_130, %add3A_131 : i32
      %lt3A_133 = arith.constant 20 : i32
      %lt3A_134 = arith.cmpi slt, %add3A_132, %lt3A_133 : i32
      %convert_element_type3A_135 = arith.extui %lt3A_134 : i1 to i32
      %cond3A_136 = arith.constant 0 : i32
      %cond3A_137 = arith.cmpi ne, %convert_element_type3A_135, %cond3A_136 : i32
      scf.if %cond3A_137 {
        %add3A_139 = arith.constant 1 : i32
        %add3A_140 = arith.addi %mul3A_97, %add3A_139 : i32
        %add3A_141 = arith.constant 2 : i32
        %add3A_142 = arith.addi %add3A_140, %add3A_141 : i32
        %mul3A_143 = arith.constant 4000 : i32
        %mul3A_144 = arith.muli %add3A_142, %mul3A_143 : i32
        %add3A_145 = arith.addi %mul3A_34, %mul3A_144 : i32
        %dma_start3A_146 = tpu.memref_slice %arg3[%add3A_145] : memref<320000xi32, #tpu.memory_space<hbm>> -> memref<4000xi32, #tpu.memory_space<hbm>>
        %dma_start3A_147 = tpu.memref_slice %arg3[%add3A_145] : memref<320000xi32, #tpu.memory_space<hbm>> -> memref<4000xi32, #tpu.memory_space<hbm>>
        tpu.enqueue_dma source(%dma_start3A_147 : memref<4000xi32, #tpu.memory_space<hbm>>) target(%arg13 : memref<4000xi32, #tpu.memory_space<vmem>>) target_semaphore(%arg17 : memref<!tpu.dma_semaphore, #tpu.memory_space<semaphore_mem>>)
        %dma_start3A_148 = tpu.memref_slice %arg4[%add3A_145] : memref<320000xf32, #tpu.memory_space<hbm>> -> memref<4000xf32, #tpu.memory_space<hbm>>
        %dma_start3A_149 = tpu.memref_slice %arg4[%add3A_145] : memref<320000xf32, #tpu.memory_space<hbm>> -> memref<4000xf32, #tpu.memory_space<hbm>>
        tpu.enqueue_dma source(%dma_start3A_149 : memref<4000xf32, #tpu.memory_space<hbm>>) target(%arg15 : memref<4000xf32, #tpu.memory_space<vmem>>) target_semaphore(%arg17 : memref<!tpu.dma_semaphore, #tpu.memory_space<semaphore_mem>>)
      } else {
      }
      %scan3A_138 = arith.constant 0 : i32
      scf.yield %scan3A_138 : i32
    }
    %scan3A_81 = arith.constant 10 : i32
    %add3A_82 = arith.constant 0 : i32
    %add3A_83 = arith.addi %mul3A_32, %add3A_82 : i32
    "tpu.region"() ({
      %run_scoped3A = tpu.sem_alloc : memref<!tpu.dma_semaphore, #tpu.memory_space<semaphore_mem>>
      %dma_start3A_94 = arith.constant 0 : i32
      %dma_start3A_95 = tpu.memref_slice %arg5[%select_n3A_9, %add3A_83, %dma_start3A_94] : memref<4x32x10000xf32, #tpu.memory_space<hbm>> -> memref<1x1x10000xf32, #tpu.memory_space<hbm>>
      %dma_start3A_96 = tpu.memref_squeeze %dma_start3A_95 : memref<1x1x10000xf32, #tpu.memory_space<hbm>> -> memref<10000xf32, #tpu.memory_space<hbm>>
      %dma_start3A_97 = arith.constant 0 : i32
      %dma_start3A_98 = tpu.memref_slice %arg5[%select_n3A_9, %add3A_83, %dma_start3A_97] : memref<4x32x10000xf32, #tpu.memory_space<hbm>> -> memref<1x1x10000xf32, #tpu.memory_space<hbm>>
      %dma_start3A_99 = tpu.memref_squeeze %dma_start3A_98 : memref<1x1x10000xf32, #tpu.memory_space<hbm>> -> memref<10000xf32, #tpu.memory_space<hbm>>
      tpu.enqueue_dma source(%arg8 : memref<10000xf32, #tpu.memory_space<vmem>>) target(%dma_start3A_99 : memref<10000xf32, #tpu.memory_space<hbm>>) target_semaphore(%run_scoped3A : memref<!tpu.dma_semaphore, #tpu.memory_space<semaphore_mem>>)
      %dma_wait3A_100 = arith.constant 0 : i32
      %dma_wait3A_101 = tpu.memref_slice %arg5[%select_n3A_9, %add3A_83, %dma_wait3A_100] : memref<4x32x10000xf32, #tpu.memory_space<hbm>> -> memref<1x1x10000xf32, #tpu.memory_space<hbm>>
      %dma_wait3A_102 = tpu.memref_squeeze %dma_wait3A_101 : memref<1x1x10000xf32, #tpu.memory_space<hbm>> -> memref<10000xf32, #tpu.memory_space<hbm>>
      %dma_wait3A_103 = arith.constant 0 : i32
      %dma_wait3A_104 = tpu.memref_slice %arg5[%select_n3A_9, %add3A_83, %dma_wait3A_103] : memref<4x32x10000xf32, #tpu.memory_space<hbm>> -> memref<1x1x10000xf32, #tpu.memory_space<hbm>>
      %dma_wait3A_105 = tpu.memref_squeeze %dma_wait3A_104 : memref<1x1x10000xf32, #tpu.memory_space<hbm>> -> memref<10000xf32, #tpu.memory_space<hbm>>
      tpu.wait_dma2 semaphore(%run_scoped3A : memref<!tpu.dma_semaphore, #tpu.memory_space<semaphore_mem>>) src(%arg8 : memref<10000xf32, #tpu.memory_space<vmem>>) dst(%dma_wait3A_105 : memref<10000xf32, #tpu.memory_space<hbm>>)
      tpu.yield
    }) : () -> ()
    %add3A_84 = arith.constant 0 : i32
    %add3A_85 = arith.addi %mul3A_32, %add3A_84 : i32
    %add3A_86 = arith.constant 16 : i32
    %add3A_87 = arith.addi %add3A_85, %add3A_86 : i32
    "tpu.region"() ({
      %run_scoped3A = tpu.sem_alloc : memref<!tpu.dma_semaphore, #tpu.memory_space<semaphore_mem>>
      %dma_start3A_94 = arith.constant 0 : i32
      %dma_start3A_95 = tpu.memref_slice %arg5[%select_n3A_9, %add3A_87, %dma_start3A_94] : memref<4x32x10000xf32, #tpu.memory_space<hbm>> -> memref<1x1x10000xf32, #tpu.memory_space<hbm>>
      %dma_start3A_96 = tpu.memref_squeeze %dma_start3A_95 : memref<1x1x10000xf32, #tpu.memory_space<hbm>> -> memref<10000xf32, #tpu.memory_space<hbm>>
      %dma_start3A_97 = arith.constant 0 : i32
      %dma_start3A_98 = tpu.memref_slice %arg5[%select_n3A_9, %add3A_87, %dma_start3A_97] : memref<4x32x10000xf32, #tpu.memory_space<hbm>> -> memref<1x1x10000xf32, #tpu.memory_space<hbm>>
      %dma_start3A_99 = tpu.memref_squeeze %dma_start3A_98 : memref<1x1x10000xf32, #tpu.memory_space<hbm>> -> memref<10000xf32, #tpu.memory_space<hbm>>
      tpu.enqueue_dma source(%arg9 : memref<10000xf32, #tpu.memory_space<vmem>>) target(%dma_start3A_99 : memref<10000xf32, #tpu.memory_space<hbm>>) target_semaphore(%run_scoped3A : memref<!tpu.dma_semaphore, #tpu.memory_space<semaphore_mem>>)
      %dma_wait3A_100 = arith.constant 0 : i32
      %dma_wait3A_101 = tpu.memref_slice %arg5[%select_n3A_9, %add3A_87, %dma_wait3A_100] : memref<4x32x10000xf32, #tpu.memory_space<hbm>> -> memref<1x1x10000xf32, #tpu.memory_space<hbm>>
      %dma_wait3A_102 = tpu.memref_squeeze %dma_wait3A_101 : memref<1x1x10000xf32, #tpu.memory_space<hbm>> -> memref<10000xf32, #tpu.memory_space<hbm>>
      %dma_wait3A_103 = arith.constant 0 : i32
      %dma_wait3A_104 = tpu.memref_slice %arg5[%select_n3A_9, %add3A_87, %dma_wait3A_103] : memref<4x32x10000xf32, #tpu.memory_space<hbm>> -> memref<1x1x10000xf32, #tpu.memory_space<hbm>>
      %dma_wait3A_105 = tpu.memref_squeeze %dma_wait3A_104 : memref<1x1x10000xf32, #tpu.memory_space<hbm>> -> memref<10000xf32, #tpu.memory_space<hbm>>
      tpu.wait_dma2 semaphore(%run_scoped3A : memref<!tpu.dma_semaphore, #tpu.memory_space<semaphore_mem>>) src(%arg9 : memref<10000xf32, #tpu.memory_space<vmem>>) dst(%dma_wait3A_105 : memref<10000xf32, #tpu.memory_space<hbm>>)
      tpu.yield
    }) : () -> ()
    %add3A_88 = arith.constant 1 : i32
    %add3A_89 = arith.addi %mul3A_32, %add3A_88 : i32
    "tpu.region"() ({
      %run_scoped3A = tpu.sem_alloc : memref<!tpu.dma_semaphore, #tpu.memory_space<semaphore_mem>>
      %dma_start3A_94 = arith.constant 0 : i32
      %dma_start3A_95 = tpu.memref_slice %arg5[%select_n3A_9, %add3A_89, %dma_start3A_94] : memref<4x32x10000xf32, #tpu.memory_space<hbm>> -> memref<1x1x10000xf32, #tpu.memory_space<hbm>>
      %dma_start3A_96 = tpu.memref_squeeze %dma_start3A_95 : memref<1x1x10000xf32, #tpu.memory_space<hbm>> -> memref<10000xf32, #tpu.memory_space<hbm>>
      %dma_start3A_97 = arith.constant 0 : i32
      %dma_start3A_98 = tpu.memref_slice %arg5[%select_n3A_9, %add3A_89, %dma_start3A_97] : memref<4x32x10000xf32, #tpu.memory_space<hbm>> -> memref<1x1x10000xf32, #tpu.memory_space<hbm>>
      %dma_start3A_99 = tpu.memref_squeeze %dma_start3A_98 : memref<1x1x10000xf32, #tpu.memory_space<hbm>> -> memref<10000xf32, #tpu.memory_space<hbm>>
      tpu.enqueue_dma source(%arg10 : memref<10000xf32, #tpu.memory_space<vmem>>) target(%dma_start3A_99 : memref<10000xf32, #tpu.memory_space<hbm>>) target_semaphore(%run_scoped3A : memref<!tpu.dma_semaphore, #tpu.memory_space<semaphore_mem>>)
      %dma_wait3A_100 = arith.constant 0 : i32
      %dma_wait3A_101 = tpu.memref_slice %arg5[%select_n3A_9, %add3A_89, %dma_wait3A_100] : memref<4x32x10000xf32, #tpu.memory_space<hbm>> -> memref<1x1x10000xf32, #tpu.memory_space<hbm>>
      %dma_wait3A_102 = tpu.memref_squeeze %dma_wait3A_101 : memref<1x1x10000xf32, #tpu.memory_space<hbm>> -> memref<10000xf32, #tpu.memory_space<hbm>>
      %dma_wait3A_103 = arith.constant 0 : i32
      %dma_wait3A_104 = tpu.memref_slice %arg5[%select_n3A_9, %add3A_89, %dma_wait3A_103] : memref<4x32x10000xf32, #tpu.memory_space<hbm>> -> memref<1x1x10000xf32, #tpu.memory_space<hbm>>
      %dma_wait3A_105 = tpu.memref_squeeze %dma_wait3A_104 : memref<1x1x10000xf32, #tpu.memory_space<hbm>> -> memref<10000xf32, #tpu.memory_space<hbm>>
      tpu.wait_dma2 semaphore(%run_scoped3A : memref<!tpu.dma_semaphore, #tpu.memory_space<semaphore_mem>>) src(%arg10 : memref<10000xf32, #tpu.memory_space<vmem>>) dst(%dma_wait3A_105 : memref<10000xf32, #tpu.memory_space<hbm>>)
      tpu.yield
    }) : () -> ()
    %add3A_90 = arith.constant 1 : i32
    %add3A_91 = arith.addi %mul3A_32, %add3A_90 : i32
    %add3A_92 = arith.constant 16 : i32
    %add3A_93 = arith.addi %add3A_91, %add3A_92 : i32
    "tpu.region"() ({
      %run_scoped3A = tpu.sem_alloc : memref<!tpu.dma_semaphore, #tpu.memory_space<semaphore_mem>>
      %dma_start3A_94 = arith.constant 0 : i32
      %dma_start3A_95 = tpu.memref_slice %arg5[%select_n3A_9, %add3A_93, %dma_start3A_94] : memref<4x32x10000xf32, #tpu.memory_space<hbm>> -> memref<1x1x10000xf32, #tpu.memory_space<hbm>>
      %dma_start3A_96 = tpu.memref_squeeze %dma_start3A_95 : memref<1x1x10000xf32, #tpu.memory_space<hbm>> -> memref<10000xf32, #tpu.memory_space<hbm>>
      %dma_start3A_97 = arith.constant 0 : i32
      %dma_start3A_98 = tpu.memref_slice %arg5[%select_n3A_9, %add3A_93, %dma_start3A_97] : memref<4x32x10000xf32, #tpu.memory_space<hbm>> -> memref<1x1x10000xf32, #tpu.memory_space<hbm>>
      %dma_start3A_99 = tpu.memref_squeeze %dma_start3A_98 : memref<1x1x10000xf32, #tpu.memory_space<hbm>> -> memref<10000xf32, #tpu.memory_space<hbm>>
      tpu.enqueue_dma source(%arg11 : memref<10000xf32, #tpu.memory_space<vmem>>) target(%dma_start3A_99 : memref<10000xf32, #tpu.memory_space<hbm>>) target_semaphore(%run_scoped3A : memref<!tpu.dma_semaphore, #tpu.memory_space<semaphore_mem>>)
      %dma_wait3A_100 = arith.constant 0 : i32
      %dma_wait3A_101 = tpu.memref_slice %arg5[%select_n3A_9, %add3A_93, %dma_wait3A_100] : memref<4x32x10000xf32, #tpu.memory_space<hbm>> -> memref<1x1x10000xf32, #tpu.memory_space<hbm>>
      %dma_wait3A_102 = tpu.memref_squeeze %dma_wait3A_101 : memref<1x1x10000xf32, #tpu.memory_space<hbm>> -> memref<10000xf32, #tpu.memory_space<hbm>>
      %dma_wait3A_103 = arith.constant 0 : i32
      %dma_wait3A_104 = tpu.memref_slice %arg5[%select_n3A_9, %add3A_93, %dma_wait3A_103] : memref<4x32x10000xf32, #tpu.memory_space<hbm>> -> memref<1x1x10000xf32, #tpu.memory_space<hbm>>
      %dma_wait3A_105 = tpu.memref_squeeze %dma_wait3A_104 : memref<1x1x10000xf32, #tpu.memory_space<hbm>> -> memref<10000xf32, #tpu.memory_space<hbm>>
      tpu.wait_dma2 semaphore(%run_scoped3A : memref<!tpu.dma_semaphore, #tpu.memory_space<semaphore_mem>>) src(%arg11 : memref<10000xf32, #tpu.memory_space<vmem>>) dst(%dma_wait3A_105 : memref<10000xf32, #tpu.memory_space<hbm>>)
      tpu.yield
    }) : () -> ()
    return
  }
}

module attributes {stable_mosaic.version = 14 : i64} {
  func.func @body(%arg0: i32, %arg1: memref<4x32x2048xf32, #tpu.memory_space<vmem>>, %arg2: memref<32x2048xf32, #tpu.memory_space<vmem>>, %arg3: memref<1x2048xf32, #tpu.memory_space<vmem>>, %arg4: memref<32x1xf32, #tpu.memory_space<vmem>>, %arg5: memref<32x32xf32, #tpu.memory_space<vmem>>, %arg6: memref<32x2048xf32, #tpu.memory_space<vmem>>, %arg7: memref<16x2048xi32, #tpu.memory_space<vmem>>) attributes {dimension_semantics = [#tpu.dimension_semantics<arbitrary>], iteration_bounds = array<i64: 5>, scalar_prefetch = 0 : i64, scratch_operands = 0 : i64, tpu.core_type = #tpu.core_type<tc>, window_params = [{transform_indices = @transform_0, window_bounds = array<i64: 4, 32, 2048>}, {transform_indices = @transform_1, window_bounds = array<i64: 32, 2048>}, {transform_indices = @transform_2, window_bounds = array<i64: 1, 2048>}, {pipeline_mode = #tpu.pipeline_mode<synchronous>, transform_indices = @transform_3, window_bounds = array<i64: 32, 1>}, {pipeline_mode = #tpu.pipeline_mode<synchronous>, transform_indices = @transform_4, window_bounds = array<i64: 32, 32>}, {transform_indices = @transform_5, window_bounds = array<i64: 32, 2048>}, {transform_indices = @transform_6, window_bounds = array<i64: 16, 2048>}]} {
    %get3A = arith.constant 0 : index
    %get3A_0 = arith.constant 0 : index
    %get3A_1 = arith.constant 0 : index
    %get3A_2 = vector.load %arg1[%get3A, %get3A_0, %get3A_1] : memref<4x32x2048xf32, #tpu.memory_space<vmem>>, vector<4x32x2048xf32>
    %reduce_sum3A = arith.constant dense<0.000000e+00> : vector<32x2048xf32>
    %reduce_sum3A_3 = vector.multi_reduction <add>, %get3A_2, %reduce_sum3A [0] : vector<4x32x2048xf32> to vector<32x2048xf32>
    %get3A_4 = arith.constant 0 : index
    %get3A_5 = arith.constant 0 : index
    %get3A_6 = vector.load %arg3[%get3A_4, %get3A_5] : memref<1x2048xf32, #tpu.memory_space<vmem>>, vector<1x2048xf32>
    %get3A_7 = arith.constant 0 : index
    %get3A_8 = arith.constant 0 : index
    %get3A_9 = vector.load %arg2[%get3A_7, %get3A_8] : memref<32x2048xf32, #tpu.memory_space<vmem>>, vector<32x2048xf32>
    %add3A = arith.addf %reduce_sum3A_3, %get3A_9 : vector<32x2048xf32>
    %mul3A = vector.broadcast %get3A_6 : vector<1x2048xf32> to vector<32x2048xf32>
    %mul3A_10 = arith.mulf %mul3A, %add3A : vector<32x2048xf32>
    %get3A_11 = arith.constant 0 : index
    %get3A_12 = arith.constant 0 : index
    %get3A_13 = vector.load %arg4[%get3A_11, %get3A_12] : memref<32x1xf32, #tpu.memory_space<vmem>>, vector<32x1xf32>
    %add3A_14 = vector.broadcast %get3A_13 : vector<32x1xf32> to vector<32x2048xf32>
    %add3A_15 = arith.addf %mul3A_10, %add3A_14 : vector<32x2048xf32>
    %max3A = arith.constant 0.000000e+00 : f32
    %max3A_16 = vector.broadcast %max3A : f32 to vector<32x2048xf32>
    %max3A_17 = arith.maximumf %add3A_15, %max3A_16 : vector<32x2048xf32>
    %get3A_18 = arith.constant 0 : index
    %get3A_19 = arith.constant 0 : index
    %get3A_20 = vector.load %arg5[%get3A_18, %get3A_19] : memref<32x32xf32, #tpu.memory_space<vmem>>, vector<32x32xf32>
    %dot_general3A = arith.constant dense<0.000000e+00> : vector<32x2048xf32>
    %dot_general3A_21 = tpu.matmul %get3A_20, %max3A_17, %dot_general3A {dimension_numbers = #tpu.dot_dimension_numbers<[0], [0], [1], [1], [0, 1, 1, 1], [], []>, transpose_lhs_hint = false} : vector<32x32xf32>, vector<32x2048xf32>, vector<32x2048xf32> -> vector<32x2048xf32>
    %mul3A_22 = vector.broadcast %get3A_6 : vector<1x2048xf32> to vector<32x2048xf32>
    %mul3A_23 = arith.mulf %dot_general3A_21, %mul3A_22 : vector<32x2048xf32>
    %swap3A = arith.constant 0 : index
    %swap3A_24 = arith.constant 0 : index
    %swap3A_25 = vector.load %arg6[%swap3A, %swap3A_24] : memref<32x2048xf32, #tpu.memory_space<vmem>>, vector<32x2048xf32>
    tpu.vector_store %arg6[%swap3A, %swap3A_24], %mul3A_23 {strides = array<i32>} : memref<32x2048xf32, #tpu.memory_space<vmem>>, vector<32x2048xf32>,
    %slice3A = vector.extract_strided_slice %mul3A_23 {offsets = [0, 0], sizes = [16, 2048], strides = [1, 1]} : vector<32x2048xf32> to vector<16x2048xf32>
    %convert_element_type3A = arith.truncf %slice3A : vector<16x2048xf32> to vector<16x2048xbf16>
    %bitcast_convert_type3A = tpu.bitcast %convert_element_type3A : vector<16x2048xbf16> -> vector<16x2048xi16>
    %convert_element_type3A_26 = arith.extui %bitcast_convert_type3A : vector<16x2048xi16> to vector<16x2048xi32>
    %slice3A_27 = vector.extract_strided_slice %mul3A_23 {offsets = [16, 0], sizes = [16, 2048], strides = [1, 1]} : vector<32x2048xf32> to vector<16x2048xf32>
    %convert_element_type3A_28 = arith.truncf %slice3A_27 : vector<16x2048xf32> to vector<16x2048xbf16>
    %bitcast_convert_type3A_29 = tpu.bitcast %convert_element_type3A_28 : vector<16x2048xbf16> -> vector<16x2048xi16>
    %convert_element_type3A_30 = arith.extui %bitcast_convert_type3A_29 : vector<16x2048xi16> to vector<16x2048xi32>
    %shift_left3A = arith.constant 16 : i32
    %shift_left3A_31 = vector.broadcast %shift_left3A : i32 to vector<16x2048xi32>
    %shift_left3A_32 = arith.shli %convert_element_type3A_30, %shift_left3A_31 : vector<16x2048xi32>
    %or3A = arith.ori %shift_left3A_32, %convert_element_type3A_26 : vector<16x2048xi32>
    %bitcast_convert_type3A_33 = tpu.bitcast %or3A : vector<16x2048xi32> -> vector<16x2048xi32>
    %swap3A_34 = arith.constant 0 : index
    %swap3A_35 = arith.constant 0 : index
    %swap3A_36 = vector.load %arg7[%swap3A_34, %swap3A_35] : memref<16x2048xi32, #tpu.memory_space<vmem>>, vector<16x2048xi32>
    tpu.vector_store %arg7[%swap3A_34, %swap3A_35], %bitcast_convert_type3A_33 {strides = array<i32>} : memref<16x2048xi32, #tpu.memory_space<vmem>>, vector<16x2048xi32>,
    return
  }
  func.func @transform_0(%arg0: i32) -> (i32, i32, i32) {
    %c0_i32 = arith.constant 0 : i32
    %c0_i32_0 = arith.constant 0 : i32
    %c0_i32_1 = arith.constant 0 : i32
    return %c0_i32, %c0_i32_0, %arg0 : i32, i32, i32
  }
  func.func @transform_1(%arg0: i32) -> (i32, i32) {
    %c0_i32 = arith.constant 0 : i32
    %c0_i32_0 = arith.constant 0 : i32
    return %c0_i32, %arg0 : i32, i32
  }
  func.func @transform_2(%arg0: i32) -> (i32, i32) {
    %c0_i32 = arith.constant 0 : i32
    %c0_i32_0 = arith.constant 0 : i32
    return %c0_i32, %arg0 : i32, i32
  }
  func.func @transform_3(%arg0: i32) -> (i32, i32) {
    %c0_i32 = arith.constant 0 : i32
    %c0_i32_0 = arith.constant 0 : i32
    %c0_i32_1 = arith.constant 0 : i32
    return %c0_i32, %c0_i32_0 : i32, i32
  }
  func.func @transform_4(%arg0: i32) -> (i32, i32) {
    %c0_i32 = arith.constant 0 : i32
    %c0_i32_0 = arith.constant 0 : i32
    %c0_i32_1 = arith.constant 0 : i32
    return %c0_i32, %c0_i32_0 : i32, i32
  }
  func.func @transform_5(%arg0: i32) -> (i32, i32) {
    %c0_i32 = arith.constant 0 : i32
    %c0_i32_0 = arith.constant 0 : i32
    return %c0_i32, %arg0 : i32, i32
  }
  func.func @transform_6(%arg0: i32) -> (i32, i32) {
    %c0_i32 = arith.constant 0 : i32
    %c0_i32_0 = arith.constant 0 : i32
    return %c0_i32, %arg0 : i32, i32
  }
}

module attributes {stable_mosaic.version = 14 : i64} {
  func.func @body(%arg0: i32, %arg1: memref<32x2048xf32, #tpu.memory_space<vmem>>, %arg2: memref<2048x128xf32, #tpu.memory_space<vmem>>, %arg3: memref<128x32xf32, #tpu.memory_space<vmem>>, %arg4: memref<32x2048xf32, #tpu.memory_space<vmem>>, %arg5: memref<1x2048xf32, #tpu.memory_space<vmem>>, %arg6: memref<16x2048xi32, #tpu.memory_space<vmem>>) attributes {dimension_semantics = [#tpu.dimension_semantics<arbitrary>], iteration_bounds = array<i64: 5>, scalar_prefetch = 0 : i64, scratch_operands = 0 : i64, tpu.core_type = #tpu.core_type<tc>, window_params = [{transform_indices = @transform_0, window_bounds = array<i64: 32, 2048>}, {transform_indices = @transform_1, window_bounds = array<i64: 2048, 128>}, {pipeline_mode = #tpu.pipeline_mode<synchronous>, transform_indices = @transform_2, window_bounds = array<i64: 128, 32>}, {transform_indices = @transform_3, window_bounds = array<i64: 32, 2048>}, {transform_indices = @transform_4, window_bounds = array<i64: 1, 2048>}, {transform_indices = @transform_5, window_bounds = array<i64: 16, 2048>}]} {
    %get3A = arith.constant 0 : index
    %get3A_0 = arith.constant 0 : index
    %get3A_1 = vector.load %arg1[%get3A, %get3A_0] : memref<32x2048xf32, #tpu.memory_space<vmem>>, vector<32x2048xf32>
    %reduce_sum3A = arith.constant dense<0.000000e+00> : vector<2048xf32>
    %reduce_sum3A_2 = vector.multi_reduction <add>, %get3A_1, %reduce_sum3A [0] : vector<32x2048xf32> to vector<2048xf32>
    %broadcast_in_dim3A = vector.shape_cast %reduce_sum3A_2 : vector<2048xf32> to vector<1x2048xf32>
    %add3A = arith.constant 1.000000e+00 : f32
    %add3A_3 = vector.broadcast %add3A : f32 to vector<1x2048xf32>
    %add3A_4 = arith.addf %broadcast_in_dim3A, %add3A_3 : vector<1x2048xf32>
    %rsqrt3A = math.rsqrt %add3A_4 : vector<1x2048xf32>
    %get3A_5 = arith.constant 0 : index
    %get3A_6 = arith.constant 0 : index
    %get3A_7 = vector.load %arg3[%get3A_5, %get3A_6] : memref<128x32xf32, #tpu.memory_space<vmem>>, vector<128x32xf32>
    %get3A_8 = arith.constant 0 : index
    %get3A_9 = arith.constant 0 : index
    %get3A_10 = vector.load %arg2[%get3A_8, %get3A_9] : memref<2048x128xf32, #tpu.memory_space<vmem>>, vector<2048x128xf32>
    %dot_general3A = arith.constant dense<0.000000e+00> : vector<32x2048xf32>
    %dot_general3A_11 = tpu.matmul %get3A_7, %get3A_10, %dot_general3A {dimension_numbers = #tpu.dot_dimension_numbers<[0], [1], [1], [0], [0, 1, 1, 0], [], []>, transpose_lhs_hint = false} : vector<128x32xf32>, vector<2048x128xf32>, vector<32x2048xf32> -> vector<32x2048xf32>
    %mul3A = vector.broadcast %rsqrt3A : vector<1x2048xf32> to vector<32x2048xf32>
    %mul3A_12 = arith.mulf %dot_general3A_11, %mul3A : vector<32x2048xf32>
    %swap3A = arith.constant 0 : index
    %swap3A_13 = arith.constant 0 : index
    %swap3A_14 = vector.load %arg4[%swap3A, %swap3A_13] : memref<32x2048xf32, #tpu.memory_space<vmem>>, vector<32x2048xf32>
    tpu.vector_store %arg4[%swap3A, %swap3A_13], %mul3A_12 {strides = array<i32>} : memref<32x2048xf32, #tpu.memory_space<vmem>>, vector<32x2048xf32>,
    %swap3A_15 = arith.constant 0 : index
    %swap3A_16 = arith.constant 0 : index
    %swap3A_17 = vector.load %arg5[%swap3A_15, %swap3A_16] : memref<1x2048xf32, #tpu.memory_space<vmem>>, vector<1x2048xf32>
    tpu.vector_store %arg5[%swap3A_15, %swap3A_16], %rsqrt3A {strides = array<i32>} : memref<1x2048xf32, #tpu.memory_space<vmem>>, vector<1x2048xf32>,
    %slice3A = vector.extract_strided_slice %mul3A_12 {offsets = [0, 0], sizes = [16, 2048], strides = [1, 1]} : vector<32x2048xf32> to vector<16x2048xf32>
    %convert_element_type3A = arith.truncf %slice3A : vector<16x2048xf32> to vector<16x2048xbf16>
    %bitcast_convert_type3A = tpu.bitcast %convert_element_type3A : vector<16x2048xbf16> -> vector<16x2048xi16>
    %convert_element_type3A_18 = arith.extui %bitcast_convert_type3A : vector<16x2048xi16> to vector<16x2048xi32>
    %slice3A_19 = vector.extract_strided_slice %mul3A_12 {offsets = [16, 0], sizes = [16, 2048], strides = [1, 1]} : vector<32x2048xf32> to vector<16x2048xf32>
    %convert_element_type3A_20 = arith.truncf %slice3A_19 : vector<16x2048xf32> to vector<16x2048xbf16>
    %bitcast_convert_type3A_21 = tpu.bitcast %convert_element_type3A_20 : vector<16x2048xbf16> -> vector<16x2048xi16>
    %convert_element_type3A_22 = arith.extui %bitcast_convert_type3A_21 : vector<16x2048xi16> to vector<16x2048xi32>
    %shift_left3A = arith.constant 16 : i32
    %shift_left3A_23 = vector.broadcast %shift_left3A : i32 to vector<16x2048xi32>
    %shift_left3A_24 = arith.shli %convert_element_type3A_22, %shift_left3A_23 : vector<16x2048xi32>
    %or3A = arith.ori %shift_left3A_24, %convert_element_type3A_18 : vector<16x2048xi32>
    %bitcast_convert_type3A_25 = tpu.bitcast %or3A : vector<16x2048xi32> -> vector<16x2048xi32>
    %swap3A_26 = arith.constant 0 : index
    %swap3A_27 = arith.constant 0 : index
    %swap3A_28 = vector.load %arg6[%swap3A_26, %swap3A_27] : memref<16x2048xi32, #tpu.memory_space<vmem>>, vector<16x2048xi32>
    tpu.vector_store %arg6[%swap3A_26, %swap3A_27], %bitcast_convert_type3A_25 {strides = array<i32>} : memref<16x2048xi32, #tpu.memory_space<vmem>>, vector<16x2048xi32>,
    return
  }
  func.func @transform_0(%arg0: i32) -> (i32, i32) {
    %c0_i32 = arith.constant 0 : i32
    %c0_i32_0 = arith.constant 0 : i32
    return %c0_i32, %arg0 : i32, i32
  }
  func.func @transform_1(%arg0: i32) -> (i32, i32) {
    %c0_i32 = arith.constant 0 : i32
    %c0_i32_0 = arith.constant 0 : i32
    return %arg0, %c0_i32 : i32, i32
  }
  func.func @transform_2(%arg0: i32) -> (i32, i32) {
    %c0_i32 = arith.constant 0 : i32
    %c0_i32_0 = arith.constant 0 : i32
    %c0_i32_1 = arith.constant 0 : i32
    return %c0_i32, %c0_i32_0 : i32, i32
  }
  func.func @transform_3(%arg0: i32) -> (i32, i32) {
    %c0_i32 = arith.constant 0 : i32
    %c0_i32_0 = arith.constant 0 : i32
    return %c0_i32, %arg0 : i32, i32
  }
  func.func @transform_4(%arg0: i32) -> (i32, i32) {
    %c0_i32 = arith.constant 0 : i32
    %c0_i32_0 = arith.constant 0 : i32
    return %c0_i32, %arg0 : i32, i32
  }
  func.func @transform_5(%arg0: i32) -> (i32, i32) {
    %c0_i32 = arith.constant 0 : i32
    %c0_i32_0 = arith.constant 0 : i32
    return %c0_i32, %arg0 : i32, i32
  }
}

module attributes {stable_mosaic.version = 14 : i64} {
  func.func @body(%arg0: i32, %arg1: memref<4x32x2048xf32, #tpu.memory_space<vmem>>, %arg2: memref<32x2048xf32, #tpu.memory_space<vmem>>, %arg3: memref<1x2048xf32, #tpu.memory_space<vmem>>, %arg4: memref<32x1xf32, #tpu.memory_space<vmem>>, %arg5: memref<32x2xf32, #tpu.memory_space<vmem>>, %arg6: memref<2x2048xf32, #tpu.memory_space<vmem>>, %arg7: memref<1x2048xi32, #tpu.memory_space<vmem>>) attributes {dimension_semantics = [#tpu.dimension_semantics<arbitrary>], iteration_bounds = array<i64: 5>, scalar_prefetch = 0 : i64, scratch_operands = 0 : i64, tpu.core_type = #tpu.core_type<tc>, window_params = [{transform_indices = @transform_0, window_bounds = array<i64: 4, 32, 2048>}, {transform_indices = @transform_1, window_bounds = array<i64: 32, 2048>}, {transform_indices = @transform_2, window_bounds = array<i64: 1, 2048>}, {pipeline_mode = #tpu.pipeline_mode<synchronous>, transform_indices = @transform_3, window_bounds = array<i64: 32, 1>}, {pipeline_mode = #tpu.pipeline_mode<synchronous>, transform_indices = @transform_4, window_bounds = array<i64: 32, 2>}, {transform_indices = @transform_5, window_bounds = array<i64: 2, 2048>}, {transform_indices = @transform_6, window_bounds = array<i64: 1, 2048>}]} {
    %get3A = arith.constant 0 : index
    %get3A_0 = arith.constant 0 : index
    %get3A_1 = arith.constant 0 : index
    %get3A_2 = vector.load %arg1[%get3A, %get3A_0, %get3A_1] : memref<4x32x2048xf32, #tpu.memory_space<vmem>>, vector<4x32x2048xf32>
    %reduce_sum3A = arith.constant dense<0.000000e+00> : vector<32x2048xf32>
    %reduce_sum3A_3 = vector.multi_reduction <add>, %get3A_2, %reduce_sum3A [0] : vector<4x32x2048xf32> to vector<32x2048xf32>
    %get3A_4 = arith.constant 0 : index
    %get3A_5 = arith.constant 0 : index
    %get3A_6 = vector.load %arg3[%get3A_4, %get3A_5] : memref<1x2048xf32, #tpu.memory_space<vmem>>, vector<1x2048xf32>
    %get3A_7 = arith.constant 0 : index
    %get3A_8 = arith.constant 0 : index
    %get3A_9 = vector.load %arg2[%get3A_7, %get3A_8] : memref<32x2048xf32, #tpu.memory_space<vmem>>, vector<32x2048xf32>
    %add3A = arith.addf %reduce_sum3A_3, %get3A_9 : vector<32x2048xf32>
    %mul3A = vector.broadcast %get3A_6 : vector<1x2048xf32> to vector<32x2048xf32>
    %mul3A_10 = arith.mulf %mul3A, %add3A : vector<32x2048xf32>
    %get3A_11 = arith.constant 0 : index
    %get3A_12 = arith.constant 0 : index
    %get3A_13 = vector.load %arg4[%get3A_11, %get3A_12] : memref<32x1xf32, #tpu.memory_space<vmem>>, vector<32x1xf32>
    %add3A_14 = vector.broadcast %get3A_13 : vector<32x1xf32> to vector<32x2048xf32>
    %add3A_15 = arith.addf %mul3A_10, %add3A_14 : vector<32x2048xf32>
    %max3A = arith.constant 0.000000e+00 : f32
    %max3A_16 = vector.broadcast %max3A : f32 to vector<32x2048xf32>
    %max3A_17 = arith.maximumf %add3A_15, %max3A_16 : vector<32x2048xf32>
    %get3A_18 = arith.constant 0 : index
    %get3A_19 = arith.constant 0 : index
    %get3A_20 = vector.load %arg5[%get3A_18, %get3A_19] : memref<32x2xf32, #tpu.memory_space<vmem>>, vector<32x2xf32>
    %dot_general3A = arith.constant dense<0.000000e+00> : vector<2x2048xf32>
    %dot_general3A_21 = tpu.matmul %get3A_20, %max3A_17, %dot_general3A {dimension_numbers = #tpu.dot_dimension_numbers<[0], [0], [1], [1], [0, 1, 1, 1], [], []>, transpose_lhs_hint = false} : vector<32x2xf32>, vector<32x2048xf32>, vector<2x2048xf32> -> vector<2x2048xf32>
    %mul3A_22 = vector.broadcast %get3A_6 : vector<1x2048xf32> to vector<2x2048xf32>
    %mul3A_23 = arith.mulf %dot_general3A_21, %mul3A_22 : vector<2x2048xf32>
    %swap3A = arith.constant 0 : index
    %swap3A_24 = arith.constant 0 : index
    %swap3A_25 = vector.load %arg6[%swap3A, %swap3A_24] : memref<2x2048xf32, #tpu.memory_space<vmem>>, vector<2x2048xf32>
    tpu.vector_store %arg6[%swap3A, %swap3A_24], %mul3A_23 {strides = array<i32>} : memref<2x2048xf32, #tpu.memory_space<vmem>>, vector<2x2048xf32>,
    %slice3A = vector.extract_strided_slice %mul3A_23 {offsets = [0, 0], sizes = [1, 2048], strides = [1, 1]} : vector<2x2048xf32> to vector<1x2048xf32>
    %convert_element_type3A = arith.truncf %slice3A : vector<1x2048xf32> to vector<1x2048xbf16>
    %bitcast_convert_type3A = tpu.bitcast %convert_element_type3A : vector<1x2048xbf16> -> vector<1x2048xi16>
    %convert_element_type3A_26 = arith.extui %bitcast_convert_type3A : vector<1x2048xi16> to vector<1x2048xi32>
    %slice3A_27 = vector.extract_strided_slice %mul3A_23 {offsets = [1, 0], sizes = [1, 2048], strides = [1, 1]} : vector<2x2048xf32> to vector<1x2048xf32>
    %convert_element_type3A_28 = arith.truncf %slice3A_27 : vector<1x2048xf32> to vector<1x2048xbf16>
    %bitcast_convert_type3A_29 = tpu.bitcast %convert_element_type3A_28 : vector<1x2048xbf16> -> vector<1x2048xi16>
    %convert_element_type3A_30 = arith.extui %bitcast_convert_type3A_29 : vector<1x2048xi16> to vector<1x2048xi32>
    %shift_left3A = arith.constant 16 : i32
    %shift_left3A_31 = vector.broadcast %shift_left3A : i32 to vector<1x2048xi32>
    %shift_left3A_32 = arith.shli %convert_element_type3A_30, %shift_left3A_31 : vector<1x2048xi32>
    %or3A = arith.ori %shift_left3A_32, %convert_element_type3A_26 : vector<1x2048xi32>
    %bitcast_convert_type3A_33 = tpu.bitcast %or3A : vector<1x2048xi32> -> vector<1x2048xi32>
    %swap3A_34 = arith.constant 0 : index
    %swap3A_35 = arith.constant 0 : index
    %swap3A_36 = vector.load %arg7[%swap3A_34, %swap3A_35] : memref<1x2048xi32, #tpu.memory_space<vmem>>, vector<1x2048xi32>
    tpu.vector_store %arg7[%swap3A_34, %swap3A_35], %bitcast_convert_type3A_33 {strides = array<i32>} : memref<1x2048xi32, #tpu.memory_space<vmem>>, vector<1x2048xi32>,
    return
  }
  func.func @transform_0(%arg0: i32) -> (i32, i32, i32) {
    %c0_i32 = arith.constant 0 : i32
    %c0_i32_0 = arith.constant 0 : i32
    %c0_i32_1 = arith.constant 0 : i32
    return %c0_i32, %c0_i32_0, %arg0 : i32, i32, i32
  }
  func.func @transform_1(%arg0: i32) -> (i32, i32) {
    %c0_i32 = arith.constant 0 : i32
    %c0_i32_0 = arith.constant 0 : i32
    return %c0_i32, %arg0 : i32, i32
  }
  func.func @transform_2(%arg0: i32) -> (i32, i32) {
    %c0_i32 = arith.constant 0 : i32
    %c0_i32_0 = arith.constant 0 : i32
    return %c0_i32, %arg0 : i32, i32
  }
  func.func @transform_3(%arg0: i32) -> (i32, i32) {
    %c0_i32 = arith.constant 0 : i32
    %c0_i32_0 = arith.constant 0 : i32
    %c0_i32_1 = arith.constant 0 : i32
    return %c0_i32, %c0_i32_0 : i32, i32
  }
  func.func @transform_4(%arg0: i32) -> (i32, i32) {
    %c0_i32 = arith.constant 0 : i32
    %c0_i32_0 = arith.constant 0 : i32
    %c0_i32_1 = arith.constant 0 : i32
    return %c0_i32, %c0_i32_0 : i32, i32
  }
  func.func @transform_5(%arg0: i32) -> (i32, i32) {
    %c0_i32 = arith.constant 0 : i32
    %c0_i32_0 = arith.constant 0 : i32
    return %c0_i32, %arg0 : i32, i32
  }
  func.func @transform_6(%arg0: i32) -> (i32, i32) {
    %c0_i32 = arith.constant 0 : i32
    %c0_i32_0 = arith.constant 0 : i32
    return %c0_i32, %arg0 : i32, i32
  }
}

module attributes {stable_mosaic.version = 14 : i64} {
  func.func @body(%arg0: i32, %arg1: memref<32x2x2048xf32, #tpu.memory_space<vmem>>, %arg2: memref<2x2048xf32, #tpu.memory_space<vmem>>, %arg3: memref<1x2048xf32, #tpu.memory_space<vmem>>, %arg4: memref<2x1xf32, #tpu.memory_space<vmem>>, %arg5: memref<2x2048xf32, #tpu.memory_space<vmem>>) attributes {dimension_semantics = [#tpu.dimension_semantics<arbitrary>], iteration_bounds = array<i64: 5>, scalar_prefetch = 0 : i64, scratch_operands = 0 : i64, tpu.core_type = #tpu.core_type<tc>, window_params = [{transform_indices = @transform_0, window_bounds = array<i64: 32, 2, 2048>}, {transform_indices = @transform_1, window_bounds = array<i64: 2, 2048>}, {transform_indices = @transform_2, window_bounds = array<i64: 1, 2048>}, {pipeline_mode = #tpu.pipeline_mode<synchronous>, transform_indices = @transform_3, window_bounds = array<i64: 2, 1>}, {transform_indices = @transform_4, window_bounds = array<i64: 2, 2048>}]} {
    %get3A = arith.constant 0 : index
    %get3A_0 = arith.constant 0 : index
    %get3A_1 = arith.constant 0 : index
    %get3A_2 = vector.load %arg1[%get3A, %get3A_0, %get3A_1] : memref<32x2x2048xf32, #tpu.memory_space<vmem>>, vector<32x2x2048xf32>
    %reduce_sum3A = arith.constant dense<0.000000e+00> : vector<2x2048xf32>
    %reduce_sum3A_3 = vector.multi_reduction <add>, %get3A_2, %reduce_sum3A [0] : vector<32x2x2048xf32> to vector<2x2048xf32>
    %get3A_4 = arith.constant 0 : index
    %get3A_5 = arith.constant 0 : index
    %get3A_6 = vector.load %arg3[%get3A_4, %get3A_5] : memref<1x2048xf32, #tpu.memory_space<vmem>>, vector<1x2048xf32>
    %get3A_7 = arith.constant 0 : index
    %get3A_8 = arith.constant 0 : index
    %get3A_9 = vector.load %arg2[%get3A_7, %get3A_8] : memref<2x2048xf32, #tpu.memory_space<vmem>>, vector<2x2048xf32>
    %add3A = arith.addf %reduce_sum3A_3, %get3A_9 : vector<2x2048xf32>
    %mul3A = vector.broadcast %get3A_6 : vector<1x2048xf32> to vector<2x2048xf32>
    %mul3A_10 = arith.mulf %mul3A, %add3A : vector<2x2048xf32>
    %get3A_11 = arith.constant 0 : index
    %get3A_12 = arith.constant 0 : index
    %get3A_13 = vector.load %arg4[%get3A_11, %get3A_12] : memref<2x1xf32, #tpu.memory_space<vmem>>, vector<2x1xf32>
    %add3A_14 = vector.broadcast %get3A_13 : vector<2x1xf32> to vector<2x2048xf32>
    %add3A_15 = arith.addf %mul3A_10, %add3A_14 : vector<2x2048xf32>
    %reduce_max3A = arith.constant dense<0xFF800000> : vector<2048xf32>
    %reduce_max3A_16 = vector.multi_reduction <maximumf>, %add3A_15, %reduce_max3A [0] : vector<2x2048xf32> to vector<2048xf32>
    %broadcast_in_dim3A = vector.shape_cast %reduce_max3A_16 : vector<2048xf32> to vector<1x2048xf32>
    %sub3A = vector.broadcast %broadcast_in_dim3A : vector<1x2048xf32> to vector<2x2048xf32>
    %sub3A_17 = arith.subf %add3A_15, %sub3A : vector<2x2048xf32>
    %exp3A = math.exp %sub3A_17 : vector<2x2048xf32>
    %reduce_sum3A_18 = arith.constant dense<0.000000e+00> : vector<2048xf32>
    %reduce_sum3A_19 = vector.multi_reduction <add>, %exp3A, %reduce_sum3A_18 [0] : vector<2x2048xf32> to vector<2048xf32>
    %broadcast_in_dim3A_20 = vector.shape_cast %reduce_sum3A_19 : vector<2048xf32> to vector<1x2048xf32>
    %log3A = math.log %broadcast_in_dim3A_20 : vector<1x2048xf32>
    %sub3A_21 = vector.broadcast %log3A : vector<1x2048xf32> to vector<2x2048xf32>
    %sub3A_22 = arith.subf %sub3A_17, %sub3A_21 : vector<2x2048xf32>
    %swap3A = arith.constant 0 : index
    %swap3A_23 = arith.constant 0 : index
    %swap3A_24 = vector.load %arg5[%swap3A, %swap3A_23] : memref<2x2048xf32, #tpu.memory_space<vmem>>, vector<2x2048xf32>
    tpu.vector_store %arg5[%swap3A, %swap3A_23], %sub3A_22 {strides = array<i32>} : memref<2x2048xf32, #tpu.memory_space<vmem>>, vector<2x2048xf32>,
    return
  }
  func.func @transform_0(%arg0: i32) -> (i32, i32, i32) {
    %c0_i32 = arith.constant 0 : i32
    %c0_i32_0 = arith.constant 0 : i32
    %c0_i32_1 = arith.constant 0 : i32
    return %c0_i32, %c0_i32_0, %arg0 : i32, i32, i32
  }
  func.func @transform_1(%arg0: i32) -> (i32, i32) {
    %c0_i32 = arith.constant 0 : i32
    %c0_i32_0 = arith.constant 0 : i32
    return %c0_i32, %arg0 : i32, i32
  }
  func.func @transform_2(%arg0: i32) -> (i32, i32) {
    %c0_i32 = arith.constant 0 : i32
    %c0_i32_0 = arith.constant 0 : i32
    return %c0_i32, %arg0 : i32, i32
  }
  func.func @transform_3(%arg0: i32) -> (i32, i32) {
    %c0_i32 = arith.constant 0 : i32
    %c0_i32_0 = arith.constant 0 : i32
    %c0_i32_1 = arith.constant 0 : i32
    return %c0_i32, %c0_i32_0 : i32, i32
  }
  func.func @transform_4(%arg0: i32) -> (i32, i32) {
    %c0_i32 = arith.constant 0 : i32
    %c0_i32_0 = arith.constant 0 : i32
    return %c0_i32, %arg0 : i32, i32
  }
}

</mosaic_0001>

<sc_bundles>
// kernel: kernel.10.cloned.1.call-start
scs
__scs_entry_jumppad:
0x0: {  	(pc) =	sbr.rel $0x88, $3  }
0x1: {  	(tag) =	ssettag $0x0;
	lr =	simm.s32 $0x1  }
0x2: {  	[smem:$0x3F98] =	sst lr;
	_ =	strace $0xD0000000  }
0x3: {  	_ = 	snop  }
0x4: {  	_ = 	snop  }
0x5: {  	_ = 	snop  }
0x6: {  	_ = 	snop  }
0x7: {  	_ = 	snop  }
__scs_overlays_trampoline_lowered:
0x8: {  	[smem:$0x3FA7] =	sst s0  }
0x9: {  	[smem:$0x3FA8] =	sst s1  }
0xa: {  	[smem:$0x3FA9] =	sst s2  }
0xb: {  	[smem:$0x3FAA] =	sst s3  }
0xc: {  	[smem:$0x3FAB] =	sst s4  }
0xd: {  	[smem:$0x3FAC] =	sst s5  }
0xe: {  	[smem:$0x3FAD] =	sst s6  }
0xf: {  	[smem:$0x3FAE] =	sst s7  }
0x10: {  	[smem:$0x3FAF] =	sst s8  }
0x11: {  	[smem:$0x3FB0] =	sst s9;
	s0 =	simm.s32 @!p0 $0x0  }
0x12: {  	s1 =	sld [smem:$0x3F96];
	s0 =	simm.s32 @p0 $0x1  }
0x13: {  	[smem:$0x3FB1] =	sst s0;
	s0 =	simm.s32 @!p1 $0x0  }
0x14: {  	s2 =	sld [smem:$0x3F95];
	s0 =	simm.s32 @p1 $0x1  }
0x15: {  	[smem:$0x3FB2] =	sst s0;
	s0 =	simm.s32 @!p2 $0x0  }
0x16: {  	s3 =	sld [smem:$0x3FDB];
	s0 =	simm.s32 @p2 $0x1  }
0x17: {  	s4 =	simm.s32 $0x1BF5;
	[smem:$0x3FB4] =	sst s0  }
0x18: {  	s0 =	sld [smem:$0x3F97];
	_ =	swait.ge [sflag:s4], $0x0  }
0x19: {  	s7 =	sld [smem:$0x3F98]  }
0x1a: {  	s8 =	sadd.s32 $0xFFFFE003, lr  }
0x1b: {  	s9 =	sadd.s32 $0xFFFFFEF7, lr;
	s5 =	simm.s32 $0xFFFFFFFF;
	p2 =	slt.u32 s8, $0xFFFFF086  }
0x1c: {  	p1 =	slt.u32 s9, $0xF7A;
	s5 =	simm.s32 @!p2 $0x0  }
0x1d: {  	s5 =	simm.s32 @p1 $0x1;
	p0 =	seq.s32 s7, s2  }
0x1e: {  	s7 =	smul.u32 @!p0 $0xF7A, s2;
	p2 =	seq.s32 @!p0 s5, $0x0  }
0x1f: {  	s9 =	smul.u32 $0xF7A, s1;
	s8 =	simm.s32 @!p0 $0x1BF5;
	p2 =	por !p2, p0  }
0x20: {  	[sflag:s8] =	ssyncset.s32 @!p0 $0xFFFFF086;
	s6 =	sadd.s32 @!p0 s3, s7;
	s7 =	simm.s32 @!p0 $0x108  }
0x21: {  	s3 =	sadd.s32 s3, s9;
	s6 =	sadd.s32 @!p0 $0x88, s6;
	s7 =	simm.s32 @p2 $0x1082  }
0x22: {  	[simem:s7], [sflag:s8] =	dma.local @!p0 [hbm:s6], $0xF7A  }
0x23: {  	s9 =	sor.u32 $0xD0000000, s2;
	s6 =	simm.s32 $0x108;
	_ =	swait.ge @!p0 [sflag:s8], $0x0  }
0x24: {  	s3 =	sadd.s32 $0x88, s3;
	s6 =	simm.s32 @!p1 $0x1082;
	[sflag:s4] =	ssyncset.s32 $0xFFFFF086  }
0x25: {  	[simem:s6], [sflag:s4] =	dma.local [hbm:s3], $0xF7A  }
0x26: {  	[smem:$0x3F98] =	sst s1;
	(tag) =	ssettag s2;
	_ =	strace s9  }
0x27: {  	s1 =	sld [smem:$0x3FA8]  }
0x28: {  	s2 =	sld [smem:$0x3FA9]  }
0x29: {  	s4 =	sld [smem:$0x3FAB]  }
0x2a: {  	p0 =	seq.s32 s5, $0x0;
	s5 =	sld [smem:$0x3FAC]  }
0x2b: {  	s6 =	sld [smem:$0x3FAD]  }
0x2c: {  	s7 =	sld [smem:$0x3FAE]  }
0x2d: {  	s3 =	simm.s32 $0x108;
	s8 =	sld [smem:$0x3FAF]  }
0x2e: {  	s3 =	simm.s32 @!p0 $0x1082;
	s9 =	sld [smem:$0x3FB0]  }
0x2f: {  	lr =	sadd.s32 s0, s3;
	s0 =	sld [smem:$0x3FA7]  }
0x30: {  	s3 =	sld [smem:$0x3FAA]  }
0x31: {  	[smem:$0x3FB3] =	sst s10  }
0x32: {  	s10 =	sld [smem:$0x3FB1];
	_ =	sdelay $0x3  }
0x33: {  	p0 =	seq.s32 s10, $0x1;
	s10 =	sld [smem:$0x3FB3];
	_ =	sdelay $0x3  }
0x34: {  	[smem:$0x3FB3] =	sst s10  }
0x35: {  	s10 =	sld [smem:$0x3FB2];
	_ =	sdelay $0x3  }
0x36: {  	p1 =	seq.s32 s10, $0x1;
	s10 =	sld [smem:$0x3FB3];
	_ =	sdelay $0x3  }
0x37: {  	[smem:$0x3FB3] =	sst s10  }
0x38: {  	s10 =	sld [smem:$0x3FB4]  }
0x39: {  	_ = 	snop;
	(pc) =	sbr.ind lr, $3  }
0x3a: {  	_ = 	snop  }
0x3b: {  	_ = 	snop  }
0x3c: {  	p2 =	seq.s32 s10, $0x1;
	s10 =	sld [smem:$0x3FB3]  }
0x3d: {  	_ =	shalt  }
0x3e: {  	_ =	shalt  }
0x3f: {  	_ =	shalt  }
0x40: {  	_ =	shalt  }
0x41: {  	_ =	shalt  }
0x42: {  	_ =	shalt  }
0x43: {  	_ =	shalt  }
0x44: {  	_ =	shalt  }
0x45: {  	_ =	shalt  }
0x46: {  	_ =	shalt  }
0x47: {  	_ =	shalt  }
0x48: {  	_ =	shalt  }
0x49: {  	_ =	shalt  }
0x4a: {  	_ =	shalt  }
0x4b: {  	_ =	shalt  }
0x4c: {  	_ =	shalt  }
0x4d: {  	_ =	shalt  }
0x4e: {  	_ =	shalt  }
0x4f: {  	_ =	shalt  }
0x50: {  	_ =	shalt  }
0x51: {  	_ =	shalt  }
0x52: {  	_ =	shalt  }
0x53: {  	_ =	shalt  }
0x54: {  	_ =	shalt  }
0x55: {  	_ =	shalt  }
0x56: {  	_ =	shalt  }
0x57: {  	_ =	shalt  }
0x58: {  	_ =	shalt  }
0x59: {  	_ =	shalt  }
0x5a: {  	_ =	shalt  }
0x5b: {  	_ =	shalt  }
0x5c: {  	_ =	shalt  }
0x5d: {  	_ =	shalt  }
0x5e: {  	_ =	shalt  }
0x5f: {  	_ =	shalt  }
0x60: {  	_ =	shalt  }
0x61: {  	_ =	shalt  }
0x62: {  	_ =	shalt  }
0x63: {  	_ =	shalt  }
0x64: {  	_ =	shalt  }
0x65: {  	_ =	shalt  }
0x66: {  	_ =	shalt  }
0x67: {  	_ =	shalt  }
0x68: {  	_ =	shalt  }
0x69: {  	_ =	shalt  }
0x6a: {  	_ =	shalt  }
0x6b: {  	_ =	shalt  }
0x6c: {  	_ =	shalt  }
0x6d: {  	_ =	shalt  }
0x6e: {  	_ =	shalt  }
0x6f: {  	_ =	shalt  }
0x70: {  	_ =	shalt  }
0x71: {  	_ =	shalt  }
0x72: {  	_ =	shalt  }
0x73: {  	_ =	shalt  }
0x74: {  	_ =	shalt  }
0x75: {  	_ =	shalt  }
0x76: {  	_ =	shalt  }
0x77: {  	_ =	shalt  }
0x78: {  	_ =	shalt  }
0x79: {  	_ =	shalt  }
0x7a: {  	_ =	shalt  }
0x7b: {  	_ =	shalt  }
0x7c: {  	_ =	shalt  }
0x7d: {  	_ =	shalt  }
0x7e: {  	_ =	shalt  }
0x7f: {  	_ =	shalt  }
0x80: {  	_ =	shalt  }
0x81: {  	_ =	shalt  }
0x82: {  	_ =	shalt  }
0x83: {  	_ =	shalt  }
0x84: {  	_ =	shalt  }
0x85: {  	_ =	shalt  }
0x86: {  	_ =	shalt  }
0x87: {  	_ =	shalt  }
.Lfunc_end0:
.L_simem_size_0:
called_computation_lowered:
.L_overlay_start_0:
0x88: {  	s2 =	sld [smem:$0x3FD9]  }
0x89: {  	s3 =	sld [smem:$0x3FFE];
	_ =	sdelay $0x1  }
0x8a: {  	s1 =	srdreg.scid  }
0x8b: {  	s0 =	sand.u32 $0x1, s1  }
0x8c: {  	s17 =	sshll.u32 s0, $0xA;
	s2 =	sadd.s32 s3, s2  }
0x8d: {  	s2 =	sadd.s32 s2, s17  }
0x8e: {  	[smem:$0x3FBF] =	sst s2  }
0x8f: {  	_ = 	snop  }
0x90: {  	s2 =	sld [smem:$0x3FC7];
	(tm) =	ssettm $0x1  }
0x91: {  	s18 =	sld [smem:$0x3FFB];
	_ =	sdelay $0x3  }
0x92: {  	_ =	strace s18  }
0x93: {  	s3 =	sld [smem:$0x3FFC];
	_ =	sdelay $0x3  }
0x94: {  	_ =	strace s3  }
0x95: {  	s3 =	sld [smem:$0x3FFD];
	_ =	sdelay $0x3  }
0x96: {  	_ =	strace s3  }
0x97: {  	_ =	strace $0x8FFFFFFF  }
0x98: {  	s19 =	sld [smem:$0x3FDB];
	_ =	sdelay $0x1  }
0x99: {  	s4 =	simm.s32 $_scs_section_size  }
0x9a: {  	s5 =	simm.s32 $_size__tile_overlayer_lowered;
	s6 =	simm.s32 $_tile_overlayer_lowered  }
0x9b: {  	s22 =	simm.s32 $0x1BFF;
	s21 =	sshll.u32 s6, $0x1;
	s3 =	sadd.s32 s4, s19  }
0x9c: {  	s7 =	simm.s32 $0x0;
	s20 =	sshll.u32 s5, $0x1;
	s5 =	sadd.s32 s21, s3  }
0x9d: {  	[timem:s7], [sflag:s22] =	dma.local [hbm:s5], s20  }
0x9e: {  	_ =	swait.ge [sflag:s22], s20  }
0x9f: {  	s4 =	ssub.s32 $0x0, s20;
	[sflag:s22] =	ssyncset.done $0x0  }
0xa0: {  	[sflag:s22] =	ssyncadd.s32 s4;
	_ =	sdelay $0x1  }
0xa1: {  	s23 =	simm.s32 $0x1B8B  }
0xa2: {  	_ =	swait.ge [sflag:s23], $0x1  }
0xa3: {  	[sflag:s23] =	ssyncset.done $0x0  }
0xa4: {  	s25 =	simm.s32 $0x1B8E;
	s24 =	sld [smem:$0x3FFE];
	[sflag:s23] =	ssyncadd.s32 $0xFFFFFFFF  }
0xa5: {  	s26 =	simm.s32 $execute0_lowered;
	[smem:$0x3FD2] =	sst s25  }
0xa6: {  	s5 =	sshll.u32 s26, $0x1;
	_ =	strace $0x80000046;
	[dreg:$0x1] =	wrdreg $0xFFFFFFFF  }
0xa7: {  	s28 =	simm.s32 $_size_execute0_lowered;
	s3 =	sadd.s32 s3, s5;
	[dreg:$0x0] =	wrdreg $0x0  }
0xa8: {  	s5 =	sshll.u32 s28, $0x1;
	[dreg:$0x2] =	wrdreg s3  }
0xa9: {  	[dreg:$0x3] =	wrdreg s5  }
0xaa: {  	[dreg:$0x4] =	wrdreg $0xC0  }
0xab: {  	_ =	task [dreg:s7], $0x5FFFF  }
0xac: {  	[dreg:$0x1] =	wrdreg $0xFFFFFFFF  }
0xad: {  	[dreg:$0x0] =	wrdreg $0x60  }
0xae: {  	[dreg:$0x2] =	wrdreg s24  }
0xaf: {  	[dreg:$0x3] =	wrdreg s2  }
0xb0: {  	[dreg:$0x4] =	wrdreg $0x9  }
0xb1: {  	_ =	task.clear_ibuf [dreg:s7], $0x5FFFF;
	_ =	strace $0x90000046  }
0xb2: {  	s29 =	simm.s32 $0x9;
	_ =	strace $0x80000048  }
0xb3: {  	_ =	swait.ge [sflag:s29], $0x1  }
0xb4: {  	[sflag:s29] =	ssyncadd.s32 $0xFFFFFFFF  }
0xb5: {  	_ =	strace $0x90000048  }
0xb6: {  	_ =	sfence  }
0xb7: {  	s30 =	sld [smem:$0x0];
	_ =	sdelay $0x2  }
0xb8: {  	s31 =	sshll.u32 s1, $0xD;
	s1 =	sshrl.u32 s1, $0x2  }
0xb9: {  	s3 =	sand.u32 $0x4000, s31;
	s1 =	sadd.s32 s1, s30  }
0xba: {  	s0 =	sor.u32 s3, s0;
	s1 =	sshll.u32 s1, $0x11  }
0xbb: {  	s0 =	sor.u32 s1, s0  }
0xbc: {  	s0 =	sadd.s32 $0x8F2B, s0  }
0xbd: {  	[sflag:s0] =	ssyncadd.remote.s32 $0x1  }
0xbe: {  	_ =	sfence.sel $0xFFFF  }
0xbf: {  	[dreg:$0x0] =	wrdreg $0xFFFFFFFF;
	(pc) =	sbr.abs _section_cstart, $3  }
0xc0: {  	[dreg:$0x1] =	wrdreg $0xFFFFFFFF  }
0xc1: {  	_ =	task.clear_ibuf [dreg:s7], $0x2FFFF;
	_ =	strace $0x9FFFFFFF  }
0xc2: {  	(tm) =	ssettm $0x7FFFFFFF  }
0xc3: {  	_ =	shalt  }
tec
execute0_lowered:
.L_overlay_start_1:
0x0: {  	(tag) =	ssettag $0x1  }
0x1: {  	s3 =	rddreg [dreg:$0x0];
	s1 =	srdreg.scid  }
0x2: {  	s0 =	stileid.u32;
	s5 =	rddreg [dreg:$0x1];
	s10 =	simm.s32 $0x4F00  }
0x3: {  	s11 =	simm.s32 $0x7680;
	s12 =	simm.s32 $0x1;
	s13 =	simm.s32 $0x9E00  }
0x4: {  	s14 =	simm.s32 $0x2;
	s15 =	simm.s32 $0x80;
	s16 =	simm.s32 $0x400  }
0x5: {  	s17 =	simm.s32 $0x0;
	s4 =	sand.u32 $0x1, s1;
	s2 =	sshll.u32 s0, $0x1  }
0x6: {  	s1 =	rddreg [dreg:$0x2];
	s7 =	sshrl.u32 s0, $0x2;
	s6 =	sor.u32 s4, s2  }
0x7: {  	s2 =	simm.s32 $0x0;
	s7 =	smul.u32 $0x13C00, s7;
	s4 =	ssub.s32 $0x2, s4  }
0x8: {  	s8 =	sshll.u32 s6, $0x7;
	[smem:$0x7FF] =	sst s2;
	s6 =	smul.u32 $0x4E2, s6  }
0x9: {  	s31 =	sshrl.u32 s4, $0x1;
	s8 =	sand.u32 $0x380, s8;
	_ =	strace $0x80000047  }
0xa: {  	s7 =	sor.u32 s7, s8;
	s9 =	sadd.s32 s6, s3;
	s8 =	ssub.s32 s4, s31  }
0xb: {  	s5 =	sadd.s32 s5, s6;
	s7 =	sshrl.u32 s7, $0x3;
	s4 =	sadd.s32 $0x3400, s9  }
0xc: {  	s6 =	sadd.s32 $0x20E00, s9;
	s8 =	smax.u32 s8, $0x1;
	s7 =	sadd.s32 s7, s3  }
0xd: {  	v0 =	vimm.f32 $0.0e+00;
	s3 =	sadd.s32 $0xD200, s9;
	s9 =	simm.s32 $0x2780;
	s7 =	sadd.s32 $0x17000, s7  }
.LBB2_1:
0xe: {  	[tilespmem:s9], [sflag:$0x1] =	stream.linear.gather [hbm4b:s3+s2], $0x2710, $0x38;
	[tilespmem:$0xC580] =	vst v63  }
0xf: {  	_ = 	snop  }
0x10: {  	[tilespmem:s10], [sflag:$0x1] =	stream.linear.gather [hbm4b:s4+s2], $0x2710, $0x38;
	[tilespmem:$0xC580] =	vst v63  }
0x11: {  	s18 =	simm.s32 $0x40  }
0x12: {  	[tilespmem:s11], [sflag:$0x1] =	stream.linear.gather [hbm4b:s5+s2], $0x2710, $0x38;
	[tilespmem:$0xC580] =	vst v63  }
0x13: {  	[tilespmem:s18+$0xFFFFFFC0] =	vst v0  }
0x14: {  	[tilespmem:s18+$0x30] =	vst v0  }
0x15: {  	[tilespmem:s18+$0x20] =	vst v0  }
0x16: {  	[tilespmem:s18+$0x10] =	vst v0  }
0x17: {  	[tilespmem:s18+$0x0] =	vst v0  }
0x18: {  	[tilespmem:s18+$0xFFFFFFF0] =	vst v0  }
0x19: {  	s19 =	simm.s32 $0x0;
	[tilespmem:s18+$0xFFFFFFE0] =	vst v0  }
.LBB2_2:
0x1a: {  	s19 =	sadd.s32 $0x80, s19;
	[tilespmem:s18+$0xFFFFFFD0] =	vst v0;
	s18 =	sadd.s32 $0x80, s18  }
0x1b: {  	[tilespmem:s18+$0xFFFFFFC0] =	vst v0;
	p0 =	slt.u32 s19, $0x2680  }
0x1c: {  	[tilespmem:s18+$0x30] =	vst v0  }
.Ltmp0:
0x1d: {  	[tilespmem:s18+$0x20] =	vst v0;
	(pc) =	sbr.rel @p0 .LBB2_2-.Ltmp0, $4  }
0x1e: {  	[tilespmem:s18+$0x10] =	vst v0  }
0x1f: {  	[tilespmem:s18+$0x0] =	vst v0  }
0x20: {  	[tilespmem:s18+$0xFFFFFFF0] =	vst v0  }
0x21: {  	[tilespmem:s18+$0xFFFFFFE0] =	vst v0  }
0x22: {  	[tilespmem:s18+$0xFFFFFFD0] =	vst v0  }
0x23: {  	[tilespmem:$0x2700] =	vst v0  }
0x24: {  	_ =	swait.ge [sflag:s12], $0x2710  }
0x25: {  	[sflag:s12] =	ssyncset.done $0x0  }
0x26: {  	[sflag:s12] =	ssyncadd.s32 $0xFFFFD8F0  }
0x27: {  	_ =	swait.ge [sflag:s12], $0x2710  }
0x28: {  	[sflag:s12] =	ssyncset.done $0x0  }
0x29: {  	[sflag:s12] =	ssyncadd.s32 $0xFFFFD8F0  }
0x2a: {  	_ =	swait.ge [sflag:s12], $0x2710  }
0x2b: {  	[sflag:s12] =	ssyncset.done $0x0  }
0x2c: {  	s21 =	simm.s32 $0x76C0;
	[sflag:s12] =	ssyncadd.s32 $0xFFFFD8F0  }
0x2d: {  	v2 =	vld [tilespmem:s21+$0xFFFFFFD0]  }
0x2e: {  	v1 =	vld [tilespmem:s21+$0xFFFFFFC0]  }
0x2f: {  	s18 =	simm.s32 $0x27C0;
	v13 =	vld [tilespmem:s21+$0x0]  }
0x30: {  	v8 =	vld [tilespmem:s18+$0xFFFFFFC0]  }
0x31: {  	v12 =	vld [tilespmem:s21+$0x10]  }
0x32: {  	v9 =	vld [tilespmem:s21+$0x20]  }
0x33: {  	v14 =	vld [tilespmem:s18+$0xFFFFFFE0]  }
0x34: {  	v7 =	vld [tilespmem:s21+$0x30]  }
0x35: {  	v10 =	vld [tilespmem:s18+$0x0]  }
0x36: {  	v11 =	vld [tilespmem:s18+$0x10]  }
0x37: {  	v15 =	vld [tilespmem:s18+$0x20]  }
0x38: {  	v3 =	vld [tilespmem:s18+$0x30]  }
0x39: {  	s19 =	simm.s32 $0x4F40;
	v16 =	vld [tilespmem:s18+$0xFFFFFFF0]  }
0x3a: {  	v17 =	vld [tilespmem:s19+$0x30]  }
0x3b: {  	v18 =	vld [tilespmem:s19+$0x20]  }
0x3c: {  	v19 =	vld [tilespmem:s19+$0x10]  }
0x3d: {  	v20 =	vld [tilespmem:s19+$0x0]  }
0x3e: {  	v6 =	vld [tilespmem:s19+$0xFFFFFFF0]  }
0x3f: {  	v5 =	vld [tilespmem:s19+$0xFFFFFFE0];
	v21 =	vshll.u32 v17, $0x10  }
0x40: {  	s20 =	simm.s32 $0x9E40;
	v4 =	vld [tilespmem:s19+$0xFFFFFFD0];
	v22 =	vshll.u32 v18, $0x10;
	v21 =	vor.u32 v3, v21  }
0x41: {  	v63 =	vld [tilespmem:s18+$0xFFFFFFD0];
	v15 =	vor.u32 v15, v22;
	[tilespmem:s20+$0x30] =	vst v21  }
0x42: {  	v62 =	vshll.u32 v19, $0x10;
	v3 =	vld [tilespmem:s19+$0xFFFFFFC0];
	[tilespmem:s20+$0x20] =	vst v15  }
0x43: {  	v11 =	vor.u32 v11, v62;
	[tilespmem:v17+s2+$0x0] =	vst.idx.add.f32.msk $0xffff, v7  }
0x44: {  	[tilespmem:s20+$0x10] =	vst v11;
	v7 =	vld [tilespmem:s21+$0xFFFFFFF0]  }
0x45: {  	v15 =	vshll.u32 v20, $0x10;
	v11 =	vshll.u32 v6, $0x10;
	[tilespmem:v18+s2+$0x0] =	vst.idx.add.f32.msk $0xffff, v9  }
0x46: {  	v15 =	vor.u32 v10, v15;
	v9 =	vshll.u32 v5, $0x10;
	v11 =	vor.u32 v16, v11;
	[tilespmem:v19+s2+$0x0] =	vst.idx.add.f32.msk $0xffff, v12  }
0x47: {  	v10 =	vld [tilespmem:s21+$0xFFFFFFE0];
	[tilespmem:s20+$0x0] =	vst v15;
	v9 =	vor.u32 v14, v9;
	v15 =	vshll.u32 v4, $0x10;
	v14 =	vshll.u32 v3, $0x10  }
0x48: {  	s22 =	simm.s32 $0x7740;
	s23 =	simm.s32 $0x9EC0;
	s21 =	simm.s32 $0x0;
	v12 =	vor.u32 v63, v15;
	[tilespmem:v20+s2+$0x0] =	vst.idx.add.f32.msk $0xffff, v13;
	v8 =	vor.u32 v8, v14  }
.LBB2_4:
0x49: {  	v13 =	vld [tilespmem:s22+$0xFFFFFFD0];
	s21 =	sadd.s32 $0x80, s21;
	[tilespmem:s20+$0xFFFFFFF0] =	vst v11;
	s18 =	sadd.s32 $0x80, s18;
	s19 =	sadd.s32 $0x80, s19  }
0x4a: {  	p0 =	slt.u32 s21, $0x2680;
	[tilespmem:v6+s2+$0x0] =	vst.idx.add.f32.msk $0xffff, v7  }
0x4b: {  	v6 =	vld [tilespmem:s22+$0xFFFFFFC0];
	[tilespmem:s20+$0xFFFFFFE0] =	vst v9  }
0x4c: {  	[tilespmem:v5+s2+$0x0] =	vst.idx.add.f32.msk $0xffff, v10  }
0x4d: {  	v14 =	vld [tilespmem:s22+$0x0];
	[tilespmem:s20+$0xFFFFFFD0] =	vst v12  }
0x4e: {  	[tilespmem:v4+s2+$0x0] =	vst.idx.add.f32.msk $0xffff, v2;
	v2 =	vmov v13  }
0x4f: {  	v12 =	vld [tilespmem:s18+$0xFFFFFFC0];
	[tilespmem:s20+$0xFFFFFFC0] =	vst v8;
	s20 =	smov.u32 s23  }
0x50: {  	[tilespmem:v3+s2+$0x0] =	vst.idx.add.f32.msk $0xffff, v1;
	v1 =	vmov v6  }
0x51: {  	v13 =	vld [tilespmem:s22+$0x10]  }
0x52: {  	v8 =	vld [tilespmem:s22+$0x20]  }
0x53: {  	v9 =	vld [tilespmem:s18+$0xFFFFFFE0]  }
0x54: {  	v7 =	vld [tilespmem:s22+$0x30]  }
0x55: {  	v10 =	vld [tilespmem:s18+$0x0]  }
0x56: {  	v11 =	vld [tilespmem:s18+$0x10]  }
0x57: {  	v15 =	vld [tilespmem:s18+$0x20]  }
0x58: {  	v3 =	vld [tilespmem:s18+$0x30]  }
0x59: {  	v16 =	vld [tilespmem:s18+$0xFFFFFFF0]  }
0x5a: {  	v17 =	vld [tilespmem:s19+$0x30]  }
0x5b: {  	v18 =	vld [tilespmem:s19+$0x20]  }
0x5c: {  	v19 =	vld [tilespmem:s19+$0x10]  }
0x5d: {  	v20 =	vld [tilespmem:s19+$0x0]  }
0x5e: {  	v6 =	vld [tilespmem:s19+$0xFFFFFFF0]  }
0x5f: {  	v5 =	vld [tilespmem:s19+$0xFFFFFFE0];
	v21 =	vshll.u32 v17, $0x10  }
0x60: {  	v4 =	vld [tilespmem:s19+$0xFFFFFFD0];
	v22 =	vshll.u32 v18, $0x10;
	v21 =	vor.u32 v3, v21  }
0x61: {  	v3 =	vld [tilespmem:s19+$0xFFFFFFC0];
	v23 =	vshll.u32 v19, $0x10;
	v15 =	vor.u32 v15, v22;
	[tilespmem:s23+$0x30] =	vst v21  }
0x62: {  	v21 =	vld [tilespmem:s18+$0xFFFFFFD0];
	v22 =	vshll.u32 v20, $0x10;
	v23 =	vor.u32 v11, v23;
	[tilespmem:s23+$0x20] =	vst v15  }
0x63: {  	v11 =	vshll.u32 v6, $0x10;
	v15 =	vor.u32 v10, v22;
	[tilespmem:v17+s2+$0x0] =	vst.idx.add.f32.msk $0xffff, v7  }
.Ltmp1:
0x64: {  	v10 =	vshll.u32 v5, $0x10;
	v7 =	vld [tilespmem:s22+$0xFFFFFFF0];
	v11 =	vor.u32 v16, v11;
	[tilespmem:s23+$0x10] =	vst v23;
	(pc) =	sbr.rel @p0 .LBB2_4-.Ltmp1, $4  }
0x65: {  	v9 =	vor.u32 v9, v10;
	[tilespmem:v18+s2+$0x0] =	vst.idx.add.f32.msk $0xffff, v8  }
0x66: {  	v16 =	vshll.u32 v4, $0x10;
	v8 =	vshll.u32 v3, $0x10;
	v10 =	vld [tilespmem:s22+$0xFFFFFFE0];
	[tilespmem:s23+$0x0] =	vst v15  }
0x67: {  	v8 =	vor.u32 v12, v8;
	v12 =	vor.u32 v21, v16;
	[tilespmem:v19+s2+$0x0] =	vst.idx.add.f32.msk $0xffff, v13  }
0x68: {  	s22 =	sadd.s32 $0x80, s22;
	s23 =	sadd.s32 $0x80, s23;
	[tilespmem:v20+s2+$0x0] =	vst.idx.add.f32.msk $0xffff, v14  }
0x69: {  	[tilespmem:s20+$0xFFFFFFF0] =	vst v11  }
0x6a: {  	[tilespmem:s20+$0xFFFFFFE0] =	vst v9  }
0x6b: {  	[tilespmem:s20+$0xFFFFFFD0] =	vst v12  }
0x6c: {  	[tilespmem:s20+$0xFFFFFFC0] =	vst v8  }
0x6d: {  	[tilespmem:v6+s2+$0x0] =	vst.idx.add.f32.msk $0xffff, v7  }
0x6e: {  	[tilespmem:v4+s2+$0x0] =	vst.idx.add.f32.msk $0xffff, v2  }
0x6f: {  	[tilespmem:v3+s2+$0x0] =	vst.idx.add.f32.msk $0xffff, v1  }
0x70: {  	[tilespmem:v5+s2+$0x0] =	vst.idx.add.f32.msk $0xffff, v10  }
0x71: {  	v1 =	vld [tilespmem:$0x7600]  }
0x72: {  	v2 =	vld [tilespmem:$0x4E80];
	_ =	sdelay $0x1  }
0x73: {  	v3 =	vld [tilespmem:$0x9D80];
	_ =	sdelay $0x1  }
0x74: {  	v63 =	vshll.u32 v1, $0x10  }
0x75: {  	v2 =	vor.u32 v2, v63  }
0x76: {  	[tilespmem:$0xC500] =	vst v2  }
0x77: {  	[tilespmem:v1+s2+$0x0] =	vst.idx.add.f32.msk $0xffff, v3  }
0x78: {  	[hbm4b:s6+s2] =	stream.linear.scatter [tilespmem:s13], [sflag:$0x2], $0x2710, $0x38;
	[tilespmem:$0xC580] =	vst v63  }
0x79: {  	s17 =	sadd.s32 $0x1, s17;
	_ =	swait.ge [sflag:s14], $0x2710  }
0x7a: {  	p0 =	sne.s32 s17, s8;
	[sflag:s14] =	ssyncset.done $0x0  }
.Ltmp2:
0x7b: {  	[sflag:s14] =	ssyncadd.s32 $0xFFFFD8F0;
	(pc) =	sbr.rel @p0 .LBB2_1-.Ltmp2, $4  }
0x7c: {  	[hbm4b:s7+s15] =	stream.strided.scatter [tilespmem:s2], [sflag:$0x2], $0x2780, s16, s15, $0x38;
	[tilespmem:$0xC580] =	vst v63  }
0x7d: {  	_ =	swait.ge [sflag:s14], $0x2780  }
0x7e: {  	[sflag:s14] =	ssyncset.done $0x0  }
0x7f: {  	[sflag:s14] =	ssyncadd.s32 $0xFFFFD880  }
0x80: {  	_ =	sfence.sel $0x180000  }
0x81: {  	[bflag:$0x0] =	sbarrier.arrive $0xFFFF  }
0x82: {  	p0 =	sne.s32 s0, $0x0;
	_ =	strace $0x90000047  }
0x83: {  	s0 =	sadd.s32 @!p0 $0x100000, s1;
	[bflag:$0x2] =	sbarrier.arrive $0xFFFF  }
0x84: {  	[sflag:s0] =	ssyncadd.tile.s32 @!p0 $0x1;
	_ =	shalt  }
.Lfunc_end2:
_tile_overlayer_lowered:
.L_overlay_start_2:
0x85: {  	(tag) =	ssettag $0x2  }
0x86: {  	s0 =	rddreg [dreg:$0x0];
	s2 =	stileid.u32  }
0x87: {  	s1 =	rddreg [dreg:$0x1];
	p0 =	sne.s32 s2, $0x0  }
0x88: {  	s3 =	rddreg [dreg:$0x2];
	[bflag:$0x3] =	sbarrier.arrive $0xFFFF;
	s2 =	simm.s32 @!p0 $0x1C02  }
0x89: {  	[timem:s3], [sflag:s2] =	dma.local @!p0 [hbm:s0], s1  }
0x8a: {  	s0 =	simm.s32 @!p0 $0x2  }
0x8b: {  	_ =	swait.ge @!p0 [sflag:s0], s1  }
0x8c: {  	s1 =	ssub.s32 @!p0 $0x0, s1;
	[sflag:s0] =	ssyncset.done @!p0 $0x0  }
0x8d: {  	[sflag:s0] =	ssyncadd.s32 @!p0 s1  }
0x8e: {  	[bflag:$0x3] =	sbarrier.arrive $0xFFFF  }
0x8f: {  	_ =	shalt  }

// kernel: kernel.13.cloned.1.call-start
scs
__scs_entry_jumppad:
0x0: {  	(pc) =	sbr.rel $0x88, $3  }
0x1: {  	(tag) =	ssettag $0x0;
	lr =	simm.s32 $0x1  }
0x2: {  	[smem:$0x3F98] =	sst lr;
	_ =	strace $0xD0000000  }
0x3: {  	_ = 	snop  }
0x4: {  	_ = 	snop  }
0x5: {  	_ = 	snop  }
0x6: {  	_ = 	snop  }
0x7: {  	_ = 	snop  }
__scs_overlays_trampoline_lowered:
0x8: {  	[smem:$0x3FA7] =	sst s0  }
0x9: {  	[smem:$0x3FA8] =	sst s1  }
0xa: {  	[smem:$0x3FA9] =	sst s2  }
0xb: {  	[smem:$0x3FAA] =	sst s3  }
0xc: {  	[smem:$0x3FAB] =	sst s4  }
0xd: {  	[smem:$0x3FAC] =	sst s5  }
0xe: {  	[smem:$0x3FAD] =	sst s6  }
0xf: {  	[smem:$0x3FAE] =	sst s7  }
0x10: {  	[smem:$0x3FAF] =	sst s8  }
0x11: {  	[smem:$0x3FB0] =	sst s9;
	s0 =	simm.s32 @!p0 $0x0  }
0x12: {  	s1 =	sld [smem:$0x3F96];
	s0 =	simm.s32 @p0 $0x1  }
0x13: {  	[smem:$0x3FB1] =	sst s0;
	s0 =	simm.s32 @!p1 $0x0  }
0x14: {  	s2 =	sld [smem:$0x3F95];
	s0 =	simm.s32 @p1 $0x1  }
0x15: {  	[smem:$0x3FB2] =	sst s0;
	s0 =	simm.s32 @!p2 $0x0  }
0x16: {  	s3 =	sld [smem:$0x3FDB];
	s0 =	simm.s32 @p2 $0x1  }
0x17: {  	s4 =	simm.s32 $0x1BF5;
	[smem:$0x3FB4] =	sst s0  }
0x18: {  	s0 =	sld [smem:$0x3F97];
	_ =	swait.ge [sflag:s4], $0x0  }
0x19: {  	s7 =	sld [smem:$0x3F98]  }
0x1a: {  	s8 =	sadd.s32 $0xFFFFE003, lr  }
0x1b: {  	s9 =	sadd.s32 $0xFFFFFEF7, lr;
	s5 =	simm.s32 $0xFFFFFFFF;
	p2 =	slt.u32 s8, $0xFFFFF086  }
0x1c: {  	p1 =	slt.u32 s9, $0xF7A;
	s5 =	simm.s32 @!p2 $0x0  }
0x1d: {  	s5 =	simm.s32 @p1 $0x1;
	p0 =	seq.s32 s7, s2  }
0x1e: {  	s7 =	smul.u32 @!p0 $0xF7A, s2;
	p2 =	seq.s32 @!p0 s5, $0x0  }
0x1f: {  	s9 =	smul.u32 $0xF7A, s1;
	s8 =	simm.s32 @!p0 $0x1BF5;
	p2 =	por !p2, p0  }
0x20: {  	[sflag:s8] =	ssyncset.s32 @!p0 $0xFFFFF086;
	s6 =	sadd.s32 @!p0 s3, s7;
	s7 =	simm.s32 @!p0 $0x108  }
0x21: {  	s3 =	sadd.s32 s3, s9;
	s6 =	sadd.s32 @!p0 $0x88, s6;
	s7 =	simm.s32 @p2 $0x1082  }
0x22: {  	[simem:s7], [sflag:s8] =	dma.local @!p0 [hbm:s6], $0xF7A  }
0x23: {  	s9 =	sor.u32 $0xD0000000, s2;
	s6 =	simm.s32 $0x108;
	_ =	swait.ge @!p0 [sflag:s8], $0x0  }
0x24: {  	s3 =	sadd.s32 $0x88, s3;
	s6 =	simm.s32 @!p1 $0x1082;
	[sflag:s4] =	ssyncset.s32 $0xFFFFF086  }
0x25: {  	[simem:s6], [sflag:s4] =	dma.local [hbm:s3], $0xF7A  }
0x26: {  	[smem:$0x3F98] =	sst s1;
	(tag) =	ssettag s2;
	_ =	strace s9  }
0x27: {  	s1 =	sld [smem:$0x3FA8]  }
0x28: {  	s2 =	sld [smem:$0x3FA9]  }
0x29: {  	s4 =	sld [smem:$0x3FAB]  }
0x2a: {  	p0 =	seq.s32 s5, $0x0;
	s5 =	sld [smem:$0x3FAC]  }
0x2b: {  	s6 =	sld [smem:$0x3FAD]  }
0x2c: {  	s7 =	sld [smem:$0x3FAE]  }
0x2d: {  	s3 =	simm.s32 $0x108;
	s8 =	sld [smem:$0x3FAF]  }
0x2e: {  	s3 =	simm.s32 @!p0 $0x1082;
	s9 =	sld [smem:$0x3FB0]  }
0x2f: {  	lr =	sadd.s32 s0, s3;
	s0 =	sld [smem:$0x3FA7]  }
0x30: {  	s3 =	sld [smem:$0x3FAA]  }
0x31: {  	[smem:$0x3FB3] =	sst s10  }
0x32: {  	s10 =	sld [smem:$0x3FB1];
	_ =	sdelay $0x3  }
0x33: {  	p0 =	seq.s32 s10, $0x1;
	s10 =	sld [smem:$0x3FB3];
	_ =	sdelay $0x3  }
0x34: {  	[smem:$0x3FB3] =	sst s10  }
0x35: {  	s10 =	sld [smem:$0x3FB2];
	_ =	sdelay $0x3  }
0x36: {  	p1 =	seq.s32 s10, $0x1;
	s10 =	sld [smem:$0x3FB3];
	_ =	sdelay $0x3  }
0x37: {  	[smem:$0x3FB3] =	sst s10  }
0x38: {  	s10 =	sld [smem:$0x3FB4]  }
0x39: {  	_ = 	snop;
	(pc) =	sbr.ind lr, $3  }
0x3a: {  	_ = 	snop  }
0x3b: {  	_ = 	snop  }
0x3c: {  	p2 =	seq.s32 s10, $0x1;
	s10 =	sld [smem:$0x3FB3]  }
0x3d: {  	_ =	shalt  }
0x3e: {  	_ =	shalt  }
0x3f: {  	_ =	shalt  }
0x40: {  	_ =	shalt  }
0x41: {  	_ =	shalt  }
0x42: {  	_ =	shalt  }
0x43: {  	_ =	shalt  }
0x44: {  	_ =	shalt  }
0x45: {  	_ =	shalt  }
0x46: {  	_ =	shalt  }
0x47: {  	_ =	shalt  }
0x48: {  	_ =	shalt  }
0x49: {  	_ =	shalt  }
0x4a: {  	_ =	shalt  }
0x4b: {  	_ =	shalt  }
0x4c: {  	_ =	shalt  }
0x4d: {  	_ =	shalt  }
0x4e: {  	_ =	shalt  }
0x4f: {  	_ =	shalt  }
0x50: {  	_ =	shalt  }
0x51: {  	_ =	shalt  }
0x52: {  	_ =	shalt  }
0x53: {  	_ =	shalt  }
0x54: {  	_ =	shalt  }
0x55: {  	_ =	shalt  }
0x56: {  	_ =	shalt  }
0x57: {  	_ =	shalt  }
0x58: {  	_ =	shalt  }
0x59: {  	_ =	shalt  }
0x5a: {  	_ =	shalt  }
0x5b: {  	_ =	shalt  }
0x5c: {  	_ =	shalt  }
0x5d: {  	_ =	shalt  }
0x5e: {  	_ =	shalt  }
0x5f: {  	_ =	shalt  }
0x60: {  	_ =	shalt  }
0x61: {  	_ =	shalt  }
0x62: {  	_ =	shalt  }
0x63: {  	_ =	shalt  }
0x64: {  	_ =	shalt  }
0x65: {  	_ =	shalt  }
0x66: {  	_ =	shalt  }
0x67: {  	_ =	shalt  }
0x68: {  	_ =	shalt  }
0x69: {  	_ =	shalt  }
0x6a: {  	_ =	shalt  }
0x6b: {  	_ =	shalt  }
0x6c: {  	_ =	shalt  }
0x6d: {  	_ =	shalt  }
0x6e: {  	_ =	shalt  }
0x6f: {  	_ =	shalt  }
0x70: {  	_ =	shalt  }
0x71: {  	_ =	shalt  }
0x72: {  	_ =	shalt  }
0x73: {  	_ =	shalt  }
0x74: {  	_ =	shalt  }
0x75: {  	_ =	shalt  }
0x76: {  	_ =	shalt  }
0x77: {  	_ =	shalt  }
0x78: {  	_ =	shalt  }
0x79: {  	_ =	shalt  }
0x7a: {  	_ =	shalt  }
0x7b: {  	_ =	shalt  }
0x7c: {  	_ =	shalt  }
0x7d: {  	_ =	shalt  }
0x7e: {  	_ =	shalt  }
0x7f: {  	_ =	shalt  }
0x80: {  	_ =	shalt  }
0x81: {  	_ =	shalt  }
0x82: {  	_ =	shalt  }
0x83: {  	_ =	shalt  }
0x84: {  	_ =	shalt  }
0x85: {  	_ =	shalt  }
0x86: {  	_ =	shalt  }
0x87: {  	_ =	shalt  }
.Lfunc_end0:
.L_simem_size_0:
called_computation.1_lowered:
.L_overlay_start_0:
0x88: {  	s2 =	sld [smem:$0x3FD9]  }
0x89: {  	s3 =	sld [smem:$0x3FFE];
	_ =	sdelay $0x1  }
0x8a: {  	s1 =	srdreg.scid  }
0x8b: {  	s0 =	sand.u32 $0x1, s1  }
0x8c: {  	s17 =	sshll.u32 s0, $0xA;
	s2 =	sadd.s32 s3, s2  }
0x8d: {  	s2 =	sadd.s32 s2, s17  }
0x8e: {  	[smem:$0x3FBF] =	sst s2  }
0x8f: {  	_ = 	snop  }
0x90: {  	s2 =	sld [smem:$0x3FC7];
	(tm) =	ssettm $0x1  }
0x91: {  	s18 =	sld [smem:$0x3FFB];
	_ =	sdelay $0x3  }
0x92: {  	_ =	strace s18  }
0x93: {  	s3 =	sld [smem:$0x3FFC];
	_ =	sdelay $0x3  }
0x94: {  	_ =	strace s3  }
0x95: {  	s3 =	sld [smem:$0x3FFD];
	_ =	sdelay $0x3  }
0x96: {  	_ =	strace s3  }
0x97: {  	_ =	strace $0x8FFFFFFF  }
0x98: {  	s19 =	sld [smem:$0x3FDB];
	_ =	sdelay $0x1  }
0x99: {  	s4 =	simm.s32 $_scs_section_size  }
0x9a: {  	s5 =	simm.s32 $_size__tile_overlayer_lowered;
	s6 =	simm.s32 $_tile_overlayer_lowered  }
0x9b: {  	s22 =	simm.s32 $0x1BFF;
	s21 =	sshll.u32 s6, $0x1;
	s3 =	sadd.s32 s4, s19  }
0x9c: {  	s7 =	simm.s32 $0x0;
	s20 =	sshll.u32 s5, $0x1;
	s5 =	sadd.s32 s21, s3  }
0x9d: {  	[timem:s7], [sflag:s22] =	dma.local [hbm:s5], s20  }
0x9e: {  	_ =	swait.ge [sflag:s22], s20  }
0x9f: {  	s4 =	ssub.s32 $0x0, s20;
	[sflag:s22] =	ssyncset.done $0x0  }
0xa0: {  	[sflag:s22] =	ssyncadd.s32 s4;
	_ =	sdelay $0x1  }
0xa1: {  	s23 =	simm.s32 $0x1B8B  }
0xa2: {  	_ =	swait.ge [sflag:s23], $0x1  }
0xa3: {  	[sflag:s23] =	ssyncset.done $0x0  }
0xa4: {  	s25 =	simm.s32 $0x1B8E;
	s24 =	sld [smem:$0x3FFE];
	[sflag:s23] =	ssyncadd.s32 $0xFFFFFFFF  }
0xa5: {  	s26 =	simm.s32 $execute0_lowered;
	[smem:$0x3FD2] =	sst s25  }
0xa6: {  	s5 =	sshll.u32 s26, $0x1;
	_ =	strace $0x80000049;
	[dreg:$0x1] =	wrdreg $0xFFFFFFFF  }
0xa7: {  	s28 =	simm.s32 $_size_execute0_lowered;
	s3 =	sadd.s32 s3, s5;
	[dreg:$0x0] =	wrdreg $0x0  }
0xa8: {  	s5 =	sshll.u32 s28, $0x1;
	[dreg:$0x2] =	wrdreg s3  }
0xa9: {  	[dreg:$0x3] =	wrdreg s5  }
0xaa: {  	[dreg:$0x4] =	wrdreg $0xC0  }
0xab: {  	_ =	task [dreg:s7], $0x5FFFF  }
0xac: {  	[dreg:$0x1] =	wrdreg $0xFFFFFFFF  }
0xad: {  	[dreg:$0x0] =	wrdreg $0x60  }
0xae: {  	[dreg:$0x2] =	wrdreg s24  }
0xaf: {  	[dreg:$0x3] =	wrdreg s2  }
0xb0: {  	[dreg:$0x4] =	wrdreg $0x9  }
0xb1: {  	_ =	task.clear_ibuf [dreg:s7], $0x5FFFF;
	_ =	strace $0x90000049  }
0xb2: {  	s29 =	simm.s32 $0x9;
	_ =	strace $0x8000004B  }
0xb3: {  	_ =	swait.ge [sflag:s29], $0x1  }
0xb4: {  	[sflag:s29] =	ssyncadd.s32 $0xFFFFFFFF  }
0xb5: {  	_ =	strace $0x9000004B  }
0xb6: {  	_ =	sfence  }
0xb7: {  	s30 =	sld [smem:$0x0];
	_ =	sdelay $0x2  }
0xb8: {  	s31 =	sshll.u32 s1, $0xD;
	s1 =	sshrl.u32 s1, $0x2  }
0xb9: {  	s3 =	sand.u32 $0x4000, s31;
	s1 =	sadd.s32 s1, s30  }
0xba: {  	s0 =	sor.u32 s3, s0;
	s1 =	sshll.u32 s1, $0x11  }
0xbb: {  	s0 =	sor.u32 s1, s0  }
0xbc: {  	s0 =	sadd.s32 $0x8F2B, s0  }
0xbd: {  	[sflag:s0] =	ssyncadd.remote.s32 $0x1  }
0xbe: {  	_ =	sfence.sel $0xFFFF  }
0xbf: {  	[dreg:$0x0] =	wrdreg $0xFFFFFFFF;
	(pc) =	sbr.abs _section_cstart, $3  }
0xc0: {  	[dreg:$0x1] =	wrdreg $0xFFFFFFFF  }
0xc1: {  	_ =	task.clear_ibuf [dreg:s7], $0x2FFFF;
	_ =	strace $0x9FFFFFFF  }
0xc2: {  	(tm) =	ssettm $0x7FFFFFFF  }
0xc3: {  	_ =	shalt  }
tec
execute0_lowered:
.L_overlay_start_1:
0x0: {  	(tag) =	ssettag $0x1  }
0x1: {  	s0 =	rddreg [dreg:$0x0]  }
0x2: {  	s2 =	rddreg [dreg:$0x1]  }
0x3: {  	s15 =	stileid.u32;
	s3 =	simm.s32 $0x0;
	s1 =	srdreg.scid  }
0x4: {  	s28 =	simm.s32 $0x4F00;
	s29 =	simm.s32 $0x7680;
	s30 =	simm.s32 $0x9E00  }
0x5: {  	s31 =	simm.s32 $0xC580;
	s4 =	sshll.u32 s15, $0x1;
	[smem:$0x7FF] =	sst s3  }
0x6: {  	s1 =	sand.u32 $0x1, s1;
	s6 =	sadd.s32 $0x3400, s0;
	s9 =	sshrl.u32 s15, $0x3  }
0x7: {  	s10 =	sshll.u32 s15, $0x7;
	s22 =	sor.u32 $0x11, s15;
	s4 =	sand.u32 $0x2, s4  }
0x8: {  	_ =	strace $0x8000004A;
	s5 =	ssub.s32 $0x2, s1;
	s9 =	smul.u32 $0x13C00, s9  }
0x9: {  	s10 =	sand.u32 $0x300, s10;
	s24 =	sshrl.u32 s22, $0x3;
	s1 =	sor.u32 s1, s4  }
0xa: {  	s7 =	sshrl.u32 s5, $0x1;
	s4 =	sadd.s32 $0x20E00, s0;
	s0 =	sadd.s32 $0x2AC00, s0  }
0xb: {  	s14 =	sor.u32 $0x80, s10;
	s8 =	smul.u32 $0x13880, s1;
	s13 =	sor.u32 s10, s9  }
0xc: {  	s5 =	ssub.s32 s5, s7;
	s1 =	smul.u32 $0x4F000, s1;
	s12 =	sshrl.u32 s13, $0x3  }
0xd: {  	s19 =	sor.u32 s9, s14;
	s16 =	sshrl.u32 s8, $0x3;
	s20 =	sadd.s32 s6, s12  }
0xe: {  	s21 =	sadd.s32 s9, s1;
	s12 =	sadd.s32 $0x2EE0, s8;
	s25 =	sadd.s32 s1, s13  }
0xf: {  	s9 =	smul.u32 $0x13C00, s24;
	s24 =	simm.s32 $0x2780;
	s11 =	sadd.s32 s4, s16  }
0x10: {  	s17 =	sadd.s32 s2, s16;
	s7 =	sadd.s32 $0x1F4, s16;
	[dreg:$0x7] =	wrdreg s20  }
0x11: {  	s23 =	sor.u32 s10, s21;
	s26 =	sadd.s32 $0x27800, s25;
	[dreg:$0x3] =	wrdreg s11  }
0x12: {  	s20 =	simm.s32 $0xFD00;
	s25 =	simm.s32 $0x3;
	[dreg:$0x4] =	wrdreg s17  }
0x13: {  	s18 =	sadd.s32 s4, s7;
	s11 =	sshrl.u32 s19, $0x3;
	s7 =	sadd.s32 s2, s7  }
0x14: {  	s1 =	sadd.s32 s9, s1;
	s17 =	smax.u32 s5, $0x1;
	[dreg:$0x5] =	wrdreg s18  }
0x15: {  	[dreg:$0x6] =	wrdreg s7;
	s6 =	sadd.s32 s6, s11;
	s11 =	sadd.s32 $0x1F40, s8  }
0x16: {  	s8 =	sshrl.u32 s23, $0x3;
	s7 =	sshll.u32 s22, $0x7;
	s22 =	simm.s32 $0x80  }
0x17: {  	s23 =	simm.s32 $0x400;
	s18 =	simm.s32 $0x0;
	[dreg:$0x8] =	wrdreg s6  }
.Ltmp0:
0x18: {  	s13 =	sadd.s32 s0, s8;
	s6 =	sor.u32 s14, s21;
	(pc) =	sbr.rel .LBB2_1-.Ltmp0, $4  }
0x19: {  	s7 =	sand.u32 $0x380, s7;
	s8 =	sshrl.u32 s26, $0x3;
	s21 =	simm.s32 $0x11D00  }
0x1a: {  	s26 =	simm.s32 $0x1;
	s6 =	sshrl.u32 s6, $0x3;
	s1 =	sor.u32 s7, s1  }
0x1b: {  	s14 =	sadd.s32 s0, s8;
	s15 =	sadd.s32 s0, s6;
	s1 =	sshrl.u32 s1, $0x3  }
0x1c: {  	v0 =	vimm.f32 $0.0e+00;
	s16 =	sadd.s32 s0, s1;
	s0 =	simm.s32 $0x2;
	s1 =	simm.s32 $0x4  }
.LBB2_14:
0x1d: {  	[hbm4b:s13+s22] =	stream.strided.scatter [tilespmem:s28], [sflag:$0x4], $0x2780, s23, s22, $0x38;
	[tilespmem:$0x12D00] =	vst v63  }
0x1e: {  	_ =	swait.ge [sflag:s1], $0x2780  }
0x1f: {  	[sflag:s1] =	ssyncset.done $0x0  }
0x20: {  	[sflag:s1] =	ssyncadd.s32 $0xFFFFD880  }
0x21: {  	[hbm4b:s14+s22] =	stream.strided.scatter [tilespmem:s29], [sflag:$0x4], $0x2780, s23, s22, $0x38;
	[tilespmem:$0x12D00] =	vst v63  }
0x22: {  	_ =	swait.ge [sflag:s1], $0x2780  }
0x23: {  	[sflag:s1] =	ssyncset.done $0x0  }
0x24: {  	[sflag:s1] =	ssyncadd.s32 $0xFFFFD880  }
0x25: {  	[hbm4b:s15+s22] =	stream.strided.scatter [tilespmem:s30], [sflag:$0x4], $0x2780, s23, s22, $0x38;
	[tilespmem:$0x12D00] =	vst v63  }
0x26: {  	s18 =	sadd.s32 $0x1, s18;
	_ =	swait.ge [sflag:s1], $0x2780  }
0x27: {  	p0 =	sne.s32 s18, s17;
	[sflag:s1] =	ssyncset.done $0x0  }
.Ltmp1:
0x28: {  	[sflag:s1] =	ssyncadd.s32 $0xFFFFD880;
	(pc) =	sbr.rel @!p0 .LBB2_15-.Ltmp1, $4  }
0x29: {  	[hbm4b:s16+s22] =	stream.strided.scatter [tilespmem:s31], [sflag:$0x4], $0x2780, s23, s22, $0x38;
	[tilespmem:$0x12D00] =	vst v63  }
0x2a: {  	_ =	swait.ge [sflag:s1], $0x2780  }
0x2b: {  	[sflag:s1] =	ssyncset.done $0x0  }
0x2c: {  	[sflag:s1] =	ssyncadd.s32 $0xFFFFD880  }
.LBB2_1:
0x2d: {  	s5 =	rddreg [dreg:$0x3];
	s6 =	simm.s32 $0xED00  }
0x2e: {  	[tilespmem:s6], [sflag:$0x1] =	stream.linear.gather [hbm4b:s5+s3], $0xFA0, $0x38;
	[tilespmem:$0x12D00] =	vst v63  }
0x2f: {  	s7 =	simm.s32 $0x10D00;
	s6 =	rddreg [dreg:$0x4]  }
0x30: {  	[tilespmem:s7], [sflag:$0x1] =	stream.linear.gather [hbm4b:s6+s3], $0xFA0, $0x38;
	[tilespmem:$0x12D00] =	vst v63  }
0x31: {  	s8 =	rddreg [dreg:$0x5]  }
0x32: {  	[tilespmem:s20], [sflag:$0x2] =	stream.linear.gather [hbm4b:s8+s3], $0xFA0, $0x38;
	[tilespmem:$0x12D00] =	vst v63  }
0x33: {  	s9 =	rddreg [dreg:$0x6]  }
0x34: {  	[tilespmem:s21], [sflag:$0x2] =	stream.linear.gather [hbm4b:s9+s3], $0xFA0, $0x38;
	[tilespmem:$0x12D00] =	vst v63  }
0x35: {  	s10 =	rddreg [dreg:$0x7]  }
0x36: {  	[tilespmem:s3], [sflag:$0x3] =	stream.strided.gather [hbm4b:s10+s22], $0x2780, s23, s22, $0x38;
	[tilespmem:$0x12D00] =	vst v63  }
0x37: {  	s19 =	rddreg [dreg:$0x8];
	s8 =	simm.s32 $0x4F20  }
0x38: {  	[tilespmem:s24], [sflag:$0x3] =	stream.strided.gather [hbm4b:s19+s22], $0x2780, s23, s22, $0x38;
	[tilespmem:$0x12D00] =	vst v63  }
0x39: {  	[tilespmem:s8+$0xFFFFFFF0] =	vst v0  }
0x3a: {  	[tilespmem:s8+$0x0] =	vst v0  }
0x3b: {  	[tilespmem:s8+$0x10] =	vst v0  }
0x3c: {  	s5 =	simm.s32 $0x76A0;
	[tilespmem:s8+$0xFFFFFFE0] =	vst v0  }
0x3d: {  	[tilespmem:s5+$0xFFFFFFF0] =	vst v0  }
0x3e: {  	[tilespmem:s5+$0x0] =	vst v0  }
0x3f: {  	[tilespmem:s5+$0x10] =	vst v0  }
0x40: {  	s6 =	simm.s32 $0x9E20;
	[tilespmem:s5+$0xFFFFFFE0] =	vst v0  }
0x41: {  	[tilespmem:s6+$0xFFFFFFF0] =	vst v0  }
0x42: {  	[tilespmem:s6+$0x0] =	vst v0  }
0x43: {  	[tilespmem:s6+$0x10] =	vst v0  }
0x44: {  	s7 =	simm.s32 $0xC5A0;
	[tilespmem:s6+$0xFFFFFFE0] =	vst v0  }
0x45: {  	[tilespmem:s7+$0xFFFFFFF0] =	vst v0  }
0x46: {  	[tilespmem:s7+$0x0] =	vst v0  }
0x47: {  	[tilespmem:s7+$0x10] =	vst v0  }
0x48: {  	s9 =	simm.s32 $0x4F60;
	s8 =	simm.s32 $0x0;
	[tilespmem:s7+$0xFFFFFFE0] =	vst v0  }
.LBB2_2:
0x49: {  	[tilespmem:s9+$0xFFFFFFF0] =	vst v0;
	s5 =	sadd.s32 $0x40, s5  }
0x4a: {  	s6 =	sadd.s32 $0x40, s6;
	[tilespmem:s5+$0xFFFFFFF0] =	vst v0  }
0x4b: {  	s7 =	sadd.s32 $0x40, s7;
	[tilespmem:s6+$0xFFFFFFF0] =	vst v0  }
0x4c: {  	[tilespmem:s7+$0xFFFFFFF0] =	vst v0  }
0x4d: {  	[tilespmem:s9+$0x0] =	vst v0  }
0x4e: {  	[tilespmem:s5+$0x0] =	vst v0  }
0x4f: {  	[tilespmem:s6+$0x0] =	vst v0  }
0x50: {  	[tilespmem:s7+$0x0] =	vst v0  }
0x51: {  	[tilespmem:s9+$0x10] =	vst v0  }
0x52: {  	s8 =	sadd.s32 $0x40, s8;
	[tilespmem:s5+$0x10] =	vst v0  }
0x53: {  	p0 =	slt.u32 s8, $0x26C0;
	[tilespmem:s6+$0x10] =	vst v0  }
.Ltmp2:
0x54: {  	[tilespmem:s7+$0x10] =	vst v0;
	(pc) =	sbr.rel @p0 .LBB2_2-.Ltmp2, $4  }
0x55: {  	[tilespmem:s9+$0xFFFFFFE0] =	vst v0  }
0x56: {  	[tilespmem:s5+$0xFFFFFFE0] =	vst v0  }
0x57: {  	[tilespmem:s6+$0xFFFFFFE0] =	vst v0  }
0x58: {  	s9 =	sadd.s32 $0x40, s9;
	[tilespmem:s7+$0xFFFFFFE0] =	vst v0  }
0x59: {  	[tilespmem:$0x7600] =	vst v0  }
0x5a: {  	[tilespmem:$0x9D80] =	vst v0  }
0x5b: {  	[tilespmem:$0xC500] =	vst v0  }
0x5c: {  	[tilespmem:$0xEC80] =	vst v0  }
0x5d: {  	_ =	swait.ge [sflag:s25], $0x2780  }
0x5e: {  	[sflag:s25] =	ssyncset.done $0x0  }
0x5f: {  	[sflag:s25] =	ssyncadd.s32 $0xFFFFD880  }
0x60: {  	_ =	swait.ge [sflag:s25], $0x2780  }
0x61: {  	[sflag:s25] =	ssyncset.done $0x0  }
0x62: {  	s19 =	simm.s32 $0x0;
	[sflag:s25] =	ssyncadd.s32 $0xFFFFD880  }
.LBB2_4:
0x63: {  	_ =	swait.ge [sflag:s26], $0xFA0  }
0x64: {  	[sflag:s26] =	ssyncset.done $0x0  }
0x65: {  	[sflag:s26] =	ssyncadd.s32 $0xFFFFF060  }
0x66: {  	_ =	swait.ge [sflag:s26], $0xFA0  }
0x67: {  	[sflag:s26] =	ssyncset.done $0x0  }
0x68: {  	s5 =	simm.s32 $0xED40;
	[sflag:s26] =	ssyncadd.s32 $0xFFFFF060  }
0x69: {  	v1 =	vld [tilespmem:s5+$0x30]  }
0x6a: {  	v2 =	vld [tilespmem:s5+$0xFFFFFFD0]  }
0x6b: {  	v3 =	vld [tilespmem:s5+$0xFFFFFFE0]  }
0x6c: {  	v4 =	vld [tilespmem:s5+$0xFFFFFFF0]  }
0x6d: {  	v5 =	vld [tilespmem:s5+$0x0]  }
0x6e: {  	v7 =	vld [tilespmem:s5+$0x10]  }
0x6f: {  	v9 =	vld [tilespmem:s5+$0xFFFFFFC0]  }
0x70: {  	v10 =	vld [tilespmem:s5+$0x20];
	s5 =	simm.s32 $0x10D40;
	v6 =	vand.u32 $0xFFFF, v1  }
0x71: {  	v18 =	vld [tilespmem:s5+$0x30]  }
0x72: {  	v53 =	vld [tilespmem:s5+$0xFFFFFFC0]  }
0x73: {  	v54 =	vld [tilespmem:s5+$0xFFFFFFD0]  }
0x74: {  	v27 =	vld [tilespmem:s5+$0xFFFFFFE0]  }
0x75: {  	v8 =	vand.u32 $0xFFFF, v2;
	v14 =	vld.idx.msk [tilespmem:v6+s3+$0x0], $0xffff  }
0x76: {  	v28 =	vld [tilespmem:s5+$0xFFFFFFF0];
	v12 =	vand.u32 $0xFFFF, v4  }
0x77: {  	v30 =	vld [tilespmem:s5+$0x0];
	v17 =	vand.u32 $0xFFFF, v9  }
0x78: {  	v31 =	vld [tilespmem:s5+$0x10];
	v1 =	vshra.s32 v1, $0x10  }
0x79: {  	v34 =	vld [tilespmem:s5+$0x20]  }
0x7a: {  	v16 =	vld.idx.msk [tilespmem:v8+s3+$0x0], $0xffff;
	v24 =	vshll.u32 v14, $0x10  }
0x7b: {  	v11 =	vand.u32 $0xFFFF, v3;
	v21 =	vld.idx.msk [tilespmem:v12+s3+$0x0], $0xffff;
	v14 =	vand.u32 $0xFFFF0000, v14;
	v24 =	vmul.f32 v24, v18  }
0x7c: {  	v13 =	vand.u32 $0xFFFF, v5;
	v25 =	vld.idx.msk [tilespmem:v17+s3+$0x0], $0xffff;
	v14 =	vmul.f32 v14, v18  }
0x7d: {  	v15 =	vand.u32 $0xFFFF, v7;
	[tilespmem:v1+s28+$0x0] =	vst.idx.add.f32.msk $0xffff, v24  }
0x7e: {  	v19 =	vand.u32 $0xFFFF, v10;
	[tilespmem:v1+s29+$0x0] =	vst.idx.add.f32.msk $0xffff, v14  }
0x7f: {  	v9 =	vshra.s32 v9, $0x10;
	v6 =	vld.idx.msk [tilespmem:v6+s24+$0x0], $0xffff  }
0x80: {  	v33 =	vshra.s32 v2, $0x10;
	v20 =	vld.idx.msk [tilespmem:v11+s3+$0x0], $0xffff  }
0x81: {  	v4 =	vshra.s32 v4, $0x10;
	v22 =	vld.idx.msk [tilespmem:v13+s3+$0x0], $0xffff;
	v29 =	vshll.u32 v25, $0x10  }
0x82: {  	v23 =	vld.idx.msk [tilespmem:v15+s3+$0x0], $0xffff;
	v55 =	vshll.u32 v16, $0x10;
	v29 =	vmul.f32 v29, v53  }
0x83: {  	v57 =	vshra.s32 v5, $0x10;
	v26 =	vld.idx.msk [tilespmem:v19+s3+$0x0], $0xffff;
	v5 =	vshll.u32 v21, $0x10;
	v56 =	vmul.f32 v55, v54  }
0x84: {  	v5 =	vmul.f32 v5, v28;
	[tilespmem:v9+s28+$0x0] =	vst.idx.add.f32.msk $0xffff, v29;
	v32 =	vshll.u32 v6, $0x10  }
0x85: {  	[tilespmem:v33+s28+$0x0] =	vst.idx.add.f32.msk $0xffff, v56;
	v2 =	vand.u32 $0xFFFF0000, v6;
	v6 =	vmul.f32 v32, v18  }
0x86: {  	v3 =	vshra.s32 v3, $0x10;
	v25 =	vand.u32 $0xFFFF0000, v25;
	[tilespmem:v4+s28+$0x0] =	vst.idx.add.f32.msk $0xffff, v5;
	v2 =	vmul.f32 v2, v18  }
0x87: {  	v25 =	vmul.f32 v25, v53;
	[tilespmem:v1+s30+$0x0] =	vst.idx.add.f32.msk $0xffff, v6;
	v6 =	vand.u32 $0xFFFF0000, v16  }
0x88: {  	[tilespmem:v1+s31+$0x0] =	vst.idx.add.f32.msk $0xffff, v2;
	v1 =	vshll.u32 v20, $0x10;
	v2 =	vmul.f32 v6, v54  }
0x89: {  	[tilespmem:v9+s29+$0x0] =	vst.idx.add.f32.msk $0xffff, v25;
	v6 =	vand.u32 $0xFFFF0000, v20;
	v1 =	vmul.f32 v1, v27  }
0x8a: {  	v6 =	vmul.f32 v6, v27;
	[tilespmem:v33+s29+$0x0] =	vst.idx.add.f32.msk $0xffff, v2;
	v2 =	vand.u32 $0xFFFF0000, v21  }
0x8b: {  	[tilespmem:v3+s28+$0x0] =	vst.idx.add.f32.msk $0xffff, v1;
	v1 =	vshra.s32 v7, $0x10;
	v7 =	vshll.u32 v22, $0x10;
	v58 =	vmul.f32 v2, v28  }
0x8c: {  	[tilespmem:v3+s29+$0x0] =	vst.idx.add.f32.msk $0xffff, v6;
	v6 =	vand.u32 $0xFFFF0000, v22;
	v7 =	vmul.f32 v7, v30  }
0x8d: {  	v2 =	vshra.s32 v10, $0x10;
	v6 =	vmul.f32 v6, v30;
	[tilespmem:v4+s29+$0x0] =	vst.idx.add.f32.msk $0xffff, v58  }
0x8e: {  	v5 =	vshll.u32 v23, $0x10;
	[tilespmem:v57+s28+$0x0] =	vst.idx.add.f32.msk $0xffff, v7  }
0x8f: {  	v5 =	vmul.f32 v5, v31;
	v7 =	vshll.u32 v26, $0x10;
	[tilespmem:v57+s29+$0x0] =	vst.idx.add.f32.msk $0xffff, v6  }
0x90: {  	v6 =	vmul.f32 v7, v34;
	v7 =	vld.idx.msk [tilespmem:v11+s24+$0x0], $0xffff  }
0x91: {  	[tilespmem:v1+s28+$0x0] =	vst.idx.add.f32.msk $0xffff, v5;
	v5 =	vand.u32 $0xFFFF0000, v26  }
0x92: {  	v5 =	vmul.f32 v5, v34;
	[tilespmem:v2+s28+$0x0] =	vst.idx.add.f32.msk $0xffff, v6  }
0x93: {  	v10 =	vand.u32 $0xFFFF0000, v23;
	v6 =	vld.idx.msk [tilespmem:v17+s24+$0x0], $0xffff  }
0x94: {  	v10 =	vmul.f32 v10, v31;
	[tilespmem:v2+s29+$0x0] =	vst.idx.add.f32.msk $0xffff, v5  }
0x95: {  	v5 =	vld.idx.msk [tilespmem:v8+s24+$0x0], $0xffff  }
0x96: {  	[tilespmem:v1+s29+$0x0] =	vst.idx.add.f32.msk $0xffff, v10  }
0x97: {  	v10 =	vld.idx.msk [tilespmem:v13+s24+$0x0], $0xffff  }
0x98: {  	v59 =	vld.idx.msk [tilespmem:v15+s24+$0x0], $0xffff;
	v11 =	vshll.u32 v6, $0x10  }
0x99: {  	v8 =	vld.idx.msk [tilespmem:v12+s24+$0x0], $0xffff;
	v6 =	vand.u32 $0xFFFF0000, v6;
	v11 =	vmul.f32 v11, v53  }
0x9a: {  	v60 =	vld.idx.msk [tilespmem:v19+s24+$0x0], $0xffff;
	v6 =	vmul.f32 v6, v53;
	v61 =	vshll.u32 v5, $0x10  }
0x9b: {  	v5 =	vand.u32 $0xFFFF0000, v5;
	[tilespmem:v9+s30+$0x0] =	vst.idx.add.f32.msk $0xffff, v11;
	v11 =	vmul.f32 v61, v54  }
0x9c: {  	v62 =	vshll.u32 v7, $0x10;
	v5 =	vmul.f32 v5, v54;
	[tilespmem:v9+s31+$0x0] =	vst.idx.add.f32.msk $0xffff, v6  }
0x9d: {  	v6 =	vand.u32 $0xFFFF0000, v7;
	v7 =	vmul.f32 v62, v27;
	[tilespmem:v33+s30+$0x0] =	vst.idx.add.f32.msk $0xffff, v11  }
0x9e: {  	v9 =	vshll.u32 v8, $0x10;
	[tilespmem:v33+s31+$0x0] =	vst.idx.add.f32.msk $0xffff, v5;
	v5 =	vmul.f32 v6, v27  }
0x9f: {  	v6 =	vand.u32 $0xFFFF0000, v8;
	[tilespmem:v3+s30+$0x0] =	vst.idx.add.f32.msk $0xffff, v7;
	v7 =	vmul.f32 v9, v28  }
0xa0: {  	v8 =	vshll.u32 v10, $0x10;
	v6 =	vmul.f32 v6, v28;
	[tilespmem:v3+s31+$0x0] =	vst.idx.add.f32.msk $0xffff, v5  }
0xa1: {  	v11 =	vshll.u32 v60, $0x10;
	v8 =	vmul.f32 v8, v30;
	v3 =	vand.u32 $0xFFFF0000, v10;
	[tilespmem:v4+s30+$0x0] =	vst.idx.add.f32.msk $0xffff, v7  }
0xa2: {  	v5 =	vshll.u32 v59, $0x10;
	v7 =	vand.u32 $0xFFFF0000, v59;
	v63 =	vmul.f32 v3, v30;
	[tilespmem:v4+s31+$0x0] =	vst.idx.add.f32.msk $0xffff, v6  }
0xa3: {  	s9 =	simm.s32 $0x0;
	s6 =	simm.s32 $0xF70;
	v3 =	vand.u32 $0xFFFF0000, v60;
	v10 =	vmul.f32 v5, v31;
	v9 =	vmul.f32 v7, v31;
	[tilespmem:v57+s30+$0x0] =	vst.idx.add.f32.msk $0xffff, v8  }
0xa4: {  	s7 =	simm.s32 $0x11C80;
	s8 =	simm.s32 $0xFC80;
	s10 =	simm.s32 $0xEDC0;
	v5 =	vmul.f32 v11, v34;
	v3 =	vmul.f32 v3, v34;
	[tilespmem:v57+s31+$0x0] =	vst.idx.add.f32.msk $0xffff, v63  }
.LBB2_5:
0xa5: {  	v12 =	vld [tilespmem:s10+$0x30]  }
0xa6: {  	v4 =	vld [tilespmem:s10+$0xFFFFFFD0]  }
0xa7: {  	s9 =	sadd.s32 $0x80, s9;
	v6 =	vld [tilespmem:s10+$0xFFFFFFE0]  }
0xa8: {  	p0 =	slt.u32 s9, $0xF00;
	v13 =	vld [tilespmem:s10+$0xFFFFFFF0]  }
0xa9: {  	v14 =	vld [tilespmem:s10+$0x0]  }
0xaa: {  	v15 =	vld [tilespmem:s10+$0x10];
	v16 =	vand.u32 $0xFFFF, v12  }
0xab: {  	v8 =	vshra.s32 v4, $0x10;
	v11 =	vand.u32 $0xFFFF, v4;
	v17 =	vld [tilespmem:s10+$0x20]  }
0xac: {  	v18 =	vld [tilespmem:s10+$0xFFFFFFC0];
	v7 =	vshra.s32 v6, $0x10;
	v19 =	vand.u32 $0xFFFF, v6  }
0xad: {  	v6 =	vshra.s32 v13, $0x10;
	v13 =	vand.u32 $0xFFFF, v13;
	[tilespmem:v1+s30+$0x0] =	vst.idx.add.f32.msk $0xffff, v10  }
0xae: {  	v4 =	vshra.s32 v14, $0x10;
	v14 =	vand.u32 $0xFFFF, v14;
	[tilespmem:v1+s31+$0x0] =	vst.idx.add.f32.msk $0xffff, v9  }
0xaf: {  	v1 =	vshra.s32 v15, $0x10;
	v15 =	vand.u32 $0xFFFF, v15;
	v20 =	vld.idx.msk [tilespmem:v16+s3+$0x0], $0xffff  }
0xb0: {  	s5 =	sadd.s32 $0x80, s5;
	v21 =	vld.idx.msk [tilespmem:v11+s3+$0x0], $0xffff;
	v10 =	vshra.s32 v17, $0x10;
	v17 =	vand.u32 $0xFFFF, v17  }
0xb1: {  	v9 =	vshra.s32 v18, $0x10;
	v18 =	vand.u32 $0xFFFF, v18;
	v22 =	vld [tilespmem:s5+$0x30]  }
0xb2: {  	v23 =	vld.idx.msk [tilespmem:v19+s3+$0x0], $0xffff  }
0xb3: {  	v12 =	vshra.s32 v12, $0x10;
	v24 =	vld.idx.msk [tilespmem:v13+s3+$0x0], $0xffff  }
0xb4: {  	v25 =	vld.idx.msk [tilespmem:v14+s3+$0x0], $0xffff  }
0xb5: {  	v27 =	vshll.u32 v20, $0x10;
	v26 =	vld.idx.msk [tilespmem:v15+s3+$0x0], $0xffff  }
0xb6: {  	v20 =	vand.u32 $0xFFFF0000, v20;
	v29 =	vshll.u32 v21, $0x10;
	v28 =	vld.idx.msk [tilespmem:v18+s3+$0x0], $0xffff;
	v27 =	vmul.f32 v27, v22  }
0xb7: {  	v21 =	vand.u32 $0xFFFF0000, v21;
	v20 =	vmul.f32 v20, v22;
	v30 =	vld.idx.msk [tilespmem:v17+s3+$0x0], $0xffff  }
0xb8: {  	v31 =	vshll.u32 v23, $0x10;
	v23 =	vand.u32 $0xFFFF0000, v23;
	[tilespmem:v12+s28+$0x0] =	vst.idx.add.f32.msk $0xffff, v27  }
0xb9: {  	v27 =	vshll.u32 v24, $0x10;
	v24 =	vand.u32 $0xFFFF0000, v24;
	[tilespmem:v12+s29+$0x0] =	vst.idx.add.f32.msk $0xffff, v20  }
0xba: {  	v20 =	vshll.u32 v25, $0x10;
	v25 =	vand.u32 $0xFFFF0000, v25;
	v16 =	vld.idx.msk [tilespmem:v16+s24+$0x0], $0xffff  }
0xbb: {  	v33 =	vshll.u32 v26, $0x10;
	v26 =	vand.u32 $0xFFFF0000, v26;
	v32 =	vld [tilespmem:s5+$0xFFFFFFC0]  }
0xbc: {  	v34 =	vshll.u32 v28, $0x10;
	v28 =	vand.u32 $0xFFFF0000, v28;
	v35 =	vld [tilespmem:s5+$0xFFFFFFD0]  }
0xbd: {  	v37 =	vshll.u32 v30, $0x10;
	v30 =	vand.u32 $0xFFFF0000, v30;
	v36 =	vld [tilespmem:s5+$0xFFFFFFE0]  }
0xbe: {  	v38 =	vld [tilespmem:s5+$0xFFFFFFF0]  }
0xbf: {  	v39 =	vld [tilespmem:s5+$0x0]  }
0xc0: {  	v41 =	vshll.u32 v16, $0x10;
	v34 =	vmul.f32 v34, v32;
	v28 =	vmul.f32 v28, v32;
	v40 =	vld [tilespmem:s5+$0x10]  }
0xc1: {  	v16 =	vand.u32 $0xFFFF0000, v16;
	v41 =	vmul.f32 v41, v22;
	v29 =	vmul.f32 v29, v35;
	v42 =	vld [tilespmem:s5+$0x20]  }
0xc2: {  	v16 =	vmul.f32 v16, v22;
	v21 =	vmul.f32 v21, v35;
	[tilespmem:v9+s28+$0x0] =	vst.idx.add.f32.msk $0xffff, v34  }
0xc3: {  	v22 =	vmul.f32 v31, v36;
	v23 =	vmul.f32 v23, v36;
	[tilespmem:v12+s30+$0x0] =	vst.idx.add.f32.msk $0xffff, v41  }
0xc4: {  	v27 =	vmul.f32 v27, v38;
	v24 =	vmul.f32 v24, v38;
	[tilespmem:v12+s31+$0x0] =	vst.idx.add.f32.msk $0xffff, v16  }
0xc5: {  	v12 =	vmul.f32 v20, v39;
	v16 =	vmul.f32 v25, v39;
	[tilespmem:v9+s29+$0x0] =	vst.idx.add.f32.msk $0xffff, v28  }
0xc6: {  	v20 =	vmul.f32 v33, v40;
	v25 =	vmul.f32 v26, v40;
	[tilespmem:v8+s28+$0x0] =	vst.idx.add.f32.msk $0xffff, v29  }
0xc7: {  	v26 =	vmul.f32 v30, v42;
	[tilespmem:v8+s29+$0x0] =	vst.idx.add.f32.msk $0xffff, v21;
	v21 =	vmul.f32 v37, v42  }
0xc8: {  	[tilespmem:v7+s28+$0x0] =	vst.idx.add.f32.msk $0xffff, v22  }
0xc9: {  	[tilespmem:v7+s29+$0x0] =	vst.idx.add.f32.msk $0xffff, v23  }
0xca: {  	[tilespmem:v6+s28+$0x0] =	vst.idx.add.f32.msk $0xffff, v27  }
0xcb: {  	[tilespmem:v6+s29+$0x0] =	vst.idx.add.f32.msk $0xffff, v24  }
0xcc: {  	[tilespmem:v4+s28+$0x0] =	vst.idx.add.f32.msk $0xffff, v12  }
0xcd: {  	[tilespmem:v4+s29+$0x0] =	vst.idx.add.f32.msk $0xffff, v16  }
0xce: {  	[tilespmem:v1+s28+$0x0] =	vst.idx.add.f32.msk $0xffff, v20  }
0xcf: {  	[tilespmem:v1+s29+$0x0] =	vst.idx.add.f32.msk $0xffff, v25  }
0xd0: {  	[tilespmem:v10+s28+$0x0] =	vst.idx.add.f32.msk $0xffff, v21  }
0xd1: {  	[tilespmem:v10+s29+$0x0] =	vst.idx.add.f32.msk $0xffff, v26  }
0xd2: {  	v12 =	vld.idx.msk [tilespmem:v18+s24+$0x0], $0xffff  }
0xd3: {  	v11 =	vld.idx.msk [tilespmem:v11+s24+$0x0], $0xffff  }
0xd4: {  	v16 =	vld.idx.msk [tilespmem:v19+s24+$0x0], $0xffff  }
0xd5: {  	v13 =	vld.idx.msk [tilespmem:v13+s24+$0x0], $0xffff  }
0xd6: {  	v14 =	vld.idx.msk [tilespmem:v14+s24+$0x0], $0xffff  }
0xd7: {  	v15 =	vld.idx.msk [tilespmem:v15+s24+$0x0], $0xffff  }
0xd8: {  	v18 =	vshll.u32 v12, $0x10;
	v12 =	vand.u32 $0xFFFF0000, v12;
	v17 =	vld.idx.msk [tilespmem:v17+s24+$0x0], $0xffff  }
0xd9: {  	v18 =	vmul.f32 v18, v32;
	v19 =	vshll.u32 v11, $0x10;
	v11 =	vand.u32 $0xFFFF0000, v11;
	[tilespmem:v2+s30+$0x0] =	vst.idx.add.f32.msk $0xffff, v5  }
0xda: {  	v5 =	vmul.f32 v12, v32;
	v12 =	vshll.u32 v16, $0x10;
	v16 =	vand.u32 $0xFFFF0000, v16;
	[tilespmem:v2+s31+$0x0] =	vst.idx.add.f32.msk $0xffff, v3;
	v2 =	vmovc v10  }
0xdb: {  	v3 =	vmul.f32 v19, v35;
	v10 =	vshll.u32 v13, $0x10;
	v13 =	vand.u32 $0xFFFF0000, v13;
	[tilespmem:v9+s30+$0x0] =	vst.idx.add.f32.msk $0xffff, v18  }
0xdc: {  	[tilespmem:v9+s31+$0x0] =	vst.idx.add.f32.msk $0xffff, v5;
	v5 =	vmul.f32 v11, v35;
	v9 =	vshll.u32 v14, $0x10;
	v11 =	vand.u32 $0xFFFF0000, v14  }
0xdd: {  	v14 =	vand.u32 $0xFFFF0000, v15;
	[tilespmem:v8+s30+$0x0] =	vst.idx.add.f32.msk $0xffff, v3;
	v3 =	vmul.f32 v12, v36;
	v12 =	vshll.u32 v15, $0x10  }
0xde: {  	v15 =	vand.u32 $0xFFFF0000, v17;
	[tilespmem:v8+s31+$0x0] =	vst.idx.add.f32.msk $0xffff, v5;
	v5 =	vmul.f32 v16, v36;
	v8 =	vshll.u32 v17, $0x10  }
0xdf: {  	v13 =	vmul.f32 v13, v38;
	[tilespmem:v7+s30+$0x0] =	vst.idx.add.f32.msk $0xffff, v3;
	v3 =	vmul.f32 v10, v38  }
.Ltmp3:
0xe0: {  	v11 =	vmul.f32 v11, v39;
	[tilespmem:v7+s31+$0x0] =	vst.idx.add.f32.msk $0xffff, v5;
	v7 =	vmul.f32 v9, v39;
	(pc) =	sbr.rel @p0 .LBB2_5-.Ltmp3, $4  }
0xe1: {  	v10 =	vmul.f32 v12, v40;
	v9 =	vmul.f32 v14, v40;
	[tilespmem:v6+s30+$0x0] =	vst.idx.add.f32.msk $0xffff, v3  }
0xe2: {  	v5 =	vmul.f32 v8, v42;
	v3 =	vmul.f32 v15, v42;
	[tilespmem:v6+s31+$0x0] =	vst.idx.add.f32.msk $0xffff, v13  }
0xe3: {  	[tilespmem:v4+s30+$0x0] =	vst.idx.add.f32.msk $0xffff, v7  }
0xe4: {  	s10 =	sadd.s32 $0x80, s10;
	[tilespmem:v4+s31+$0x0] =	vst.idx.add.f32.msk $0xffff, v11  }
0xe5: {  	_ =	sdelay $0x3  }
0xe6: {  	[tilespmem:v1+s30+$0x0] =	vst.idx.add.f32.msk $0xffff, v10  }
0xe7: {  	[tilespmem:v2+s30+$0x0] =	vst.idx.add.f32.msk $0xffff, v5  }
0xe8: {  	[tilespmem:v1+s31+$0x0] =	vst.idx.add.f32.msk $0xffff, v9  }
0xe9: {  	[tilespmem:v2+s31+$0x0] =	vst.idx.add.f32.msk $0xffff, v3  }
.LBB2_7:
0xea: {  	v1 =	vld [tilespmem:s8+$0x0];
	_ =	sdelay $0x4  }
0xeb: {  	v2 =	vand.u32 $0xFFFF, v1;
	_ =	sdelay $0x4  }
0xec: {  	v3 =	vld.idx.msk [tilespmem:v2+s3+$0x0], $0xffff  }
0xed: {  	v4 =	vld [tilespmem:s7+$0x0];
	_ =	sdelay $0x1  }
0xee: {  	v1 =	vshra.s32 v1, $0x10;
	_ =	sdelay $0x1  }
0xef: {  	v5 =	vshll.u32 v3, $0x10  }
0xf0: {  	v3 =	vand.u32 $0xFFFF0000, v3;
	v5 =	vmul.f32 v5, v4  }
0xf1: {  	v3 =	vmul.f32 v3, v4  }
0xf2: {  	[tilespmem:v1+s28+$0x0] =	vst.idx.add.f32.msk $0xffff, v5  }
0xf3: {  	[tilespmem:v1+s29+$0x0] =	vst.idx.add.f32.msk $0xffff, v3  }
0xf4: {  	v2 =	vld.idx.msk [tilespmem:v2+s24+$0x0], $0xffff;
	_ =	sdelay $0x2  }
0xf5: {  	s6 =	sadd.s32 $0x10, s6  }
0xf6: {  	p0 =	slt.u32 s6, $0xF90  }
.Ltmp4:
0xf7: {  	v3 =	vshll.u32 v2, $0x10;
	(pc) =	sbr.rel @p0 .LBB2_7-.Ltmp4, $4  }
0xf8: {  	v2 =	vand.u32 $0xFFFF0000, v2;
	v3 =	vmul.f32 v3, v4  }
0xf9: {  	v2 =	vmul.f32 v2, v4  }
0xfa: {  	[tilespmem:v1+s30+$0x0] =	vst.idx.add.f32.msk $0xffff, v3  }
0xfb: {  	s7 =	sadd.s32 $0x10, s7;
	s8 =	sadd.s32 $0x10, s8;
	[tilespmem:v1+s31+$0x0] =	vst.idx.add.f32.msk $0xffff, v2  }
0xfc: {  	p0 =	seq.s32 s19, $0x9  }
0xfd: {  	s5 =	smul.u32 @!p0 $0x1F40, s19;
	_ =	sdelay $0x1  }
0xfe: {  	s5 =	sadd.s32 @!p0 s5, s11  }
0xff: {  	s5 =	sshrl.u32 @!p0 s5, $0x3  }
0x100: {  	s7 =	simm.s32 @!p0 $0x0;
	s8 =	simm.s32 @!p0 $0xED00;
	s6 =	sadd.s32 @!p0 s4, s5  }
0x101: {  	[tilespmem:s8], [sflag:$0x1] =	stream.linear.gather @!p0 [hbm4b:s6+s7], $0xFA0, $0x38;
	[tilespmem:$0x12D00] =	vst v63  }
0x102: {  	s5 =	sadd.s32 @!p0 s2, s5;
	s6 =	simm.s32 @!p0 $0x10D00  }
0x103: {  	[tilespmem:s6], [sflag:$0x1] =	stream.linear.gather @!p0 [hbm4b:s5+s7], $0xFA0, $0x38;
	[tilespmem:$0x12D00] =	vst v63  }
0x104: {  	_ =	swait.ge [sflag:s0], $0xFA0  }
0x105: {  	[sflag:s0] =	ssyncset.done $0x0  }
0x106: {  	[sflag:s0] =	ssyncadd.s32 $0xFFFFF060  }
0x107: {  	_ =	swait.ge [sflag:s0], $0xFA0  }
0x108: {  	[sflag:s0] =	ssyncset.done $0x0  }
0x109: {  	s10 =	simm.s32 $0xFD40;
	[sflag:s0] =	ssyncadd.s32 $0xFFFFF060  }
0x10a: {  	v1 =	vld [tilespmem:s10+$0x30]  }
0x10b: {  	v2 =	vld [tilespmem:s10+$0xFFFFFFD0]  }
0x10c: {  	v3 =	vld [tilespmem:s10+$0xFFFFFFE0]  }
0x10d: {  	v4 =	vld [tilespmem:s10+$0xFFFFFFF0]  }
0x10e: {  	v5 =	vld [tilespmem:s10+$0x0]  }
0x10f: {  	v7 =	vld [tilespmem:s10+$0x10]  }
0x110: {  	v9 =	vld [tilespmem:s10+$0xFFFFFFC0]  }
0x111: {  	s5 =	simm.s32 $0x11D40;
	v10 =	vld [tilespmem:s10+$0x20];
	v6 =	vand.u32 $0xFFFF, v1  }
0x112: {  	v18 =	vld [tilespmem:s5+$0x30]  }
0x113: {  	v53 =	vld [tilespmem:s5+$0xFFFFFFC0]  }
0x114: {  	v54 =	vld [tilespmem:s5+$0xFFFFFFD0]  }
0x115: {  	v27 =	vld [tilespmem:s5+$0xFFFFFFE0]  }
0x116: {  	v8 =	vand.u32 $0xFFFF, v2;
	v14 =	vld.idx.msk [tilespmem:v6+s3+$0x0], $0xffff  }
0x117: {  	v28 =	vld [tilespmem:s5+$0xFFFFFFF0];
	v12 =	vand.u32 $0xFFFF, v4  }
0x118: {  	v30 =	vld [tilespmem:s5+$0x0];
	v17 =	vand.u32 $0xFFFF, v9  }
0x119: {  	v31 =	vld [tilespmem:s5+$0x10];
	v1 =	vshra.s32 v1, $0x10  }
0x11a: {  	v34 =	vld [tilespmem:s5+$0x20]  }
0x11b: {  	v16 =	vld.idx.msk [tilespmem:v8+s3+$0x0], $0xffff;
	v24 =	vshll.u32 v14, $0x10  }
0x11c: {  	v11 =	vand.u32 $0xFFFF, v3;
	v21 =	vld.idx.msk [tilespmem:v12+s3+$0x0], $0xffff;
	v14 =	vand.u32 $0xFFFF0000, v14;
	v24 =	vmul.f32 v24, v18  }
0x11d: {  	v13 =	vand.u32 $0xFFFF, v5;
	v25 =	vld.idx.msk [tilespmem:v17+s3+$0x0], $0xffff;
	v14 =	vmul.f32 v14, v18  }
0x11e: {  	v15 =	vand.u32 $0xFFFF, v7;
	[tilespmem:v1+s28+$0x0] =	vst.idx.add.f32.msk $0xffff, v24  }
0x11f: {  	v19 =	vand.u32 $0xFFFF, v10;
	[tilespmem:v1+s29+$0x0] =	vst.idx.add.f32.msk $0xffff, v14  }
0x120: {  	v9 =	vshra.s32 v9, $0x10;
	v6 =	vld.idx.msk [tilespmem:v6+s24+$0x0], $0xffff  }
0x121: {  	v33 =	vshra.s32 v2, $0x10;
	v20 =	vld.idx.msk [tilespmem:v11+s3+$0x0], $0xffff  }
0x122: {  	v4 =	vshra.s32 v4, $0x10;
	v22 =	vld.idx.msk [tilespmem:v13+s3+$0x0], $0xffff;
	v29 =	vshll.u32 v25, $0x10  }
0x123: {  	v23 =	vld.idx.msk [tilespmem:v15+s3+$0x0], $0xffff;
	v55 =	vshll.u32 v16, $0x10;
	v29 =	vmul.f32 v29, v53  }
0x124: {  	v57 =	vshra.s32 v5, $0x10;
	v26 =	vld.idx.msk [tilespmem:v19+s3+$0x0], $0xffff;
	v5 =	vshll.u32 v21, $0x10;
	v56 =	vmul.f32 v55, v54  }
0x125: {  	v5 =	vmul.f32 v5, v28;
	[tilespmem:v9+s28+$0x0] =	vst.idx.add.f32.msk $0xffff, v29;
	v32 =	vshll.u32 v6, $0x10  }
0x126: {  	[tilespmem:v33+s28+$0x0] =	vst.idx.add.f32.msk $0xffff, v56;
	v2 =	vand.u32 $0xFFFF0000, v6;
	v6 =	vmul.f32 v32, v18  }
0x127: {  	v3 =	vshra.s32 v3, $0x10;
	v25 =	vand.u32 $0xFFFF0000, v25;
	[tilespmem:v4+s28+$0x0] =	vst.idx.add.f32.msk $0xffff, v5;
	v2 =	vmul.f32 v2, v18  }
0x128: {  	v25 =	vmul.f32 v25, v53;
	[tilespmem:v1+s30+$0x0] =	vst.idx.add.f32.msk $0xffff, v6;
	v6 =	vand.u32 $0xFFFF0000, v16  }
0x129: {  	[tilespmem:v1+s31+$0x0] =	vst.idx.add.f32.msk $0xffff, v2;
	v1 =	vshll.u32 v20, $0x10;
	v2 =	vmul.f32 v6, v54  }
0x12a: {  	[tilespmem:v9+s29+$0x0] =	vst.idx.add.f32.msk $0xffff, v25;
	v6 =	vand.u32 $0xFFFF0000, v20;
	v1 =	vmul.f32 v1, v27  }
0x12b: {  	v6 =	vmul.f32 v6, v27;
	[tilespmem:v33+s29+$0x0] =	vst.idx.add.f32.msk $0xffff, v2;
	v2 =	vand.u32 $0xFFFF0000, v21  }
0x12c: {  	[tilespmem:v3+s28+$0x0] =	vst.idx.add.f32.msk $0xffff, v1;
	v1 =	vshra.s32 v7, $0x10;
	v7 =	vshll.u32 v22, $0x10;
	v58 =	vmul.f32 v2, v28  }
0x12d: {  	[tilespmem:v3+s29+$0x0] =	vst.idx.add.f32.msk $0xffff, v6;
	v6 =	vand.u32 $0xFFFF0000, v22;
	v7 =	vmul.f32 v7, v30  }
0x12e: {  	v2 =	vshra.s32 v10, $0x10;
	v6 =	vmul.f32 v6, v30;
	[tilespmem:v4+s29+$0x0] =	vst.idx.add.f32.msk $0xffff, v58  }
0x12f: {  	v5 =	vshll.u32 v23, $0x10;
	[tilespmem:v57+s28+$0x0] =	vst.idx.add.f32.msk $0xffff, v7  }
0x130: {  	v5 =	vmul.f32 v5, v31;
	v7 =	vshll.u32 v26, $0x10;
	[tilespmem:v57+s29+$0x0] =	vst.idx.add.f32.msk $0xffff, v6  }
0x131: {  	v6 =	vmul.f32 v7, v34;
	v7 =	vld.idx.msk [tilespmem:v11+s24+$0x0], $0xffff  }
0x132: {  	[tilespmem:v1+s28+$0x0] =	vst.idx.add.f32.msk $0xffff, v5;
	v5 =	vand.u32 $0xFFFF0000, v26  }
0x133: {  	v5 =	vmul.f32 v5, v34;
	[tilespmem:v2+s28+$0x0] =	vst.idx.add.f32.msk $0xffff, v6  }
0x134: {  	v10 =	vand.u32 $0xFFFF0000, v23;
	v6 =	vld.idx.msk [tilespmem:v17+s24+$0x0], $0xffff  }
0x135: {  	v10 =	vmul.f32 v10, v31;
	[tilespmem:v2+s29+$0x0] =	vst.idx.add.f32.msk $0xffff, v5  }
0x136: {  	v5 =	vld.idx.msk [tilespmem:v8+s24+$0x0], $0xffff  }
0x137: {  	[tilespmem:v1+s29+$0x0] =	vst.idx.add.f32.msk $0xffff, v10  }
0x138: {  	v10 =	vld.idx.msk [tilespmem:v13+s24+$0x0], $0xffff  }
0x139: {  	v59 =	vld.idx.msk [tilespmem:v15+s24+$0x0], $0xffff;
	v11 =	vshll.u32 v6, $0x10  }
0x13a: {  	v8 =	vld.idx.msk [tilespmem:v12+s24+$0x0], $0xffff;
	v6 =	vand.u32 $0xFFFF0000, v6;
	v11 =	vmul.f32 v11, v53  }
0x13b: {  	v60 =	vld.idx.msk [tilespmem:v19+s24+$0x0], $0xffff;
	v6 =	vmul.f32 v6, v53;
	v61 =	vshll.u32 v5, $0x10  }
0x13c: {  	v5 =	vand.u32 $0xFFFF0000, v5;
	[tilespmem:v9+s30+$0x0] =	vst.idx.add.f32.msk $0xffff, v11;
	v11 =	vmul.f32 v61, v54  }
0x13d: {  	v62 =	vshll.u32 v7, $0x10;
	v5 =	vmul.f32 v5, v54;
	[tilespmem:v9+s31+$0x0] =	vst.idx.add.f32.msk $0xffff, v6  }
0x13e: {  	v6 =	vand.u32 $0xFFFF0000, v7;
	v7 =	vmul.f32 v62, v27;
	[tilespmem:v33+s30+$0x0] =	vst.idx.add.f32.msk $0xffff, v11  }
0x13f: {  	v9 =	vshll.u32 v8, $0x10;
	[tilespmem:v33+s31+$0x0] =	vst.idx.add.f32.msk $0xffff, v5;
	v5 =	vmul.f32 v6, v27  }
0x140: {  	v6 =	vand.u32 $0xFFFF0000, v8;
	[tilespmem:v3+s30+$0x0] =	vst.idx.add.f32.msk $0xffff, v7;
	v7 =	vmul.f32 v9, v28  }
0x141: {  	v8 =	vshll.u32 v10, $0x10;
	v6 =	vmul.f32 v6, v28;
	[tilespmem:v3+s31+$0x0] =	vst.idx.add.f32.msk $0xffff, v5  }
0x142: {  	v11 =	vshll.u32 v60, $0x10;
	v8 =	vmul.f32 v8, v30;
	v3 =	vand.u32 $0xFFFF0000, v10;
	[tilespmem:v4+s30+$0x0] =	vst.idx.add.f32.msk $0xffff, v7  }
0x143: {  	v5 =	vshll.u32 v59, $0x10;
	v7 =	vand.u32 $0xFFFF0000, v59;
	v63 =	vmul.f32 v3, v30;
	[tilespmem:v4+s31+$0x0] =	vst.idx.add.f32.msk $0xffff, v6  }
0x144: {  	s9 =	simm.s32 $0xFDC0;
	v3 =	vand.u32 $0xFFFF0000, v60;
	v10 =	vmul.f32 v5, v31;
	v9 =	vmul.f32 v7, v31;
	[tilespmem:v57+s30+$0x0] =	vst.idx.add.f32.msk $0xffff, v8  }
0x145: {  	s8 =	simm.s32 $0x0;
	s6 =	simm.s32 $0x12C80;
	s7 =	simm.s32 $0x10C80;
	v5 =	vmul.f32 v11, v34;
	v3 =	vmul.f32 v3, v34;
	[tilespmem:v57+s31+$0x0] =	vst.idx.add.f32.msk $0xffff, v63  }
.LBB2_9:
0x146: {  	v13 =	vld [tilespmem:s9+$0x30]  }
0x147: {  	v4 =	vld [tilespmem:s9+$0xFFFFFFD0]  }
0x148: {  	s8 =	sadd.s32 $0x80, s8;
	v6 =	vld [tilespmem:s9+$0xFFFFFFE0]  }
0x149: {  	p1 =	slt.u32 s8, $0xF00;
	v14 =	vld [tilespmem:s9+$0xFFFFFFF0]  }
0x14a: {  	v15 =	vld [tilespmem:s9+$0x0]  }
0x14b: {  	v16 =	vld [tilespmem:s9+$0x10];
	v17 =	vand.u32 $0xFFFF, v13  }
0x14c: {  	v8 =	vshra.s32 v4, $0x10;
	v11 =	vand.u32 $0xFFFF, v4;
	v18 =	vld [tilespmem:s9+$0x20]  }
0x14d: {  	v19 =	vld [tilespmem:s9+$0xFFFFFFC0];
	v7 =	vshra.s32 v6, $0x10;
	v12 =	vand.u32 $0xFFFF, v6  }
0x14e: {  	v6 =	vshra.s32 v14, $0x10;
	v14 =	vand.u32 $0xFFFF, v14;
	[tilespmem:v1+s30+$0x0] =	vst.idx.add.f32.msk $0xffff, v10  }
0x14f: {  	v4 =	vshra.s32 v15, $0x10;
	v15 =	vand.u32 $0xFFFF, v15;
	[tilespmem:v1+s31+$0x0] =	vst.idx.add.f32.msk $0xffff, v9  }
0x150: {  	v1 =	vshra.s32 v16, $0x10;
	v16 =	vand.u32 $0xFFFF, v16;
	v20 =	vld.idx.msk [tilespmem:v17+s3+$0x0], $0xffff  }
0x151: {  	s5 =	sadd.s32 $0x80, s5;
	v21 =	vld.idx.msk [tilespmem:v11+s3+$0x0], $0xffff;
	v10 =	vshra.s32 v18, $0x10;
	v18 =	vand.u32 $0xFFFF, v18  }
0x152: {  	v9 =	vshra.s32 v19, $0x10;
	v19 =	vand.u32 $0xFFFF, v19;
	v22 =	vld [tilespmem:s5+$0x30]  }
0x153: {  	v23 =	vld.idx.msk [tilespmem:v12+s3+$0x0], $0xffff  }
0x154: {  	v13 =	vshra.s32 v13, $0x10;
	v24 =	vld.idx.msk [tilespmem:v14+s3+$0x0], $0xffff  }
0x155: {  	v25 =	vld.idx.msk [tilespmem:v15+s3+$0x0], $0xffff  }
0x156: {  	v27 =	vshll.u32 v20, $0x10;
	v26 =	vld.idx.msk [tilespmem:v16+s3+$0x0], $0xffff  }
0x157: {  	v20 =	vand.u32 $0xFFFF0000, v20;
	v29 =	vshll.u32 v21, $0x10;
	v28 =	vld.idx.msk [tilespmem:v19+s3+$0x0], $0xffff;
	v27 =	vmul.f32 v27, v22  }
0x158: {  	v21 =	vand.u32 $0xFFFF0000, v21;
	v20 =	vmul.f32 v20, v22;
	v30 =	vld.idx.msk [tilespmem:v18+s3+$0x0], $0xffff  }
0x159: {  	v31 =	vshll.u32 v23, $0x10;
	v23 =	vand.u32 $0xFFFF0000, v23;
	[tilespmem:v13+s28+$0x0] =	vst.idx.add.f32.msk $0xffff, v27  }
0x15a: {  	v27 =	vshll.u32 v24, $0x10;
	v24 =	vand.u32 $0xFFFF0000, v24;
	[tilespmem:v13+s29+$0x0] =	vst.idx.add.f32.msk $0xffff, v20  }
0x15b: {  	v20 =	vshll.u32 v25, $0x10;
	v25 =	vand.u32 $0xFFFF0000, v25;
	v17 =	vld.idx.msk [tilespmem:v17+s24+$0x0], $0xffff  }
0x15c: {  	v33 =	vshll.u32 v26, $0x10;
	v26 =	vand.u32 $0xFFFF0000, v26;
	v32 =	vld [tilespmem:s5+$0xFFFFFFC0]  }
0x15d: {  	v34 =	vshll.u32 v28, $0x10;
	v28 =	vand.u32 $0xFFFF0000, v28;
	v35 =	vld [tilespmem:s5+$0xFFFFFFD0]  }
0x15e: {  	v37 =	vshll.u32 v30, $0x10;
	v30 =	vand.u32 $0xFFFF0000, v30;
	v36 =	vld [tilespmem:s5+$0xFFFFFFE0]  }
0x15f: {  	v38 =	vld [tilespmem:s5+$0xFFFFFFF0]  }
0x160: {  	v39 =	vld [tilespmem:s5+$0x0]  }
0x161: {  	v41 =	vshll.u32 v17, $0x10;
	v34 =	vmul.f32 v34, v32;
	v28 =	vmul.f32 v28, v32;
	v40 =	vld [tilespmem:s5+$0x10]  }
0x162: {  	v17 =	vand.u32 $0xFFFF0000, v17;
	v41 =	vmul.f32 v41, v22;
	v29 =	vmul.f32 v29, v35;
	v42 =	vld [tilespmem:s5+$0x20]  }
0x163: {  	v17 =	vmul.f32 v17, v22;
	v21 =	vmul.f32 v21, v35;
	[tilespmem:v9+s28+$0x0] =	vst.idx.add.f32.msk $0xffff, v34  }
0x164: {  	v22 =	vmul.f32 v31, v36;
	v23 =	vmul.f32 v23, v36;
	[tilespmem:v13+s30+$0x0] =	vst.idx.add.f32.msk $0xffff, v41  }
0x165: {  	s10 =	simm.s32 $0xF70;
	v27 =	vmul.f32 v27, v38;
	v24 =	vmul.f32 v24, v38;
	[tilespmem:v13+s31+$0x0] =	vst.idx.add.f32.msk $0xffff, v17  }
0x166: {  	v13 =	vmul.f32 v20, v39;
	v17 =	vmul.f32 v25, v39;
	[tilespmem:v9+s29+$0x0] =	vst.idx.add.f32.msk $0xffff, v28  }
0x167: {  	v20 =	vmul.f32 v33, v40;
	v25 =	vmul.f32 v26, v40;
	[tilespmem:v8+s28+$0x0] =	vst.idx.add.f32.msk $0xffff, v29  }
0x168: {  	v26 =	vmul.f32 v30, v42;
	[tilespmem:v8+s29+$0x0] =	vst.idx.add.f32.msk $0xffff, v21;
	v21 =	vmul.f32 v37, v42  }
0x169: {  	[tilespmem:v7+s28+$0x0] =	vst.idx.add.f32.msk $0xffff, v22  }
0x16a: {  	[tilespmem:v7+s29+$0x0] =	vst.idx.add.f32.msk $0xffff, v23  }
0x16b: {  	[tilespmem:v6+s28+$0x0] =	vst.idx.add.f32.msk $0xffff, v27  }
0x16c: {  	[tilespmem:v6+s29+$0x0] =	vst.idx.add.f32.msk $0xffff, v24  }
0x16d: {  	[tilespmem:v4+s28+$0x0] =	vst.idx.add.f32.msk $0xffff, v13  }
0x16e: {  	[tilespmem:v4+s29+$0x0] =	vst.idx.add.f32.msk $0xffff, v17  }
0x16f: {  	[tilespmem:v1+s28+$0x0] =	vst.idx.add.f32.msk $0xffff, v20  }
0x170: {  	[tilespmem:v1+s29+$0x0] =	vst.idx.add.f32.msk $0xffff, v25  }
0x171: {  	[tilespmem:v10+s28+$0x0] =	vst.idx.add.f32.msk $0xffff, v21  }
0x172: {  	[tilespmem:v10+s29+$0x0] =	vst.idx.add.f32.msk $0xffff, v26  }
0x173: {  	v13 =	vld.idx.msk [tilespmem:v19+s24+$0x0], $0xffff  }
0x174: {  	v11 =	vld.idx.msk [tilespmem:v11+s24+$0x0], $0xffff  }
0x175: {  	v12 =	vld.idx.msk [tilespmem:v12+s24+$0x0], $0xffff  }
0x176: {  	v14 =	vld.idx.msk [tilespmem:v14+s24+$0x0], $0xffff  }
0x177: {  	v15 =	vld.idx.msk [tilespmem:v15+s24+$0x0], $0xffff  }
0x178: {  	v16 =	vld.idx.msk [tilespmem:v16+s24+$0x0], $0xffff  }
0x179: {  	v17 =	vshll.u32 v13, $0x10;
	v13 =	vand.u32 $0xFFFF0000, v13;
	v18 =	vld.idx.msk [tilespmem:v18+s24+$0x0], $0xffff  }
0x17a: {  	v17 =	vmul.f32 v17, v32;
	v19 =	vshll.u32 v11, $0x10;
	v11 =	vand.u32 $0xFFFF0000, v11;
	[tilespmem:v2+s30+$0x0] =	vst.idx.add.f32.msk $0xffff, v5  }
0x17b: {  	v5 =	vmul.f32 v13, v32;
	v13 =	vshll.u32 v12, $0x10;
	v12 =	vand.u32 $0xFFFF0000, v12;
	[tilespmem:v2+s31+$0x0] =	vst.idx.add.f32.msk $0xffff, v3;
	v2 =	vmovc v10  }
0x17c: {  	v3 =	vmul.f32 v19, v35;
	v10 =	vshll.u32 v14, $0x10;
	v14 =	vand.u32 $0xFFFF0000, v14;
	[tilespmem:v9+s30+$0x0] =	vst.idx.add.f32.msk $0xffff, v17  }
0x17d: {  	[tilespmem:v9+s31+$0x0] =	vst.idx.add.f32.msk $0xffff, v5;
	v5 =	vmul.f32 v11, v35;
	v9 =	vshll.u32 v15, $0x10;
	v11 =	vand.u32 $0xFFFF0000, v15  }
0x17e: {  	v15 =	vand.u32 $0xFFFF0000, v16;
	[tilespmem:v8+s30+$0x0] =	vst.idx.add.f32.msk $0xffff, v3;
	v3 =	vmul.f32 v13, v36;
	v13 =	vshll.u32 v16, $0x10  }
0x17f: {  	[tilespmem:v8+s31+$0x0] =	vst.idx.add.f32.msk $0xffff, v5;
	v5 =	vmul.f32 v12, v36;
	v8 =	vshll.u32 v18, $0x10;
	v12 =	vand.u32 $0xFFFF0000, v18  }
0x180: {  	v14 =	vmul.f32 v14, v38;
	[tilespmem:v7+s30+$0x0] =	vst.idx.add.f32.msk $0xffff, v3;
	v3 =	vmul.f32 v10, v38  }
.Ltmp5:
0x181: {  	v11 =	vmul.f32 v11, v39;
	[tilespmem:v7+s31+$0x0] =	vst.idx.add.f32.msk $0xffff, v5;
	v7 =	vmul.f32 v9, v39;
	(pc) =	sbr.rel @p1 .LBB2_9-.Ltmp5, $4  }
0x182: {  	v10 =	vmul.f32 v13, v40;
	v9 =	vmul.f32 v15, v40;
	[tilespmem:v6+s30+$0x0] =	vst.idx.add.f32.msk $0xffff, v3  }
0x183: {  	v5 =	vmul.f32 v8, v42;
	v3 =	vmul.f32 v12, v42;
	[tilespmem:v6+s31+$0x0] =	vst.idx.add.f32.msk $0xffff, v14  }
0x184: {  	[tilespmem:v4+s30+$0x0] =	vst.idx.add.f32.msk $0xffff, v7  }
0x185: {  	s9 =	sadd.s32 $0x80, s9;
	[tilespmem:v4+s31+$0x0] =	vst.idx.add.f32.msk $0xffff, v11  }
0x186: {  	_ =	sdelay $0x3  }
0x187: {  	[tilespmem:v1+s30+$0x0] =	vst.idx.add.f32.msk $0xffff, v10  }
0x188: {  	[tilespmem:v2+s30+$0x0] =	vst.idx.add.f32.msk $0xffff, v5  }
0x189: {  	[tilespmem:v1+s31+$0x0] =	vst.idx.add.f32.msk $0xffff, v9  }
0x18a: {  	[tilespmem:v2+s31+$0x0] =	vst.idx.add.f32.msk $0xffff, v3  }
.LBB2_11:
0x18b: {  	v1 =	vld [tilespmem:s7+$0x0];
	_ =	sdelay $0x4  }
0x18c: {  	v2 =	vand.u32 $0xFFFF, v1;
	_ =	sdelay $0x4  }
0x18d: {  	v3 =	vld.idx.msk [tilespmem:v2+s3+$0x0], $0xffff  }
0x18e: {  	v4 =	vld [tilespmem:s6+$0x0];
	_ =	sdelay $0x1  }
0x18f: {  	v1 =	vshra.s32 v1, $0x10;
	_ =	sdelay $0x1  }
0x190: {  	v5 =	vshll.u32 v3, $0x10  }
0x191: {  	v3 =	vand.u32 $0xFFFF0000, v3;
	v5 =	vmul.f32 v5, v4  }
0x192: {  	v3 =	vmul.f32 v3, v4  }
0x193: {  	[tilespmem:v1+s28+$0x0] =	vst.idx.add.f32.msk $0xffff, v5  }
0x194: {  	[tilespmem:v1+s29+$0x0] =	vst.idx.add.f32.msk $0xffff, v3  }
0x195: {  	v2 =	vld.idx.msk [tilespmem:v2+s24+$0x0], $0xffff;
	_ =	sdelay $0x2  }
0x196: {  	s10 =	sadd.s32 $0x10, s10  }
0x197: {  	p1 =	slt.u32 s10, $0xF90  }
.Ltmp6:
0x198: {  	v3 =	vshll.u32 v2, $0x10;
	(pc) =	sbr.rel @p1 .LBB2_11-.Ltmp6, $4  }
0x199: {  	v2 =	vand.u32 $0xFFFF0000, v2;
	v3 =	vmul.f32 v3, v4  }
0x19a: {  	v2 =	vmul.f32 v2, v4  }
0x19b: {  	[tilespmem:v1+s30+$0x0] =	vst.idx.add.f32.msk $0xffff, v3  }
0x19c: {  	s6 =	sadd.s32 $0x10, s6;
	s7 =	sadd.s32 $0x10, s7;
	[tilespmem:v1+s31+$0x0] =	vst.idx.add.f32.msk $0xffff, v2  }
.Ltmp7:
0x19d: {  	(pc) =	sbr.rel @p0 .LBB2_14-.Ltmp7, $1  }
0x19e: {  	_ =	sdelay $0x3  }
0x19f: {  	s5 =	smul.u32 $0x1F40, s19;
	_ =	sdelay $0x1  }
0x1a0: {  	s5 =	sadd.s32 s5, s12  }
.Ltmp8:
0x1a1: {  	s5 =	sshrl.u32 s5, $0x3;
	(pc) =	sbr.rel .LBB2_4-.Ltmp8, $4  }
0x1a2: {  	s6 =	sadd.s32 s4, s5  }
0x1a3: {  	[tilespmem:s20], [sflag:$0x2] =	stream.linear.gather [hbm4b:s6+s3], $0xFA0, $0x38;
	[tilespmem:$0x12D00] =	vst v63  }
0x1a4: {  	s19 =	sadd.s32 $0x1, s19;
	s5 =	sadd.s32 s2, s5  }
0x1a5: {  	[tilespmem:s21], [sflag:$0x2] =	stream.linear.gather [hbm4b:s5+s3], $0xFA0, $0x38;
	[tilespmem:$0x12D00] =	vst v63  }
.LBB2_15:
0x1a6: {  	_ =	sfence.sel $0x180000  }
0x1a7: {  	[bflag:$0x0] =	sbarrier.arrive $0xFFFF  }
0x1a8: {  	_ =	strace $0x9000004A  }
0x1a9: {  	s0 =	stileid.u32;
	[bflag:$0x2] =	sbarrier.arrive $0xFFFF  }
0x1aa: {  	p0 =	sne.s32 s0, $0x0;
	s0 =	rddreg [dreg:$0x2]  }
0x1ab: {  	s0 =	sadd.s32 @!p0 $0x100000, s0  }
0x1ac: {  	[sflag:s0] =	ssyncadd.tile.s32 @!p0 $0x1;
	_ =	shalt  }
.Lfunc_end2:
_tile_overlayer_lowered:
.L_overlay_start_2:
0x1ad: {  	(tag) =	ssettag $0x2  }
0x1ae: {  	s0 =	rddreg [dreg:$0x0];
	s2 =	stileid.u32  }
0x1af: {  	s1 =	rddreg [dreg:$0x1];
	p0 =	sne.s32 s2, $0x0  }
0x1b0: {  	s3 =	rddreg [dreg:$0x2];
	[bflag:$0x3] =	sbarrier.arrive $0xFFFF;
	s2 =	simm.s32 @!p0 $0x1C04  }
0x1b1: {  	[timem:s3], [sflag:s2] =	dma.local @!p0 [hbm:s0], s1  }
0x1b2: {  	s0 =	simm.s32 @!p0 $0x4  }
0x1b3: {  	_ =	swait.ge @!p0 [sflag:s0], s1  }
0x1b4: {  	s1 =	ssub.s32 @!p0 $0x0, s1;
	[sflag:s0] =	ssyncset.done @!p0 $0x0  }
0x1b5: {  	[sflag:s0] =	ssyncadd.s32 @!p0 s1  }
0x1b6: {  	[bflag:$0x3] =	sbarrier.arrive $0xFFFF  }
0x1b7: {  	_ =	shalt  }

// kernel: kernel.16.cloned.1.call-start
scs
__scs_entry_jumppad:
0x0: {  	(pc) =	sbr.rel $0x88, $3  }
0x1: {  	(tag) =	ssettag $0x0;
	lr =	simm.s32 $0x1  }
0x2: {  	[smem:$0x3F98] =	sst lr;
	_ =	strace $0xD0000000  }
0x3: {  	_ = 	snop  }
0x4: {  	_ = 	snop  }
0x5: {  	_ = 	snop  }
0x6: {  	_ = 	snop  }
0x7: {  	_ = 	snop  }
__scs_overlays_trampoline_lowered:
0x8: {  	[smem:$0x3FA7] =	sst s0  }
0x9: {  	[smem:$0x3FA8] =	sst s1  }
0xa: {  	[smem:$0x3FA9] =	sst s2  }
0xb: {  	[smem:$0x3FAA] =	sst s3  }
0xc: {  	[smem:$0x3FAB] =	sst s4  }
0xd: {  	[smem:$0x3FAC] =	sst s5  }
0xe: {  	[smem:$0x3FAD] =	sst s6  }
0xf: {  	[smem:$0x3FAE] =	sst s7  }
0x10: {  	[smem:$0x3FAF] =	sst s8  }
0x11: {  	[smem:$0x3FB0] =	sst s9;
	s0 =	simm.s32 @!p0 $0x0  }
0x12: {  	s1 =	sld [smem:$0x3F96];
	s0 =	simm.s32 @p0 $0x1  }
0x13: {  	[smem:$0x3FB1] =	sst s0;
	s0 =	simm.s32 @!p1 $0x0  }
0x14: {  	s2 =	sld [smem:$0x3F95];
	s0 =	simm.s32 @p1 $0x1  }
0x15: {  	[smem:$0x3FB2] =	sst s0;
	s0 =	simm.s32 @!p2 $0x0  }
0x16: {  	s3 =	sld [smem:$0x3FDB];
	s0 =	simm.s32 @p2 $0x1  }
0x17: {  	s4 =	simm.s32 $0x1BF5;
	[smem:$0x3FB4] =	sst s0  }
0x18: {  	s0 =	sld [smem:$0x3F97];
	_ =	swait.ge [sflag:s4], $0x0  }
0x19: {  	s7 =	sld [smem:$0x3F98]  }
0x1a: {  	s8 =	sadd.s32 $0xFFFFE003, lr  }
0x1b: {  	s9 =	sadd.s32 $0xFFFFFEF7, lr;
	s5 =	simm.s32 $0xFFFFFFFF;
	p2 =	slt.u32 s8, $0xFFFFF086  }
0x1c: {  	p1 =	slt.u32 s9, $0xF7A;
	s5 =	simm.s32 @!p2 $0x0  }
0x1d: {  	s5 =	simm.s32 @p1 $0x1;
	p0 =	seq.s32 s7, s2  }
0x1e: {  	s7 =	smul.u32 @!p0 $0xF7A, s2;
	p2 =	seq.s32 @!p0 s5, $0x0  }
0x1f: {  	s9 =	smul.u32 $0xF7A, s1;
	s8 =	simm.s32 @!p0 $0x1BF5;
	p2 =	por !p2, p0  }
0x20: {  	[sflag:s8] =	ssyncset.s32 @!p0 $0xFFFFF086;
	s6 =	sadd.s32 @!p0 s3, s7;
	s7 =	simm.s32 @!p0 $0x108  }
0x21: {  	s3 =	sadd.s32 s3, s9;
	s6 =	sadd.s32 @!p0 $0x88, s6;
	s7 =	simm.s32 @p2 $0x1082  }
0x22: {  	[simem:s7], [sflag:s8] =	dma.local @!p0 [hbm:s6], $0xF7A  }
0x23: {  	s9 =	sor.u32 $0xD0000000, s2;
	s6 =	simm.s32 $0x108;
	_ =	swait.ge @!p0 [sflag:s8], $0x0  }
0x24: {  	s3 =	sadd.s32 $0x88, s3;
	s6 =	simm.s32 @!p1 $0x1082;
	[sflag:s4] =	ssyncset.s32 $0xFFFFF086  }
0x25: {  	[simem:s6], [sflag:s4] =	dma.local [hbm:s3], $0xF7A  }
0x26: {  	[smem:$0x3F98] =	sst s1;
	(tag) =	ssettag s2;
	_ =	strace s9  }
0x27: {  	s1 =	sld [smem:$0x3FA8]  }
0x28: {  	s2 =	sld [smem:$0x3FA9]  }
0x29: {  	s4 =	sld [smem:$0x3FAB]  }
0x2a: {  	p0 =	seq.s32 s5, $0x0;
	s5 =	sld [smem:$0x3FAC]  }
0x2b: {  	s6 =	sld [smem:$0x3FAD]  }
0x2c: {  	s7 =	sld [smem:$0x3FAE]  }
0x2d: {  	s3 =	simm.s32 $0x108;
	s8 =	sld [smem:$0x3FAF]  }
0x2e: {  	s3 =	simm.s32 @!p0 $0x1082;
	s9 =	sld [smem:$0x3FB0]  }
0x2f: {  	lr =	sadd.s32 s0, s3;
	s0 =	sld [smem:$0x3FA7]  }
0x30: {  	s3 =	sld [smem:$0x3FAA]  }
0x31: {  	[smem:$0x3FB3] =	sst s10  }
0x32: {  	s10 =	sld [smem:$0x3FB1];
	_ =	sdelay $0x3  }
0x33: {  	p0 =	seq.s32 s10, $0x1;
	s10 =	sld [smem:$0x3FB3];
	_ =	sdelay $0x3  }
0x34: {  	[smem:$0x3FB3] =	sst s10  }
0x35: {  	s10 =	sld [smem:$0x3FB2];
	_ =	sdelay $0x3  }
0x36: {  	p1 =	seq.s32 s10, $0x1;
	s10 =	sld [smem:$0x3FB3];
	_ =	sdelay $0x3  }
0x37: {  	[smem:$0x3FB3] =	sst s10  }
0x38: {  	s10 =	sld [smem:$0x3FB4]  }
0x39: {  	_ = 	snop;
	(pc) =	sbr.ind lr, $3  }
0x3a: {  	_ = 	snop  }
0x3b: {  	_ = 	snop  }
0x3c: {  	p2 =	seq.s32 s10, $0x1;
	s10 =	sld [smem:$0x3FB3]  }
0x3d: {  	_ =	shalt  }
0x3e: {  	_ =	shalt  }
0x3f: {  	_ =	shalt  }
0x40: {  	_ =	shalt  }
0x41: {  	_ =	shalt  }
0x42: {  	_ =	shalt  }
0x43: {  	_ =	shalt  }
0x44: {  	_ =	shalt  }
0x45: {  	_ =	shalt  }
0x46: {  	_ =	shalt  }
0x47: {  	_ =	shalt  }
0x48: {  	_ =	shalt  }
0x49: {  	_ =	shalt  }
0x4a: {  	_ =	shalt  }
0x4b: {  	_ =	shalt  }
0x4c: {  	_ =	shalt  }
0x4d: {  	_ =	shalt  }
0x4e: {  	_ =	shalt  }
0x4f: {  	_ =	shalt  }
0x50: {  	_ =	shalt  }
0x51: {  	_ =	shalt  }
0x52: {  	_ =	shalt  }
0x53: {  	_ =	shalt  }
0x54: {  	_ =	shalt  }
0x55: {  	_ =	shalt  }
0x56: {  	_ =	shalt  }
0x57: {  	_ =	shalt  }
0x58: {  	_ =	shalt  }
0x59: {  	_ =	shalt  }
0x5a: {  	_ =	shalt  }
0x5b: {  	_ =	shalt  }
0x5c: {  	_ =	shalt  }
0x5d: {  	_ =	shalt  }
0x5e: {  	_ =	shalt  }
0x5f: {  	_ =	shalt  }
0x60: {  	_ =	shalt  }
0x61: {  	_ =	shalt  }
0x62: {  	_ =	shalt  }
0x63: {  	_ =	shalt  }
0x64: {  	_ =	shalt  }
0x65: {  	_ =	shalt  }
0x66: {  	_ =	shalt  }
0x67: {  	_ =	shalt  }
0x68: {  	_ =	shalt  }
0x69: {  	_ =	shalt  }
0x6a: {  	_ =	shalt  }
0x6b: {  	_ =	shalt  }
0x6c: {  	_ =	shalt  }
0x6d: {  	_ =	shalt  }
0x6e: {  	_ =	shalt  }
0x6f: {  	_ =	shalt  }
0x70: {  	_ =	shalt  }
0x71: {  	_ =	shalt  }
0x72: {  	_ =	shalt  }
0x73: {  	_ =	shalt  }
0x74: {  	_ =	shalt  }
0x75: {  	_ =	shalt  }
0x76: {  	_ =	shalt  }
0x77: {  	_ =	shalt  }
0x78: {  	_ =	shalt  }
0x79: {  	_ =	shalt  }
0x7a: {  	_ =	shalt  }
0x7b: {  	_ =	shalt  }
0x7c: {  	_ =	shalt  }
0x7d: {  	_ =	shalt  }
0x7e: {  	_ =	shalt  }
0x7f: {  	_ =	shalt  }
0x80: {  	_ =	shalt  }
0x81: {  	_ =	shalt  }
0x82: {  	_ =	shalt  }
0x83: {  	_ =	shalt  }
0x84: {  	_ =	shalt  }
0x85: {  	_ =	shalt  }
0x86: {  	_ =	shalt  }
0x87: {  	_ =	shalt  }
.Lfunc_end0:
.L_simem_size_0:
called_computation.2_lowered:
.L_overlay_start_0:
0x88: {  	s2 =	sld [smem:$0x3FD9]  }
0x89: {  	s3 =	sld [smem:$0x3FFE];
	_ =	sdelay $0x1  }
0x8a: {  	s1 =	srdreg.scid  }
0x8b: {  	s0 =	sand.u32 $0x1, s1  }
0x8c: {  	s17 =	sshll.u32 s0, $0xA;
	s2 =	sadd.s32 s3, s2  }
0x8d: {  	s2 =	sadd.s32 s2, s17  }
0x8e: {  	[smem:$0x3FBF] =	sst s2  }
0x8f: {  	_ = 	snop  }
0x90: {  	s2 =	sld [smem:$0x3FC7];
	(tm) =	ssettm $0x1  }
0x91: {  	s18 =	sld [smem:$0x3FFB];
	_ =	sdelay $0x3  }
0x92: {  	_ =	strace s18  }
0x93: {  	s3 =	sld [smem:$0x3FFC];
	_ =	sdelay $0x3  }
0x94: {  	_ =	strace s3  }
0x95: {  	s3 =	sld [smem:$0x3FFD];
	_ =	sdelay $0x3  }
0x96: {  	_ =	strace s3  }
0x97: {  	_ =	strace $0x8FFFFFFF  }
0x98: {  	s19 =	sld [smem:$0x3FDB];
	_ =	sdelay $0x1  }
0x99: {  	s4 =	simm.s32 $_scs_section_size  }
0x9a: {  	s5 =	simm.s32 $_size__tile_overlayer_lowered;
	s6 =	simm.s32 $_tile_overlayer_lowered  }
0x9b: {  	s22 =	simm.s32 $0x1BFF;
	s21 =	sshll.u32 s6, $0x1;
	s3 =	sadd.s32 s4, s19  }
0x9c: {  	s7 =	simm.s32 $0x0;
	s20 =	sshll.u32 s5, $0x1;
	s5 =	sadd.s32 s21, s3  }
0x9d: {  	[timem:s7], [sflag:s22] =	dma.local [hbm:s5], s20  }
0x9e: {  	_ =	swait.ge [sflag:s22], s20  }
0x9f: {  	s4 =	ssub.s32 $0x0, s20;
	[sflag:s22] =	ssyncset.done $0x0  }
0xa0: {  	[sflag:s22] =	ssyncadd.s32 s4;
	_ =	sdelay $0x1  }
0xa1: {  	s23 =	simm.s32 $0x1B8B  }
0xa2: {  	_ =	swait.ge [sflag:s23], $0x1  }
0xa3: {  	[sflag:s23] =	ssyncset.done $0x0  }
0xa4: {  	s25 =	simm.s32 $0x1B8E;
	s24 =	sld [smem:$0x3FFE];
	[sflag:s23] =	ssyncadd.s32 $0xFFFFFFFF  }
0xa5: {  	s26 =	simm.s32 $execute0_lowered;
	[smem:$0x3FD2] =	sst s25  }
0xa6: {  	s5 =	sshll.u32 s26, $0x1;
	_ =	strace $0x8000004C;
	[dreg:$0x1] =	wrdreg $0xFFFFFFFF  }
0xa7: {  	s28 =	simm.s32 $_size_execute0_lowered;
	s3 =	sadd.s32 s3, s5;
	[dreg:$0x0] =	wrdreg $0x0  }
0xa8: {  	s5 =	sshll.u32 s28, $0x1;
	[dreg:$0x2] =	wrdreg s3  }
0xa9: {  	[dreg:$0x3] =	wrdreg s5  }
0xaa: {  	[dreg:$0x4] =	wrdreg $0xC0  }
0xab: {  	_ =	task [dreg:s7], $0x5FFFF  }
0xac: {  	[dreg:$0x1] =	wrdreg $0xFFFFFFFF  }
0xad: {  	[dreg:$0x0] =	wrdreg $0x60  }
0xae: {  	[dreg:$0x2] =	wrdreg s24  }
0xaf: {  	[dreg:$0x3] =	wrdreg s2  }
0xb0: {  	[dreg:$0x4] =	wrdreg $0x9  }
0xb1: {  	_ =	task.clear_ibuf [dreg:s7], $0x5FFFF;
	_ =	strace $0x9000004C  }
0xb2: {  	s29 =	simm.s32 $0x9;
	_ =	strace $0x8000004E  }
0xb3: {  	_ =	swait.ge [sflag:s29], $0x1  }
0xb4: {  	[sflag:s29] =	ssyncadd.s32 $0xFFFFFFFF  }
0xb5: {  	_ =	strace $0x9000004E  }
0xb6: {  	_ =	sfence  }
0xb7: {  	s30 =	sld [smem:$0x0];
	_ =	sdelay $0x2  }
0xb8: {  	s31 =	sshll.u32 s1, $0xD;
	s1 =	sshrl.u32 s1, $0x2  }
0xb9: {  	s3 =	sand.u32 $0x4000, s31;
	s1 =	sadd.s32 s1, s30  }
0xba: {  	s0 =	sor.u32 s3, s0;
	s1 =	sshll.u32 s1, $0x11  }
0xbb: {  	s0 =	sor.u32 s1, s0  }
0xbc: {  	s0 =	sadd.s32 $0x8F2B, s0  }
0xbd: {  	[sflag:s0] =	ssyncadd.remote.s32 $0x1  }
0xbe: {  	_ =	sfence.sel $0xFFFF  }
0xbf: {  	[dreg:$0x0] =	wrdreg $0xFFFFFFFF;
	(pc) =	sbr.abs _section_cstart, $3  }
0xc0: {  	[dreg:$0x1] =	wrdreg $0xFFFFFFFF  }
0xc1: {  	_ =	task.clear_ibuf [dreg:s7], $0x2FFFF;
	_ =	strace $0x9FFFFFFF  }
0xc2: {  	(tm) =	ssettm $0x7FFFFFFF  }
0xc3: {  	_ =	shalt  }
tec
execute0_lowered:
.L_overlay_start_1:
0x0: {  	(tag) =	ssettag $0x1  }
0x1: {  	s0 =	rddreg [dreg:$0x0]  }
0x2: {  	s2 =	rddreg [dreg:$0x1]  }
0x3: {  	s15 =	stileid.u32;
	s3 =	simm.s32 $0x0;
	s1 =	srdreg.scid  }
0x4: {  	s28 =	simm.s32 $0x4F00;
	s29 =	simm.s32 $0x7680;
	s30 =	simm.s32 $0x9E00  }
0x5: {  	s31 =	simm.s32 $0xC580;
	s4 =	sshll.u32 s15, $0x1;
	[smem:$0x7FF] =	sst s3  }
0x6: {  	s1 =	sand.u32 $0x1, s1;
	s6 =	sadd.s32 $0x3400, s0;
	s9 =	sshrl.u32 s15, $0x3  }
0x7: {  	s10 =	sshll.u32 s15, $0x7;
	s22 =	sor.u32 $0x11, s15;
	s4 =	sand.u32 $0x2, s4  }
0x8: {  	_ =	strace $0x8000004D;
	s5 =	ssub.s32 $0x2, s1;
	s9 =	smul.u32 $0x13C00, s9  }
0x9: {  	s10 =	sand.u32 $0x300, s10;
	s24 =	sshrl.u32 s22, $0x3;
	s1 =	sor.u32 s1, s4  }
0xa: {  	s7 =	sshrl.u32 s5, $0x1;
	s4 =	sadd.s32 $0x20E00, s0;
	s0 =	sadd.s32 $0x2AC00, s0  }
0xb: {  	s14 =	sor.u32 $0x80, s10;
	s8 =	smul.u32 $0x13880, s1;
	s13 =	sor.u32 s10, s9  }
0xc: {  	s5 =	ssub.s32 s5, s7;
	s1 =	smul.u32 $0x4F000, s1;
	s12 =	sshrl.u32 s13, $0x3  }
0xd: {  	s19 =	sor.u32 s9, s14;
	s16 =	sshrl.u32 s8, $0x3;
	s20 =	sadd.s32 s6, s12  }
0xe: {  	s21 =	sadd.s32 s9, s1;
	s12 =	sadd.s32 $0x2EE0, s8;
	s25 =	sadd.s32 s1, s13  }
0xf: {  	s9 =	smul.u32 $0x13C00, s24;
	s24 =	simm.s32 $0x2780;
	s11 =	sadd.s32 s4, s16  }
0x10: {  	s17 =	sadd.s32 s2, s16;
	s7 =	sadd.s32 $0x1F4, s16;
	[dreg:$0x7] =	wrdreg s20  }
0x11: {  	s23 =	sor.u32 s10, s21;
	s26 =	sadd.s32 $0x27800, s25;
	[dreg:$0x3] =	wrdreg s11  }
0x12: {  	s20 =	simm.s32 $0xFD00;
	s25 =	simm.s32 $0x3;
	[dreg:$0x4] =	wrdreg s17  }
0x13: {  	s18 =	sadd.s32 s4, s7;
	s11 =	sshrl.u32 s19, $0x3;
	s7 =	sadd.s32 s2, s7  }
0x14: {  	s1 =	sadd.s32 s9, s1;
	s17 =	smax.u32 s5, $0x1;
	[dreg:$0x5] =	wrdreg s18  }
0x15: {  	[dreg:$0x6] =	wrdreg s7;
	s6 =	sadd.s32 s6, s11;
	s11 =	sadd.s32 $0x1F40, s8  }
0x16: {  	s8 =	sshrl.u32 s23, $0x3;
	s7 =	sshll.u32 s22, $0x7;
	s22 =	simm.s32 $0x80  }
0x17: {  	s23 =	simm.s32 $0x400;
	s18 =	simm.s32 $0x0;
	[dreg:$0x8] =	wrdreg s6  }
.Ltmp0:
0x18: {  	s13 =	sadd.s32 s0, s8;
	s6 =	sor.u32 s14, s21;
	(pc) =	sbr.rel .LBB2_1-.Ltmp0, $4  }
0x19: {  	s7 =	sand.u32 $0x380, s7;
	s8 =	sshrl.u32 s26, $0x3;
	s21 =	simm.s32 $0x11D00  }
0x1a: {  	s26 =	simm.s32 $0x1;
	s6 =	sshrl.u32 s6, $0x3;
	s1 =	sor.u32 s7, s1  }
0x1b: {  	s14 =	sadd.s32 s0, s8;
	s15 =	sadd.s32 s0, s6;
	s1 =	sshrl.u32 s1, $0x3  }
0x1c: {  	v0 =	vimm.f32 $0.0e+00;
	s16 =	sadd.s32 s0, s1;
	s0 =	simm.s32 $0x2;
	s1 =	simm.s32 $0x4  }
.LBB2_14:
0x1d: {  	[hbm4b:s13+s22] =	stream.strided.scatter [tilespmem:s28], [sflag:$0x4], $0x2780, s23, s22, $0x38;
	[tilespmem:$0x12D00] =	vst v63  }
0x1e: {  	_ =	swait.ge [sflag:s1], $0x2780  }
0x1f: {  	[sflag:s1] =	ssyncset.done $0x0  }
0x20: {  	[sflag:s1] =	ssyncadd.s32 $0xFFFFD880  }
0x21: {  	[hbm4b:s14+s22] =	stream.strided.scatter [tilespmem:s29], [sflag:$0x4], $0x2780, s23, s22, $0x38;
	[tilespmem:$0x12D00] =	vst v63  }
0x22: {  	_ =	swait.ge [sflag:s1], $0x2780  }
0x23: {  	[sflag:s1] =	ssyncset.done $0x0  }
0x24: {  	[sflag:s1] =	ssyncadd.s32 $0xFFFFD880  }
0x25: {  	[hbm4b:s15+s22] =	stream.strided.scatter [tilespmem:s30], [sflag:$0x4], $0x2780, s23, s22, $0x38;
	[tilespmem:$0x12D00] =	vst v63  }
0x26: {  	s18 =	sadd.s32 $0x1, s18;
	_ =	swait.ge [sflag:s1], $0x2780  }
0x27: {  	p0 =	sne.s32 s18, s17;
	[sflag:s1] =	ssyncset.done $0x0  }
.Ltmp1:
0x28: {  	[sflag:s1] =	ssyncadd.s32 $0xFFFFD880;
	(pc) =	sbr.rel @!p0 .LBB2_15-.Ltmp1, $4  }
0x29: {  	[hbm4b:s16+s22] =	stream.strided.scatter [tilespmem:s31], [sflag:$0x4], $0x2780, s23, s22, $0x38;
	[tilespmem:$0x12D00] =	vst v63  }
0x2a: {  	_ =	swait.ge [sflag:s1], $0x2780  }
0x2b: {  	[sflag:s1] =	ssyncset.done $0x0  }
0x2c: {  	[sflag:s1] =	ssyncadd.s32 $0xFFFFD880  }
.LBB2_1:
0x2d: {  	s5 =	rddreg [dreg:$0x3];
	s6 =	simm.s32 $0xED00  }
0x2e: {  	[tilespmem:s6], [sflag:$0x1] =	stream.linear.gather [hbm4b:s5+s3], $0xFA0, $0x38;
	[tilespmem:$0x12D00] =	vst v63  }
0x2f: {  	s7 =	simm.s32 $0x10D00;
	s6 =	rddreg [dreg:$0x4]  }
0x30: {  	[tilespmem:s7], [sflag:$0x1] =	stream.linear.gather [hbm4b:s6+s3], $0xFA0, $0x38;
	[tilespmem:$0x12D00] =	vst v63  }
0x31: {  	s8 =	rddreg [dreg:$0x5]  }
0x32: {  	[tilespmem:s20], [sflag:$0x2] =	stream.linear.gather [hbm4b:s8+s3], $0xFA0, $0x38;
	[tilespmem:$0x12D00] =	vst v63  }
0x33: {  	s9 =	rddreg [dreg:$0x6]  }
0x34: {  	[tilespmem:s21], [sflag:$0x2] =	stream.linear.gather [hbm4b:s9+s3], $0xFA0, $0x38;
	[tilespmem:$0x12D00] =	vst v63  }
0x35: {  	s10 =	rddreg [dreg:$0x7]  }
0x36: {  	[tilespmem:s3], [sflag:$0x3] =	stream.strided.gather [hbm4b:s10+s22], $0x2780, s23, s22, $0x38;
	[tilespmem:$0x12D00] =	vst v63  }
0x37: {  	s19 =	rddreg [dreg:$0x8];
	s8 =	simm.s32 $0x4F20  }
0x38: {  	[tilespmem:s24], [sflag:$0x3] =	stream.strided.gather [hbm4b:s19+s22], $0x2780, s23, s22, $0x38;
	[tilespmem:$0x12D00] =	vst v63  }
0x39: {  	[tilespmem:s8+$0xFFFFFFF0] =	vst v0  }
0x3a: {  	[tilespmem:s8+$0x0] =	vst v0  }
0x3b: {  	[tilespmem:s8+$0x10] =	vst v0  }
0x3c: {  	s5 =	simm.s32 $0x76A0;
	[tilespmem:s8+$0xFFFFFFE0] =	vst v0  }
0x3d: {  	[tilespmem:s5+$0xFFFFFFF0] =	vst v0  }
0x3e: {  	[tilespmem:s5+$0x0] =	vst v0  }
0x3f: {  	[tilespmem:s5+$0x10] =	vst v0  }
0x40: {  	s6 =	simm.s32 $0x9E20;
	[tilespmem:s5+$0xFFFFFFE0] =	vst v0  }
0x41: {  	[tilespmem:s6+$0xFFFFFFF0] =	vst v0  }
0x42: {  	[tilespmem:s6+$0x0] =	vst v0  }
0x43: {  	[tilespmem:s6+$0x10] =	vst v0  }
0x44: {  	s7 =	simm.s32 $0xC5A0;
	[tilespmem:s6+$0xFFFFFFE0] =	vst v0  }
0x45: {  	[tilespmem:s7+$0xFFFFFFF0] =	vst v0  }
0x46: {  	[tilespmem:s7+$0x0] =	vst v0  }
0x47: {  	[tilespmem:s7+$0x10] =	vst v0  }
0x48: {  	s9 =	simm.s32 $0x4F60;
	s8 =	simm.s32 $0x0;
	[tilespmem:s7+$0xFFFFFFE0] =	vst v0  }
.LBB2_2:
0x49: {  	[tilespmem:s9+$0xFFFFFFF0] =	vst v0;
	s5 =	sadd.s32 $0x40, s5  }
0x4a: {  	s6 =	sadd.s32 $0x40, s6;
	[tilespmem:s5+$0xFFFFFFF0] =	vst v0  }
0x4b: {  	s7 =	sadd.s32 $0x40, s7;
	[tilespmem:s6+$0xFFFFFFF0] =	vst v0  }
0x4c: {  	[tilespmem:s7+$0xFFFFFFF0] =	vst v0  }
0x4d: {  	[tilespmem:s9+$0x0] =	vst v0  }
0x4e: {  	[tilespmem:s5+$0x0] =	vst v0  }
0x4f: {  	[tilespmem:s6+$0x0] =	vst v0  }
0x50: {  	[tilespmem:s7+$0x0] =	vst v0  }
0x51: {  	[tilespmem:s9+$0x10] =	vst v0  }
0x52: {  	s8 =	sadd.s32 $0x40, s8;
	[tilespmem:s5+$0x10] =	vst v0  }
0x53: {  	p0 =	slt.u32 s8, $0x26C0;
	[tilespmem:s6+$0x10] =	vst v0  }
.Ltmp2:
0x54: {  	[tilespmem:s7+$0x10] =	vst v0;
	(pc) =	sbr.rel @p0 .LBB2_2-.Ltmp2, $4  }
0x55: {  	[tilespmem:s9+$0xFFFFFFE0] =	vst v0  }
0x56: {  	[tilespmem:s5+$0xFFFFFFE0] =	vst v0  }
0x57: {  	[tilespmem:s6+$0xFFFFFFE0] =	vst v0  }
0x58: {  	s9 =	sadd.s32 $0x40, s9;
	[tilespmem:s7+$0xFFFFFFE0] =	vst v0  }
0x59: {  	[tilespmem:$0x7600] =	vst v0  }
0x5a: {  	[tilespmem:$0x9D80] =	vst v0  }
0x5b: {  	[tilespmem:$0xC500] =	vst v0  }
0x5c: {  	[tilespmem:$0xEC80] =	vst v0  }
0x5d: {  	_ =	swait.ge [sflag:s25], $0x2780  }
0x5e: {  	[sflag:s25] =	ssyncset.done $0x0  }
0x5f: {  	[sflag:s25] =	ssyncadd.s32 $0xFFFFD880  }
0x60: {  	_ =	swait.ge [sflag:s25], $0x2780  }
0x61: {  	[sflag:s25] =	ssyncset.done $0x0  }
0x62: {  	s19 =	simm.s32 $0x0;
	[sflag:s25] =	ssyncadd.s32 $0xFFFFD880  }
.LBB2_4:
0x63: {  	_ =	swait.ge [sflag:s26], $0xFA0  }
0x64: {  	[sflag:s26] =	ssyncset.done $0x0  }
0x65: {  	[sflag:s26] =	ssyncadd.s32 $0xFFFFF060  }
0x66: {  	_ =	swait.ge [sflag:s26], $0xFA0  }
0x67: {  	[sflag:s26] =	ssyncset.done $0x0  }
0x68: {  	s5 =	simm.s32 $0xED40;
	[sflag:s26] =	ssyncadd.s32 $0xFFFFF060  }
0x69: {  	v1 =	vld [tilespmem:s5+$0x30]  }
0x6a: {  	v2 =	vld [tilespmem:s5+$0xFFFFFFD0]  }
0x6b: {  	v3 =	vld [tilespmem:s5+$0xFFFFFFE0]  }
0x6c: {  	v4 =	vld [tilespmem:s5+$0xFFFFFFF0]  }
0x6d: {  	v5 =	vld [tilespmem:s5+$0x0]  }
0x6e: {  	v7 =	vld [tilespmem:s5+$0x10]  }
0x6f: {  	v9 =	vld [tilespmem:s5+$0xFFFFFFC0]  }
0x70: {  	v10 =	vld [tilespmem:s5+$0x20];
	s5 =	simm.s32 $0x10D40;
	v6 =	vand.u32 $0xFFFF, v1  }
0x71: {  	v18 =	vld [tilespmem:s5+$0x30]  }
0x72: {  	v53 =	vld [tilespmem:s5+$0xFFFFFFC0]  }
0x73: {  	v54 =	vld [tilespmem:s5+$0xFFFFFFD0]  }
0x74: {  	v27 =	vld [tilespmem:s5+$0xFFFFFFE0]  }
0x75: {  	v8 =	vand.u32 $0xFFFF, v2;
	v14 =	vld.idx.msk [tilespmem:v6+s3+$0x0], $0xffff  }
0x76: {  	v28 =	vld [tilespmem:s5+$0xFFFFFFF0];
	v12 =	vand.u32 $0xFFFF, v4  }
0x77: {  	v30 =	vld [tilespmem:s5+$0x0];
	v17 =	vand.u32 $0xFFFF, v9  }
0x78: {  	v31 =	vld [tilespmem:s5+$0x10];
	v1 =	vshra.s32 v1, $0x10  }
0x79: {  	v34 =	vld [tilespmem:s5+$0x20]  }
0x7a: {  	v16 =	vld.idx.msk [tilespmem:v8+s3+$0x0], $0xffff;
	v24 =	vshll.u32 v14, $0x10  }
0x7b: {  	v11 =	vand.u32 $0xFFFF, v3;
	v21 =	vld.idx.msk [tilespmem:v12+s3+$0x0], $0xffff;
	v14 =	vand.u32 $0xFFFF0000, v14;
	v24 =	vmul.f32 v24, v18  }
0x7c: {  	v13 =	vand.u32 $0xFFFF, v5;
	v25 =	vld.idx.msk [tilespmem:v17+s3+$0x0], $0xffff;
	v14 =	vmul.f32 v14, v18  }
0x7d: {  	v15 =	vand.u32 $0xFFFF, v7;
	[tilespmem:v1+s28+$0x0] =	vst.idx.add.f32.msk $0xffff, v24  }
0x7e: {  	v19 =	vand.u32 $0xFFFF, v10;
	[tilespmem:v1+s29+$0x0] =	vst.idx.add.f32.msk $0xffff, v14  }
0x7f: {  	v9 =	vshra.s32 v9, $0x10;
	v6 =	vld.idx.msk [tilespmem:v6+s24+$0x0], $0xffff  }
0x80: {  	v33 =	vshra.s32 v2, $0x10;
	v20 =	vld.idx.msk [tilespmem:v11+s3+$0x0], $0xffff  }
0x81: {  	v4 =	vshra.s32 v4, $0x10;
	v22 =	vld.idx.msk [tilespmem:v13+s3+$0x0], $0xffff;
	v29 =	vshll.u32 v25, $0x10  }
0x82: {  	v23 =	vld.idx.msk [tilespmem:v15+s3+$0x0], $0xffff;
	v55 =	vshll.u32 v16, $0x10;
	v29 =	vmul.f32 v29, v53  }
0x83: {  	v57 =	vshra.s32 v5, $0x10;
	v26 =	vld.idx.msk [tilespmem:v19+s3+$0x0], $0xffff;
	v5 =	vshll.u32 v21, $0x10;
	v56 =	vmul.f32 v55, v54  }
0x84: {  	v5 =	vmul.f32 v5, v28;
	[tilespmem:v9+s28+$0x0] =	vst.idx.add.f32.msk $0xffff, v29;
	v32 =	vshll.u32 v6, $0x10  }
0x85: {  	[tilespmem:v33+s28+$0x0] =	vst.idx.add.f32.msk $0xffff, v56;
	v2 =	vand.u32 $0xFFFF0000, v6;
	v6 =	vmul.f32 v32, v18  }
0x86: {  	v3 =	vshra.s32 v3, $0x10;
	v25 =	vand.u32 $0xFFFF0000, v25;
	[tilespmem:v4+s28+$0x0] =	vst.idx.add.f32.msk $0xffff, v5;
	v2 =	vmul.f32 v2, v18  }
0x87: {  	v25 =	vmul.f32 v25, v53;
	[tilespmem:v1+s30+$0x0] =	vst.idx.add.f32.msk $0xffff, v6;
	v6 =	vand.u32 $0xFFFF0000, v16  }
0x88: {  	[tilespmem:v1+s31+$0x0] =	vst.idx.add.f32.msk $0xffff, v2;
	v1 =	vshll.u32 v20, $0x10;
	v2 =	vmul.f32 v6, v54  }
0x89: {  	[tilespmem:v9+s29+$0x0] =	vst.idx.add.f32.msk $0xffff, v25;
	v6 =	vand.u32 $0xFFFF0000, v20;
	v1 =	vmul.f32 v1, v27  }
0x8a: {  	v6 =	vmul.f32 v6, v27;
	[tilespmem:v33+s29+$0x0] =	vst.idx.add.f32.msk $0xffff, v2;
	v2 =	vand.u32 $0xFFFF0000, v21  }
0x8b: {  	[tilespmem:v3+s28+$0x0] =	vst.idx.add.f32.msk $0xffff, v1;
	v1 =	vshra.s32 v7, $0x10;
	v7 =	vshll.u32 v22, $0x10;
	v58 =	vmul.f32 v2, v28  }
0x8c: {  	[tilespmem:v3+s29+$0x0] =	vst.idx.add.f32.msk $0xffff, v6;
	v6 =	vand.u32 $0xFFFF0000, v22;
	v7 =	vmul.f32 v7, v30  }
0x8d: {  	v2 =	vshra.s32 v10, $0x10;
	v6 =	vmul.f32 v6, v30;
	[tilespmem:v4+s29+$0x0] =	vst.idx.add.f32.msk $0xffff, v58  }
0x8e: {  	v5 =	vshll.u32 v23, $0x10;
	[tilespmem:v57+s28+$0x0] =	vst.idx.add.f32.msk $0xffff, v7  }
0x8f: {  	v5 =	vmul.f32 v5, v31;
	v7 =	vshll.u32 v26, $0x10;
	[tilespmem:v57+s29+$0x0] =	vst.idx.add.f32.msk $0xffff, v6  }
0x90: {  	v6 =	vmul.f32 v7, v34;
	v7 =	vld.idx.msk [tilespmem:v11+s24+$0x0], $0xffff  }
0x91: {  	[tilespmem:v1+s28+$0x0] =	vst.idx.add.f32.msk $0xffff, v5;
	v5 =	vand.u32 $0xFFFF0000, v26  }
0x92: {  	v5 =	vmul.f32 v5, v34;
	[tilespmem:v2+s28+$0x0] =	vst.idx.add.f32.msk $0xffff, v6  }
0x93: {  	v10 =	vand.u32 $0xFFFF0000, v23;
	v6 =	vld.idx.msk [tilespmem:v17+s24+$0x0], $0xffff  }
0x94: {  	v10 =	vmul.f32 v10, v31;
	[tilespmem:v2+s29+$0x0] =	vst.idx.add.f32.msk $0xffff, v5  }
0x95: {  	v5 =	vld.idx.msk [tilespmem:v8+s24+$0x0], $0xffff  }
0x96: {  	[tilespmem:v1+s29+$0x0] =	vst.idx.add.f32.msk $0xffff, v10  }
0x97: {  	v10 =	vld.idx.msk [tilespmem:v13+s24+$0x0], $0xffff  }
0x98: {  	v59 =	vld.idx.msk [tilespmem:v15+s24+$0x0], $0xffff;
	v11 =	vshll.u32 v6, $0x10  }
0x99: {  	v8 =	vld.idx.msk [tilespmem:v12+s24+$0x0], $0xffff;
	v6 =	vand.u32 $0xFFFF0000, v6;
	v11 =	vmul.f32 v11, v53  }
0x9a: {  	v60 =	vld.idx.msk [tilespmem:v19+s24+$0x0], $0xffff;
	v6 =	vmul.f32 v6, v53;
	v61 =	vshll.u32 v5, $0x10  }
0x9b: {  	v5 =	vand.u32 $0xFFFF0000, v5;
	[tilespmem:v9+s30+$0x0] =	vst.idx.add.f32.msk $0xffff, v11;
	v11 =	vmul.f32 v61, v54  }
0x9c: {  	v62 =	vshll.u32 v7, $0x10;
	v5 =	vmul.f32 v5, v54;
	[tilespmem:v9+s31+$0x0] =	vst.idx.add.f32.msk $0xffff, v6  }
0x9d: {  	v6 =	vand.u32 $0xFFFF0000, v7;
	v7 =	vmul.f32 v62, v27;
	[tilespmem:v33+s30+$0x0] =	vst.idx.add.f32.msk $0xffff, v11  }
0x9e: {  	v9 =	vshll.u32 v8, $0x10;
	[tilespmem:v33+s31+$0x0] =	vst.idx.add.f32.msk $0xffff, v5;
	v5 =	vmul.f32 v6, v27  }
0x9f: {  	v6 =	vand.u32 $0xFFFF0000, v8;
	[tilespmem:v3+s30+$0x0] =	vst.idx.add.f32.msk $0xffff, v7;
	v7 =	vmul.f32 v9, v28  }
0xa0: {  	v8 =	vshll.u32 v10, $0x10;
	v6 =	vmul.f32 v6, v28;
	[tilespmem:v3+s31+$0x0] =	vst.idx.add.f32.msk $0xffff, v5  }
0xa1: {  	v11 =	vshll.u32 v60, $0x10;
	v8 =	vmul.f32 v8, v30;
	v3 =	vand.u32 $0xFFFF0000, v10;
	[tilespmem:v4+s30+$0x0] =	vst.idx.add.f32.msk $0xffff, v7  }
0xa2: {  	v5 =	vshll.u32 v59, $0x10;
	v7 =	vand.u32 $0xFFFF0000, v59;
	v63 =	vmul.f32 v3, v30;
	[tilespmem:v4+s31+$0x0] =	vst.idx.add.f32.msk $0xffff, v6  }
0xa3: {  	s9 =	simm.s32 $0x0;
	s6 =	simm.s32 $0xF70;
	v3 =	vand.u32 $0xFFFF0000, v60;
	v10 =	vmul.f32 v5, v31;
	v9 =	vmul.f32 v7, v31;
	[tilespmem:v57+s30+$0x0] =	vst.idx.add.f32.msk $0xffff, v8  }
0xa4: {  	s7 =	simm.s32 $0x11C80;
	s8 =	simm.s32 $0xFC80;
	s10 =	simm.s32 $0xEDC0;
	v5 =	vmul.f32 v11, v34;
	v3 =	vmul.f32 v3, v34;
	[tilespmem:v57+s31+$0x0] =	vst.idx.add.f32.msk $0xffff, v63  }
.LBB2_5:
0xa5: {  	v12 =	vld [tilespmem:s10+$0x30]  }
0xa6: {  	v4 =	vld [tilespmem:s10+$0xFFFFFFD0]  }
0xa7: {  	s9 =	sadd.s32 $0x80, s9;
	v6 =	vld [tilespmem:s10+$0xFFFFFFE0]  }
0xa8: {  	p0 =	slt.u32 s9, $0xF00;
	v13 =	vld [tilespmem:s10+$0xFFFFFFF0]  }
0xa9: {  	v14 =	vld [tilespmem:s10+$0x0]  }
0xaa: {  	v15 =	vld [tilespmem:s10+$0x10];
	v16 =	vand.u32 $0xFFFF, v12  }
0xab: {  	v8 =	vshra.s32 v4, $0x10;
	v11 =	vand.u32 $0xFFFF, v4;
	v17 =	vld [tilespmem:s10+$0x20]  }
0xac: {  	v18 =	vld [tilespmem:s10+$0xFFFFFFC0];
	v7 =	vshra.s32 v6, $0x10;
	v19 =	vand.u32 $0xFFFF, v6  }
0xad: {  	v6 =	vshra.s32 v13, $0x10;
	v13 =	vand.u32 $0xFFFF, v13;
	[tilespmem:v1+s30+$0x0] =	vst.idx.add.f32.msk $0xffff, v10  }
0xae: {  	v4 =	vshra.s32 v14, $0x10;
	v14 =	vand.u32 $0xFFFF, v14;
	[tilespmem:v1+s31+$0x0] =	vst.idx.add.f32.msk $0xffff, v9  }
0xaf: {  	v1 =	vshra.s32 v15, $0x10;
	v15 =	vand.u32 $0xFFFF, v15;
	v20 =	vld.idx.msk [tilespmem:v16+s3+$0x0], $0xffff  }
0xb0: {  	s5 =	sadd.s32 $0x80, s5;
	v21 =	vld.idx.msk [tilespmem:v11+s3+$0x0], $0xffff;
	v10 =	vshra.s32 v17, $0x10;
	v17 =	vand.u32 $0xFFFF, v17  }
0xb1: {  	v9 =	vshra.s32 v18, $0x10;
	v18 =	vand.u32 $0xFFFF, v18;
	v22 =	vld [tilespmem:s5+$0x30]  }
0xb2: {  	v23 =	vld.idx.msk [tilespmem:v19+s3+$0x0], $0xffff  }
0xb3: {  	v12 =	vshra.s32 v12, $0x10;
	v24 =	vld.idx.msk [tilespmem:v13+s3+$0x0], $0xffff  }
0xb4: {  	v25 =	vld.idx.msk [tilespmem:v14+s3+$0x0], $0xffff  }
0xb5: {  	v27 =	vshll.u32 v20, $0x10;
	v26 =	vld.idx.msk [tilespmem:v15+s3+$0x0], $0xffff  }
0xb6: {  	v20 =	vand.u32 $0xFFFF0000, v20;
	v29 =	vshll.u32 v21, $0x10;
	v28 =	vld.idx.msk [tilespmem:v18+s3+$0x0], $0xffff;
	v27 =	vmul.f32 v27, v22  }
0xb7: {  	v21 =	vand.u32 $0xFFFF0000, v21;
	v20 =	vmul.f32 v20, v22;
	v30 =	vld.idx.msk [tilespmem:v17+s3+$0x0], $0xffff  }
0xb8: {  	v31 =	vshll.u32 v23, $0x10;
	v23 =	vand.u32 $0xFFFF0000, v23;
	[tilespmem:v12+s28+$0x0] =	vst.idx.add.f32.msk $0xffff, v27  }
0xb9: {  	v27 =	vshll.u32 v24, $0x10;
	v24 =	vand.u32 $0xFFFF0000, v24;
	[tilespmem:v12+s29+$0x0] =	vst.idx.add.f32.msk $0xffff, v20  }
0xba: {  	v20 =	vshll.u32 v25, $0x10;
	v25 =	vand.u32 $0xFFFF0000, v25;
	v16 =	vld.idx.msk [tilespmem:v16+s24+$0x0], $0xffff  }
0xbb: {  	v33 =	vshll.u32 v26, $0x10;
	v26 =	vand.u32 $0xFFFF0000, v26;
	v32 =	vld [tilespmem:s5+$0xFFFFFFC0]  }
0xbc: {  	v34 =	vshll.u32 v28, $0x10;
	v28 =	vand.u32 $0xFFFF0000, v28;
	v35 =	vld [tilespmem:s5+$0xFFFFFFD0]  }
0xbd: {  	v37 =	vshll.u32 v30, $0x10;
	v30 =	vand.u32 $0xFFFF0000, v30;
	v36 =	vld [tilespmem:s5+$0xFFFFFFE0]  }
0xbe: {  	v38 =	vld [tilespmem:s5+$0xFFFFFFF0]  }
0xbf: {  	v39 =	vld [tilespmem:s5+$0x0]  }
0xc0: {  	v41 =	vshll.u32 v16, $0x10;
	v34 =	vmul.f32 v34, v32;
	v28 =	vmul.f32 v28, v32;
	v40 =	vld [tilespmem:s5+$0x10]  }
0xc1: {  	v16 =	vand.u32 $0xFFFF0000, v16;
	v41 =	vmul.f32 v41, v22;
	v29 =	vmul.f32 v29, v35;
	v42 =	vld [tilespmem:s5+$0x20]  }
0xc2: {  	v16 =	vmul.f32 v16, v22;
	v21 =	vmul.f32 v21, v35;
	[tilespmem:v9+s28+$0x0] =	vst.idx.add.f32.msk $0xffff, v34  }
0xc3: {  	v22 =	vmul.f32 v31, v36;
	v23 =	vmul.f32 v23, v36;
	[tilespmem:v12+s30+$0x0] =	vst.idx.add.f32.msk $0xffff, v41  }
0xc4: {  	v27 =	vmul.f32 v27, v38;
	v24 =	vmul.f32 v24, v38;
	[tilespmem:v12+s31+$0x0] =	vst.idx.add.f32.msk $0xffff, v16  }
0xc5: {  	v12 =	vmul.f32 v20, v39;
	v16 =	vmul.f32 v25, v39;
	[tilespmem:v9+s29+$0x0] =	vst.idx.add.f32.msk $0xffff, v28  }
0xc6: {  	v20 =	vmul.f32 v33, v40;
	v25 =	vmul.f32 v26, v40;
	[tilespmem:v8+s28+$0x0] =	vst.idx.add.f32.msk $0xffff, v29  }
0xc7: {  	v26 =	vmul.f32 v30, v42;
	[tilespmem:v8+s29+$0x0] =	vst.idx.add.f32.msk $0xffff, v21;
	v21 =	vmul.f32 v37, v42  }
0xc8: {  	[tilespmem:v7+s28+$0x0] =	vst.idx.add.f32.msk $0xffff, v22  }
0xc9: {  	[tilespmem:v7+s29+$0x0] =	vst.idx.add.f32.msk $0xffff, v23  }
0xca: {  	[tilespmem:v6+s28+$0x0] =	vst.idx.add.f32.msk $0xffff, v27  }
0xcb: {  	[tilespmem:v6+s29+$0x0] =	vst.idx.add.f32.msk $0xffff, v24  }
0xcc: {  	[tilespmem:v4+s28+$0x0] =	vst.idx.add.f32.msk $0xffff, v12  }
0xcd: {  	[tilespmem:v4+s29+$0x0] =	vst.idx.add.f32.msk $0xffff, v16  }
0xce: {  	[tilespmem:v1+s28+$0x0] =	vst.idx.add.f32.msk $0xffff, v20  }
0xcf: {  	[tilespmem:v1+s29+$0x0] =	vst.idx.add.f32.msk $0xffff, v25  }
0xd0: {  	[tilespmem:v10+s28+$0x0] =	vst.idx.add.f32.msk $0xffff, v21  }
0xd1: {  	[tilespmem:v10+s29+$0x0] =	vst.idx.add.f32.msk $0xffff, v26  }
0xd2: {  	v12 =	vld.idx.msk [tilespmem:v18+s24+$0x0], $0xffff  }
0xd3: {  	v11 =	vld.idx.msk [tilespmem:v11+s24+$0x0], $0xffff  }
0xd4: {  	v16 =	vld.idx.msk [tilespmem:v19+s24+$0x0], $0xffff  }
0xd5: {  	v13 =	vld.idx.msk [tilespmem:v13+s24+$0x0], $0xffff  }
0xd6: {  	v14 =	vld.idx.msk [tilespmem:v14+s24+$0x0], $0xffff  }
0xd7: {  	v15 =	vld.idx.msk [tilespmem:v15+s24+$0x0], $0xffff  }
0xd8: {  	v18 =	vshll.u32 v12, $0x10;
	v12 =	vand.u32 $0xFFFF0000, v12;
	v17 =	vld.idx.msk [tilespmem:v17+s24+$0x0], $0xffff  }
0xd9: {  	v18 =	vmul.f32 v18, v32;
	v19 =	vshll.u32 v11, $0x10;
	v11 =	vand.u32 $0xFFFF0000, v11;
	[tilespmem:v2+s30+$0x0] =	vst.idx.add.f32.msk $0xffff, v5  }
0xda: {  	v5 =	vmul.f32 v12, v32;
	v12 =	vshll.u32 v16, $0x10;
	v16 =	vand.u32 $0xFFFF0000, v16;
	[tilespmem:v2+s31+$0x0] =	vst.idx.add.f32.msk $0xffff, v3;
	v2 =	vmovc v10  }
0xdb: {  	v3 =	vmul.f32 v19, v35;
	v10 =	vshll.u32 v13, $0x10;
	v13 =	vand.u32 $0xFFFF0000, v13;
	[tilespmem:v9+s30+$0x0] =	vst.idx.add.f32.msk $0xffff, v18  }
0xdc: {  	[tilespmem:v9+s31+$0x0] =	vst.idx.add.f32.msk $0xffff, v5;
	v5 =	vmul.f32 v11, v35;
	v9 =	vshll.u32 v14, $0x10;
	v11 =	vand.u32 $0xFFFF0000, v14  }
0xdd: {  	v14 =	vand.u32 $0xFFFF0000, v15;
	[tilespmem:v8+s30+$0x0] =	vst.idx.add.f32.msk $0xffff, v3;
	v3 =	vmul.f32 v12, v36;
	v12 =	vshll.u32 v15, $0x10  }
0xde: {  	v15 =	vand.u32 $0xFFFF0000, v17;
	[tilespmem:v8+s31+$0x0] =	vst.idx.add.f32.msk $0xffff, v5;
	v5 =	vmul.f32 v16, v36;
	v8 =	vshll.u32 v17, $0x10  }
0xdf: {  	v13 =	vmul.f32 v13, v38;
	[tilespmem:v7+s30+$0x0] =	vst.idx.add.f32.msk $0xffff, v3;
	v3 =	vmul.f32 v10, v38  }
.Ltmp3:
0xe0: {  	v11 =	vmul.f32 v11, v39;
	[tilespmem:v7+s31+$0x0] =	vst.idx.add.f32.msk $0xffff, v5;
	v7 =	vmul.f32 v9, v39;
	(pc) =	sbr.rel @p0 .LBB2_5-.Ltmp3, $4  }
0xe1: {  	v10 =	vmul.f32 v12, v40;
	v9 =	vmul.f32 v14, v40;
	[tilespmem:v6+s30+$0x0] =	vst.idx.add.f32.msk $0xffff, v3  }
0xe2: {  	v5 =	vmul.f32 v8, v42;
	v3 =	vmul.f32 v15, v42;
	[tilespmem:v6+s31+$0x0] =	vst.idx.add.f32.msk $0xffff, v13  }
0xe3: {  	[tilespmem:v4+s30+$0x0] =	vst.idx.add.f32.msk $0xffff, v7  }
0xe4: {  	s10 =	sadd.s32 $0x80, s10;
	[tilespmem:v4+s31+$0x0] =	vst.idx.add.f32.msk $0xffff, v11  }
0xe5: {  	_ =	sdelay $0x3  }
0xe6: {  	[tilespmem:v1+s30+$0x0] =	vst.idx.add.f32.msk $0xffff, v10  }
0xe7: {  	[tilespmem:v2+s30+$0x0] =	vst.idx.add.f32.msk $0xffff, v5  }
0xe8: {  	[tilespmem:v1+s31+$0x0] =	vst.idx.add.f32.msk $0xffff, v9  }
0xe9: {  	[tilespmem:v2+s31+$0x0] =	vst.idx.add.f32.msk $0xffff, v3  }
.LBB2_7:
0xea: {  	v1 =	vld [tilespmem:s8+$0x0];
	_ =	sdelay $0x4  }
0xeb: {  	v2 =	vand.u32 $0xFFFF, v1;
	_ =	sdelay $0x4  }
0xec: {  	v3 =	vld.idx.msk [tilespmem:v2+s3+$0x0], $0xffff  }
0xed: {  	v4 =	vld [tilespmem:s7+$0x0];
	_ =	sdelay $0x1  }
0xee: {  	v1 =	vshra.s32 v1, $0x10;
	_ =	sdelay $0x1  }
0xef: {  	v5 =	vshll.u32 v3, $0x10  }
0xf0: {  	v3 =	vand.u32 $0xFFFF0000, v3;
	v5 =	vmul.f32 v5, v4  }
0xf1: {  	v3 =	vmul.f32 v3, v4  }
0xf2: {  	[tilespmem:v1+s28+$0x0] =	vst.idx.add.f32.msk $0xffff, v5  }
0xf3: {  	[tilespmem:v1+s29+$0x0] =	vst.idx.add.f32.msk $0xffff, v3  }
0xf4: {  	v2 =	vld.idx.msk [tilespmem:v2+s24+$0x0], $0xffff;
	_ =	sdelay $0x2  }
0xf5: {  	s6 =	sadd.s32 $0x10, s6  }
0xf6: {  	p0 =	slt.u32 s6, $0xF90  }
.Ltmp4:
0xf7: {  	v3 =	vshll.u32 v2, $0x10;
	(pc) =	sbr.rel @p0 .LBB2_7-.Ltmp4, $4  }
0xf8: {  	v2 =	vand.u32 $0xFFFF0000, v2;
	v3 =	vmul.f32 v3, v4  }
0xf9: {  	v2 =	vmul.f32 v2, v4  }
0xfa: {  	[tilespmem:v1+s30+$0x0] =	vst.idx.add.f32.msk $0xffff, v3  }
0xfb: {  	s7 =	sadd.s32 $0x10, s7;
	s8 =	sadd.s32 $0x10, s8;
	[tilespmem:v1+s31+$0x0] =	vst.idx.add.f32.msk $0xffff, v2  }
0xfc: {  	p0 =	seq.s32 s19, $0x9  }
0xfd: {  	s5 =	smul.u32 @!p0 $0x1F40, s19;
	_ =	sdelay $0x1  }
0xfe: {  	s5 =	sadd.s32 @!p0 s5, s11  }
0xff: {  	s5 =	sshrl.u32 @!p0 s5, $0x3  }
0x100: {  	s7 =	simm.s32 @!p0 $0x0;
	s8 =	simm.s32 @!p0 $0xED00;
	s6 =	sadd.s32 @!p0 s4, s5  }
0x101: {  	[tilespmem:s8], [sflag:$0x1] =	stream.linear.gather @!p0 [hbm4b:s6+s7], $0xFA0, $0x38;
	[tilespmem:$0x12D00] =	vst v63  }
0x102: {  	s5 =	sadd.s32 @!p0 s2, s5;
	s6 =	simm.s32 @!p0 $0x10D00  }
0x103: {  	[tilespmem:s6], [sflag:$0x1] =	stream.linear.gather @!p0 [hbm4b:s5+s7], $0xFA0, $0x38;
	[tilespmem:$0x12D00] =	vst v63  }
0x104: {  	_ =	swait.ge [sflag:s0], $0xFA0  }
0x105: {  	[sflag:s0] =	ssyncset.done $0x0  }
0x106: {  	[sflag:s0] =	ssyncadd.s32 $0xFFFFF060  }
0x107: {  	_ =	swait.ge [sflag:s0], $0xFA0  }
0x108: {  	[sflag:s0] =	ssyncset.done $0x0  }
0x109: {  	s10 =	simm.s32 $0xFD40;
	[sflag:s0] =	ssyncadd.s32 $0xFFFFF060  }
0x10a: {  	v1 =	vld [tilespmem:s10+$0x30]  }
0x10b: {  	v2 =	vld [tilespmem:s10+$0xFFFFFFD0]  }
0x10c: {  	v3 =	vld [tilespmem:s10+$0xFFFFFFE0]  }
0x10d: {  	v4 =	vld [tilespmem:s10+$0xFFFFFFF0]  }
0x10e: {  	v5 =	vld [tilespmem:s10+$0x0]  }
0x10f: {  	v7 =	vld [tilespmem:s10+$0x10]  }
0x110: {  	v9 =	vld [tilespmem:s10+$0xFFFFFFC0]  }
0x111: {  	s5 =	simm.s32 $0x11D40;
	v10 =	vld [tilespmem:s10+$0x20];
	v6 =	vand.u32 $0xFFFF, v1  }
0x112: {  	v18 =	vld [tilespmem:s5+$0x30]  }
0x113: {  	v53 =	vld [tilespmem:s5+$0xFFFFFFC0]  }
0x114: {  	v54 =	vld [tilespmem:s5+$0xFFFFFFD0]  }
0x115: {  	v27 =	vld [tilespmem:s5+$0xFFFFFFE0]  }
0x116: {  	v8 =	vand.u32 $0xFFFF, v2;
	v14 =	vld.idx.msk [tilespmem:v6+s3+$0x0], $0xffff  }
0x117: {  	v28 =	vld [tilespmem:s5+$0xFFFFFFF0];
	v12 =	vand.u32 $0xFFFF, v4  }
0x118: {  	v30 =	vld [tilespmem:s5+$0x0];
	v17 =	vand.u32 $0xFFFF, v9  }
0x119: {  	v31 =	vld [tilespmem:s5+$0x10];
	v1 =	vshra.s32 v1, $0x10  }
0x11a: {  	v34 =	vld [tilespmem:s5+$0x20]  }
0x11b: {  	v16 =	vld.idx.msk [tilespmem:v8+s3+$0x0], $0xffff;
	v24 =	vshll.u32 v14, $0x10  }
0x11c: {  	v11 =	vand.u32 $0xFFFF, v3;
	v21 =	vld.idx.msk [tilespmem:v12+s3+$0x0], $0xffff;
	v14 =	vand.u32 $0xFFFF0000, v14;
	v24 =	vmul.f32 v24, v18  }
0x11d: {  	v13 =	vand.u32 $0xFFFF, v5;
	v25 =	vld.idx.msk [tilespmem:v17+s3+$0x0], $0xffff;
	v14 =	vmul.f32 v14, v18  }
0x11e: {  	v15 =	vand.u32 $0xFFFF, v7;
	[tilespmem:v1+s28+$0x0] =	vst.idx.add.f32.msk $0xffff, v24  }
0x11f: {  	v19 =	vand.u32 $0xFFFF, v10;
	[tilespmem:v1+s29+$0x0] =	vst.idx.add.f32.msk $0xffff, v14  }
0x120: {  	v9 =	vshra.s32 v9, $0x10;
	v6 =	vld.idx.msk [tilespmem:v6+s24+$0x0], $0xffff  }
0x121: {  	v33 =	vshra.s32 v2, $0x10;
	v20 =	vld.idx.msk [tilespmem:v11+s3+$0x0], $0xffff  }
0x122: {  	v4 =	vshra.s32 v4, $0x10;
	v22 =	vld.idx.msk [tilespmem:v13+s3+$0x0], $0xffff;
	v29 =	vshll.u32 v25, $0x10  }
0x123: {  	v23 =	vld.idx.msk [tilespmem:v15+s3+$0x0], $0xffff;
	v55 =	vshll.u32 v16, $0x10;
	v29 =	vmul.f32 v29, v53  }
0x124: {  	v57 =	vshra.s32 v5, $0x10;
	v26 =	vld.idx.msk [tilespmem:v19+s3+$0x0], $0xffff;
	v5 =	vshll.u32 v21, $0x10;
	v56 =	vmul.f32 v55, v54  }
0x125: {  	v5 =	vmul.f32 v5, v28;
	[tilespmem:v9+s28+$0x0] =	vst.idx.add.f32.msk $0xffff, v29;
	v32 =	vshll.u32 v6, $0x10  }
0x126: {  	[tilespmem:v33+s28+$0x0] =	vst.idx.add.f32.msk $0xffff, v56;
	v2 =	vand.u32 $0xFFFF0000, v6;
	v6 =	vmul.f32 v32, v18  }
0x127: {  	v3 =	vshra.s32 v3, $0x10;
	v25 =	vand.u32 $0xFFFF0000, v25;
	[tilespmem:v4+s28+$0x0] =	vst.idx.add.f32.msk $0xffff, v5;
	v2 =	vmul.f32 v2, v18  }
0x128: {  	v25 =	vmul.f32 v25, v53;
	[tilespmem:v1+s30+$0x0] =	vst.idx.add.f32.msk $0xffff, v6;
	v6 =	vand.u32 $0xFFFF0000, v16  }
0x129: {  	[tilespmem:v1+s31+$0x0] =	vst.idx.add.f32.msk $0xffff, v2;
	v1 =	vshll.u32 v20, $0x10;
	v2 =	vmul.f32 v6, v54  }
0x12a: {  	[tilespmem:v9+s29+$0x0] =	vst.idx.add.f32.msk $0xffff, v25;
	v6 =	vand.u32 $0xFFFF0000, v20;
	v1 =	vmul.f32 v1, v27  }
0x12b: {  	v6 =	vmul.f32 v6, v27;
	[tilespmem:v33+s29+$0x0] =	vst.idx.add.f32.msk $0xffff, v2;
	v2 =	vand.u32 $0xFFFF0000, v21  }
0x12c: {  	[tilespmem:v3+s28+$0x0] =	vst.idx.add.f32.msk $0xffff, v1;
	v1 =	vshra.s32 v7, $0x10;
	v7 =	vshll.u32 v22, $0x10;
	v58 =	vmul.f32 v2, v28  }
0x12d: {  	[tilespmem:v3+s29+$0x0] =	vst.idx.add.f32.msk $0xffff, v6;
	v6 =	vand.u32 $0xFFFF0000, v22;
	v7 =	vmul.f32 v7, v30  }
0x12e: {  	v2 =	vshra.s32 v10, $0x10;
	v6 =	vmul.f32 v6, v30;
	[tilespmem:v4+s29+$0x0] =	vst.idx.add.f32.msk $0xffff, v58  }
0x12f: {  	v5 =	vshll.u32 v23, $0x10;
	[tilespmem:v57+s28+$0x0] =	vst.idx.add.f32.msk $0xffff, v7  }
0x130: {  	v5 =	vmul.f32 v5, v31;
	v7 =	vshll.u32 v26, $0x10;
	[tilespmem:v57+s29+$0x0] =	vst.idx.add.f32.msk $0xffff, v6  }
0x131: {  	v6 =	vmul.f32 v7, v34;
	v7 =	vld.idx.msk [tilespmem:v11+s24+$0x0], $0xffff  }
0x132: {  	[tilespmem:v1+s28+$0x0] =	vst.idx.add.f32.msk $0xffff, v5;
	v5 =	vand.u32 $0xFFFF0000, v26  }
0x133: {  	v5 =	vmul.f32 v5, v34;
	[tilespmem:v2+s28+$0x0] =	vst.idx.add.f32.msk $0xffff, v6  }
0x134: {  	v10 =	vand.u32 $0xFFFF0000, v23;
	v6 =	vld.idx.msk [tilespmem:v17+s24+$0x0], $0xffff  }
0x135: {  	v10 =	vmul.f32 v10, v31;
	[tilespmem:v2+s29+$0x0] =	vst.idx.add.f32.msk $0xffff, v5  }
0x136: {  	v5 =	vld.idx.msk [tilespmem:v8+s24+$0x0], $0xffff  }
0x137: {  	[tilespmem:v1+s29+$0x0] =	vst.idx.add.f32.msk $0xffff, v10  }
0x138: {  	v10 =	vld.idx.msk [tilespmem:v13+s24+$0x0], $0xffff  }
0x139: {  	v59 =	vld.idx.msk [tilespmem:v15+s24+$0x0], $0xffff;
	v11 =	vshll.u32 v6, $0x10  }
0x13a: {  	v8 =	vld.idx.msk [tilespmem:v12+s24+$0x0], $0xffff;
	v6 =	vand.u32 $0xFFFF0000, v6;
	v11 =	vmul.f32 v11, v53  }
0x13b: {  	v60 =	vld.idx.msk [tilespmem:v19+s24+$0x0], $0xffff;
	v6 =	vmul.f32 v6, v53;
	v61 =	vshll.u32 v5, $0x10  }
0x13c: {  	v5 =	vand.u32 $0xFFFF0000, v5;
	[tilespmem:v9+s30+$0x0] =	vst.idx.add.f32.msk $0xffff, v11;
	v11 =	vmul.f32 v61, v54  }
0x13d: {  	v62 =	vshll.u32 v7, $0x10;
	v5 =	vmul.f32 v5, v54;
	[tilespmem:v9+s31+$0x0] =	vst.idx.add.f32.msk $0xffff, v6  }
0x13e: {  	v6 =	vand.u32 $0xFFFF0000, v7;
	v7 =	vmul.f32 v62, v27;
	[tilespmem:v33+s30+$0x0] =	vst.idx.add.f32.msk $0xffff, v11  }
0x13f: {  	v9 =	vshll.u32 v8, $0x10;
	[tilespmem:v33+s31+$0x0] =	vst.idx.add.f32.msk $0xffff, v5;
	v5 =	vmul.f32 v6, v27  }
0x140: {  	v6 =	vand.u32 $0xFFFF0000, v8;
	[tilespmem:v3+s30+$0x0] =	vst.idx.add.f32.msk $0xffff, v7;
	v7 =	vmul.f32 v9, v28  }
0x141: {  	v8 =	vshll.u32 v10, $0x10;
	v6 =	vmul.f32 v6, v28;
	[tilespmem:v3+s31+$0x0] =	vst.idx.add.f32.msk $0xffff, v5  }
0x142: {  	v11 =	vshll.u32 v60, $0x10;
	v8 =	vmul.f32 v8, v30;
	v3 =	vand.u32 $0xFFFF0000, v10;
	[tilespmem:v4+s30+$0x0] =	vst.idx.add.f32.msk $0xffff, v7  }
0x143: {  	v5 =	vshll.u32 v59, $0x10;
	v7 =	vand.u32 $0xFFFF0000, v59;
	v63 =	vmul.f32 v3, v30;
	[tilespmem:v4+s31+$0x0] =	vst.idx.add.f32.msk $0xffff, v6  }
0x144: {  	s9 =	simm.s32 $0xFDC0;
	v3 =	vand.u32 $0xFFFF0000, v60;
	v10 =	vmul.f32 v5, v31;
	v9 =	vmul.f32 v7, v31;
	[tilespmem:v57+s30+$0x0] =	vst.idx.add.f32.msk $0xffff, v8  }
0x145: {  	s8 =	simm.s32 $0x0;
	s6 =	simm.s32 $0x12C80;
	s7 =	simm.s32 $0x10C80;
	v5 =	vmul.f32 v11, v34;
	v3 =	vmul.f32 v3, v34;
	[tilespmem:v57+s31+$0x0] =	vst.idx.add.f32.msk $0xffff, v63  }
.LBB2_9:
0x146: {  	v13 =	vld [tilespmem:s9+$0x30]  }
0x147: {  	v4 =	vld [tilespmem:s9+$0xFFFFFFD0]  }
0x148: {  	s8 =	sadd.s32 $0x80, s8;
	v6 =	vld [tilespmem:s9+$0xFFFFFFE0]  }
0x149: {  	p1 =	slt.u32 s8, $0xF00;
	v14 =	vld [tilespmem:s9+$0xFFFFFFF0]  }
0x14a: {  	v15 =	vld [tilespmem:s9+$0x0]  }
0x14b: {  	v16 =	vld [tilespmem:s9+$0x10];
	v17 =	vand.u32 $0xFFFF, v13  }
0x14c: {  	v8 =	vshra.s32 v4, $0x10;
	v11 =	vand.u32 $0xFFFF, v4;
	v18 =	vld [tilespmem:s9+$0x20]  }
0x14d: {  	v19 =	vld [tilespmem:s9+$0xFFFFFFC0];
	v7 =	vshra.s32 v6, $0x10;
	v12 =	vand.u32 $0xFFFF, v6  }
0x14e: {  	v6 =	vshra.s32 v14, $0x10;
	v14 =	vand.u32 $0xFFFF, v14;
	[tilespmem:v1+s30+$0x0] =	vst.idx.add.f32.msk $0xffff, v10  }
0x14f: {  	v4 =	vshra.s32 v15, $0x10;
	v15 =	vand.u32 $0xFFFF, v15;
	[tilespmem:v1+s31+$0x0] =	vst.idx.add.f32.msk $0xffff, v9  }
0x150: {  	v1 =	vshra.s32 v16, $0x10;
	v16 =	vand.u32 $0xFFFF, v16;
	v20 =	vld.idx.msk [tilespmem:v17+s3+$0x0], $0xffff  }
0x151: {  	s5 =	sadd.s32 $0x80, s5;
	v21 =	vld.idx.msk [tilespmem:v11+s3+$0x0], $0xffff;
	v10 =	vshra.s32 v18, $0x10;
	v18 =	vand.u32 $0xFFFF, v18  }
0x152: {  	v9 =	vshra.s32 v19, $0x10;
	v19 =	vand.u32 $0xFFFF, v19;
	v22 =	vld [tilespmem:s5+$0x30]  }
0x153: {  	v23 =	vld.idx.msk [tilespmem:v12+s3+$0x0], $0xffff  }
0x154: {  	v13 =	vshra.s32 v13, $0x10;
	v24 =	vld.idx.msk [tilespmem:v14+s3+$0x0], $0xffff  }
0x155: {  	v25 =	vld.idx.msk [tilespmem:v15+s3+$0x0], $0xffff  }
0x156: {  	v27 =	vshll.u32 v20, $0x10;
	v26 =	vld.idx.msk [tilespmem:v16+s3+$0x0], $0xffff  }
0x157: {  	v20 =	vand.u32 $0xFFFF0000, v20;
	v29 =	vshll.u32 v21, $0x10;
	v28 =	vld.idx.msk [tilespmem:v19+s3+$0x0], $0xffff;
	v27 =	vmul.f32 v27, v22  }
0x158: {  	v21 =	vand.u32 $0xFFFF0000, v21;
	v20 =	vmul.f32 v20, v22;
	v30 =	vld.idx.msk [tilespmem:v18+s3+$0x0], $0xffff  }
0x159: {  	v31 =	vshll.u32 v23, $0x10;
	v23 =	vand.u32 $0xFFFF0000, v23;
	[tilespmem:v13+s28+$0x0] =	vst.idx.add.f32.msk $0xffff, v27  }
0x15a: {  	v27 =	vshll.u32 v24, $0x10;
	v24 =	vand.u32 $0xFFFF0000, v24;
	[tilespmem:v13+s29+$0x0] =	vst.idx.add.f32.msk $0xffff, v20  }
0x15b: {  	v20 =	vshll.u32 v25, $0x10;
	v25 =	vand.u32 $0xFFFF0000, v25;
	v17 =	vld.idx.msk [tilespmem:v17+s24+$0x0], $0xffff  }
0x15c: {  	v33 =	vshll.u32 v26, $0x10;
	v26 =	vand.u32 $0xFFFF0000, v26;
	v32 =	vld [tilespmem:s5+$0xFFFFFFC0]  }
0x15d: {  	v34 =	vshll.u32 v28, $0x10;
	v28 =	vand.u32 $0xFFFF0000, v28;
	v35 =	vld [tilespmem:s5+$0xFFFFFFD0]  }
0x15e: {  	v37 =	vshll.u32 v30, $0x10;
	v30 =	vand.u32 $0xFFFF0000, v30;
	v36 =	vld [tilespmem:s5+$0xFFFFFFE0]  }
0x15f: {  	v38 =	vld [tilespmem:s5+$0xFFFFFFF0]  }
0x160: {  	v39 =	vld [tilespmem:s5+$0x0]  }
0x161: {  	v41 =	vshll.u32 v17, $0x10;
	v34 =	vmul.f32 v34, v32;
	v28 =	vmul.f32 v28, v32;
	v40 =	vld [tilespmem:s5+$0x10]  }
0x162: {  	v17 =	vand.u32 $0xFFFF0000, v17;
	v41 =	vmul.f32 v41, v22;
	v29 =	vmul.f32 v29, v35;
	v42 =	vld [tilespmem:s5+$0x20]  }
0x163: {  	v17 =	vmul.f32 v17, v22;
	v21 =	vmul.f32 v21, v35;
	[tilespmem:v9+s28+$0x0] =	vst.idx.add.f32.msk $0xffff, v34  }
0x164: {  	v22 =	vmul.f32 v31, v36;
	v23 =	vmul.f32 v23, v36;
	[tilespmem:v13+s30+$0x0] =	vst.idx.add.f32.msk $0xffff, v41  }
0x165: {  	s10 =	simm.s32 $0xF70;
	v27 =	vmul.f32 v27, v38;
	v24 =	vmul.f32 v24, v38;
	[tilespmem:v13+s31+$0x0] =	vst.idx.add.f32.msk $0xffff, v17  }
0x166: {  	v13 =	vmul.f32 v20, v39;
	v17 =	vmul.f32 v25, v39;
	[tilespmem:v9+s29+$0x0] =	vst.idx.add.f32.msk $0xffff, v28  }
0x167: {  	v20 =	vmul.f32 v33, v40;
	v25 =	vmul.f32 v26, v40;
	[tilespmem:v8+s28+$0x0] =	vst.idx.add.f32.msk $0xffff, v29  }
0x168: {  	v26 =	vmul.f32 v30, v42;
	[tilespmem:v8+s29+$0x0] =	vst.idx.add.f32.msk $0xffff, v21;
	v21 =	vmul.f32 v37, v42  }
0x169: {  	[tilespmem:v7+s28+$0x0] =	vst.idx.add.f32.msk $0xffff, v22  }
0x16a: {  	[tilespmem:v7+s29+$0x0] =	vst.idx.add.f32.msk $0xffff, v23  }
0x16b: {  	[tilespmem:v6+s28+$0x0] =	vst.idx.add.f32.msk $0xffff, v27  }
0x16c: {  	[tilespmem:v6+s29+$0x0] =	vst.idx.add.f32.msk $0xffff, v24  }
0x16d: {  	[tilespmem:v4+s28+$0x0] =	vst.idx.add.f32.msk $0xffff, v13  }
0x16e: {  	[tilespmem:v4+s29+$0x0] =	vst.idx.add.f32.msk $0xffff, v17  }
0x16f: {  	[tilespmem:v1+s28+$0x0] =	vst.idx.add.f32.msk $0xffff, v20  }
0x170: {  	[tilespmem:v1+s29+$0x0] =	vst.idx.add.f32.msk $0xffff, v25  }
0x171: {  	[tilespmem:v10+s28+$0x0] =	vst.idx.add.f32.msk $0xffff, v21  }
0x172: {  	[tilespmem:v10+s29+$0x0] =	vst.idx.add.f32.msk $0xffff, v26  }
0x173: {  	v13 =	vld.idx.msk [tilespmem:v19+s24+$0x0], $0xffff  }
0x174: {  	v11 =	vld.idx.msk [tilespmem:v11+s24+$0x0], $0xffff  }
0x175: {  	v12 =	vld.idx.msk [tilespmem:v12+s24+$0x0], $0xffff  }
0x176: {  	v14 =	vld.idx.msk [tilespmem:v14+s24+$0x0], $0xffff  }
0x177: {  	v15 =	vld.idx.msk [tilespmem:v15+s24+$0x0], $0xffff  }
0x178: {  	v16 =	vld.idx.msk [tilespmem:v16+s24+$0x0], $0xffff  }
0x179: {  	v17 =	vshll.u32 v13, $0x10;
	v13 =	vand.u32 $0xFFFF0000, v13;
	v18 =	vld.idx.msk [tilespmem:v18+s24+$0x0], $0xffff  }
0x17a: {  	v17 =	vmul.f32 v17, v32;
	v19 =	vshll.u32 v11, $0x10;
	v11 =	vand.u32 $0xFFFF0000, v11;
	[tilespmem:v2+s30+$0x0] =	vst.idx.add.f32.msk $0xffff, v5  }
0x17b: {  	v5 =	vmul.f32 v13, v32;
	v13 =	vshll.u32 v12, $0x10;
	v12 =	vand.u32 $0xFFFF0000, v12;
	[tilespmem:v2+s31+$0x0] =	vst.idx.add.f32.msk $0xffff, v3;
	v2 =	vmovc v10  }
0x17c: {  	v3 =	vmul.f32 v19, v35;
	v10 =	vshll.u32 v14, $0x10;
	v14 =	vand.u32 $0xFFFF0000, v14;
	[tilespmem:v9+s30+$0x0] =	vst.idx.add.f32.msk $0xffff, v17  }
0x17d: {  	[tilespmem:v9+s31+$0x0] =	vst.idx.add.f32.msk $0xffff, v5;
	v5 =	vmul.f32 v11, v35;
	v9 =	vshll.u32 v15, $0x10;
	v11 =	vand.u32 $0xFFFF0000, v15  }
0x17e: {  	v15 =	vand.u32 $0xFFFF0000, v16;
	[tilespmem:v8+s30+$0x0] =	vst.idx.add.f32.msk $0xffff, v3;
	v3 =	vmul.f32 v13, v36;
	v13 =	vshll.u32 v16, $0x10  }
0x17f: {  	[tilespmem:v8+s31+$0x0] =	vst.idx.add.f32.msk $0xffff, v5;
	v5 =	vmul.f32 v12, v36;
	v8 =	vshll.u32 v18, $0x10;
	v12 =	vand.u32 $0xFFFF0000, v18  }
0x180: {  	v14 =	vmul.f32 v14, v38;
	[tilespmem:v7+s30+$0x0] =	vst.idx.add.f32.msk $0xffff, v3;
	v3 =	vmul.f32 v10, v38  }
.Ltmp5:
0x181: {  	v11 =	vmul.f32 v11, v39;
	[tilespmem:v7+s31+$0x0] =	vst.idx.add.f32.msk $0xffff, v5;
	v7 =	vmul.f32 v9, v39;
	(pc) =	sbr.rel @p1 .LBB2_9-.Ltmp5, $4  }
0x182: {  	v10 =	vmul.f32 v13, v40;
	v9 =	vmul.f32 v15, v40;
	[tilespmem:v6+s30+$0x0] =	vst.idx.add.f32.msk $0xffff, v3  }
0x183: {  	v5 =	vmul.f32 v8, v42;
	v3 =	vmul.f32 v12, v42;
	[tilespmem:v6+s31+$0x0] =	vst.idx.add.f32.msk $0xffff, v14  }
0x184: {  	[tilespmem:v4+s30+$0x0] =	vst.idx.add.f32.msk $0xffff, v7  }
0x185: {  	s9 =	sadd.s32 $0x80, s9;
	[tilespmem:v4+s31+$0x0] =	vst.idx.add.f32.msk $0xffff, v11  }
0x186: {  	_ =	sdelay $0x3  }
0x187: {  	[tilespmem:v1+s30+$0x0] =	vst.idx.add.f32.msk $0xffff, v10  }
0x188: {  	[tilespmem:v2+s30+$0x0] =	vst.idx.add.f32.msk $0xffff, v5  }
0x189: {  	[tilespmem:v1+s31+$0x0] =	vst.idx.add.f32.msk $0xffff, v9  }
0x18a: {  	[tilespmem:v2+s31+$0x0] =	vst.idx.add.f32.msk $0xffff, v3  }
.LBB2_11:
0x18b: {  	v1 =	vld [tilespmem:s7+$0x0];
	_ =	sdelay $0x4  }
0x18c: {  	v2 =	vand.u32 $0xFFFF, v1;
	_ =	sdelay $0x4  }
0x18d: {  	v3 =	vld.idx.msk [tilespmem:v2+s3+$0x0], $0xffff  }
0x18e: {  	v4 =	vld [tilespmem:s6+$0x0];
	_ =	sdelay $0x1  }
0x18f: {  	v1 =	vshra.s32 v1, $0x10;
	_ =	sdelay $0x1  }
0x190: {  	v5 =	vshll.u32 v3, $0x10  }
0x191: {  	v3 =	vand.u32 $0xFFFF0000, v3;
	v5 =	vmul.f32 v5, v4  }
0x192: {  	v3 =	vmul.f32 v3, v4  }
0x193: {  	[tilespmem:v1+s28+$0x0] =	vst.idx.add.f32.msk $0xffff, v5  }
0x194: {  	[tilespmem:v1+s29+$0x0] =	vst.idx.add.f32.msk $0xffff, v3  }
0x195: {  	v2 =	vld.idx.msk [tilespmem:v2+s24+$0x0], $0xffff;
	_ =	sdelay $0x2  }
0x196: {  	s10 =	sadd.s32 $0x10, s10  }
0x197: {  	p1 =	slt.u32 s10, $0xF90  }
.Ltmp6:
0x198: {  	v3 =	vshll.u32 v2, $0x10;
	(pc) =	sbr.rel @p1 .LBB2_11-.Ltmp6, $4  }
0x199: {  	v2 =	vand.u32 $0xFFFF0000, v2;
	v3 =	vmul.f32 v3, v4  }
0x19a: {  	v2 =	vmul.f32 v2, v4  }
0x19b: {  	[tilespmem:v1+s30+$0x0] =	vst.idx.add.f32.msk $0xffff, v3  }
0x19c: {  	s6 =	sadd.s32 $0x10, s6;
	s7 =	sadd.s32 $0x10, s7;
	[tilespmem:v1+s31+$0x0] =	vst.idx.add.f32.msk $0xffff, v2  }
.Ltmp7:
0x19d: {  	(pc) =	sbr.rel @p0 .LBB2_14-.Ltmp7, $1  }
0x19e: {  	_ =	sdelay $0x3  }
0x19f: {  	s5 =	smul.u32 $0x1F40, s19;
	_ =	sdelay $0x1  }
0x1a0: {  	s5 =	sadd.s32 s5, s12  }
.Ltmp8:
0x1a1: {  	s5 =	sshrl.u32 s5, $0x3;
	(pc) =	sbr.rel .LBB2_4-.Ltmp8, $4  }
0x1a2: {  	s6 =	sadd.s32 s4, s5  }
0x1a3: {  	[tilespmem:s20], [sflag:$0x2] =	stream.linear.gather [hbm4b:s6+s3], $0xFA0, $0x38;
	[tilespmem:$0x12D00] =	vst v63  }
0x1a4: {  	s19 =	sadd.s32 $0x1, s19;
	s5 =	sadd.s32 s2, s5  }
0x1a5: {  	[tilespmem:s21], [sflag:$0x2] =	stream.linear.gather [hbm4b:s5+s3], $0xFA0, $0x38;
	[tilespmem:$0x12D00] =	vst v63  }
.LBB2_15:
0x1a6: {  	_ =	sfence.sel $0x180000  }
0x1a7: {  	[bflag:$0x0] =	sbarrier.arrive $0xFFFF  }
0x1a8: {  	_ =	strace $0x9000004D  }
0x1a9: {  	s0 =	stileid.u32;
	[bflag:$0x2] =	sbarrier.arrive $0xFFFF  }
0x1aa: {  	p0 =	sne.s32 s0, $0x0;
	s0 =	rddreg [dreg:$0x2]  }
0x1ab: {  	s0 =	sadd.s32 @!p0 $0x100000, s0  }
0x1ac: {  	[sflag:s0] =	ssyncadd.tile.s32 @!p0 $0x1;
	_ =	shalt  }
.Lfunc_end2:
_tile_overlayer_lowered:
.L_overlay_start_2:
0x1ad: {  	(tag) =	ssettag $0x2  }
0x1ae: {  	s0 =	rddreg [dreg:$0x0];
	s2 =	stileid.u32  }
0x1af: {  	s1 =	rddreg [dreg:$0x1];
	p0 =	sne.s32 s2, $0x0  }
0x1b0: {  	s3 =	rddreg [dreg:$0x2];
	[bflag:$0x3] =	sbarrier.arrive $0xFFFF;
	s2 =	simm.s32 @!p0 $0x1C04  }
0x1b1: {  	[timem:s3], [sflag:s2] =	dma.local @!p0 [hbm:s0], s1  }
0x1b2: {  	s0 =	simm.s32 @!p0 $0x4  }
0x1b3: {  	_ =	swait.ge @!p0 [sflag:s0], s1  }
0x1b4: {  	s1 =	ssub.s32 @!p0 $0x0, s1;
	[sflag:s0] =	ssyncset.done @!p0 $0x0  }
0x1b5: {  	[sflag:s0] =	ssyncadd.s32 @!p0 s1  }
0x1b6: {  	[bflag:$0x3] =	sbarrier.arrive $0xFFFF  }
0x1b7: {  	_ =	shalt  }

// kernel: kernel.19.cloned.1.call-start
scs
__scs_entry_jumppad:
0x0: {  	(pc) =	sbr.rel $0x88, $3  }
0x1: {  	(tag) =	ssettag $0x0;
	lr =	simm.s32 $0x1  }
0x2: {  	[smem:$0x3F98] =	sst lr;
	_ =	strace $0xD0000000  }
0x3: {  	_ = 	snop  }
0x4: {  	_ = 	snop  }
0x5: {  	_ = 	snop  }
0x6: {  	_ = 	snop  }
0x7: {  	_ = 	snop  }
__scs_overlays_trampoline_lowered:
0x8: {  	[smem:$0x3FA7] =	sst s0  }
0x9: {  	[smem:$0x3FA8] =	sst s1  }
0xa: {  	[smem:$0x3FA9] =	sst s2  }
0xb: {  	[smem:$0x3FAA] =	sst s3  }
0xc: {  	[smem:$0x3FAB] =	sst s4  }
0xd: {  	[smem:$0x3FAC] =	sst s5  }
0xe: {  	[smem:$0x3FAD] =	sst s6  }
0xf: {  	[smem:$0x3FAE] =	sst s7  }
0x10: {  	[smem:$0x3FAF] =	sst s8  }
0x11: {  	[smem:$0x3FB0] =	sst s9;
	s0 =	simm.s32 @!p0 $0x0  }
0x12: {  	s1 =	sld [smem:$0x3F96];
	s0 =	simm.s32 @p0 $0x1  }
0x13: {  	[smem:$0x3FB1] =	sst s0;
	s0 =	simm.s32 @!p1 $0x0  }
0x14: {  	s2 =	sld [smem:$0x3F95];
	s0 =	simm.s32 @p1 $0x1  }
0x15: {  	[smem:$0x3FB2] =	sst s0;
	s0 =	simm.s32 @!p2 $0x0  }
0x16: {  	s3 =	sld [smem:$0x3FDB];
	s0 =	simm.s32 @p2 $0x1  }
0x17: {  	s4 =	simm.s32 $0x1BF5;
	[smem:$0x3FB4] =	sst s0  }
0x18: {  	s0 =	sld [smem:$0x3F97];
	_ =	swait.ge [sflag:s4], $0x0  }
0x19: {  	s7 =	sld [smem:$0x3F98]  }
0x1a: {  	s8 =	sadd.s32 $0xFFFFE003, lr  }
0x1b: {  	s9 =	sadd.s32 $0xFFFFFEF7, lr;
	s5 =	simm.s32 $0xFFFFFFFF;
	p2 =	slt.u32 s8, $0xFFFFF086  }
0x1c: {  	p1 =	slt.u32 s9, $0xF7A;
	s5 =	simm.s32 @!p2 $0x0  }
0x1d: {  	s5 =	simm.s32 @p1 $0x1;
	p0 =	seq.s32 s7, s2  }
0x1e: {  	s7 =	smul.u32 @!p0 $0xF7A, s2;
	p2 =	seq.s32 @!p0 s5, $0x0  }
0x1f: {  	s9 =	smul.u32 $0xF7A, s1;
	s8 =	simm.s32 @!p0 $0x1BF5;
	p2 =	por !p2, p0  }
0x20: {  	[sflag:s8] =	ssyncset.s32 @!p0 $0xFFFFF086;
	s6 =	sadd.s32 @!p0 s3, s7;
	s7 =	simm.s32 @!p0 $0x108  }
0x21: {  	s3 =	sadd.s32 s3, s9;
	s6 =	sadd.s32 @!p0 $0x88, s6;
	s7 =	simm.s32 @p2 $0x1082  }
0x22: {  	[simem:s7], [sflag:s8] =	dma.local @!p0 [hbm:s6], $0xF7A  }
0x23: {  	s9 =	sor.u32 $0xD0000000, s2;
	s6 =	simm.s32 $0x108;
	_ =	swait.ge @!p0 [sflag:s8], $0x0  }
0x24: {  	s3 =	sadd.s32 $0x88, s3;
	s6 =	simm.s32 @!p1 $0x1082;
	[sflag:s4] =	ssyncset.s32 $0xFFFFF086  }
0x25: {  	[simem:s6], [sflag:s4] =	dma.local [hbm:s3], $0xF7A  }
0x26: {  	[smem:$0x3F98] =	sst s1;
	(tag) =	ssettag s2;
	_ =	strace s9  }
0x27: {  	s1 =	sld [smem:$0x3FA8]  }
0x28: {  	s2 =	sld [smem:$0x3FA9]  }
0x29: {  	s4 =	sld [smem:$0x3FAB]  }
0x2a: {  	p0 =	seq.s32 s5, $0x0;
	s5 =	sld [smem:$0x3FAC]  }
0x2b: {  	s6 =	sld [smem:$0x3FAD]  }
0x2c: {  	s7 =	sld [smem:$0x3FAE]  }
0x2d: {  	s3 =	simm.s32 $0x108;
	s8 =	sld [smem:$0x3FAF]  }
0x2e: {  	s3 =	simm.s32 @!p0 $0x1082;
	s9 =	sld [smem:$0x3FB0]  }
0x2f: {  	lr =	sadd.s32 s0, s3;
	s0 =	sld [smem:$0x3FA7]  }
0x30: {  	s3 =	sld [smem:$0x3FAA]  }
0x31: {  	[smem:$0x3FB3] =	sst s10  }
0x32: {  	s10 =	sld [smem:$0x3FB1];
	_ =	sdelay $0x3  }
0x33: {  	p0 =	seq.s32 s10, $0x1;
	s10 =	sld [smem:$0x3FB3];
	_ =	sdelay $0x3  }
0x34: {  	[smem:$0x3FB3] =	sst s10  }
0x35: {  	s10 =	sld [smem:$0x3FB2];
	_ =	sdelay $0x3  }
0x36: {  	p1 =	seq.s32 s10, $0x1;
	s10 =	sld [smem:$0x3FB3];
	_ =	sdelay $0x3  }
0x37: {  	[smem:$0x3FB3] =	sst s10  }
0x38: {  	s10 =	sld [smem:$0x3FB4]  }
0x39: {  	_ = 	snop;
	(pc) =	sbr.ind lr, $3  }
0x3a: {  	_ = 	snop  }
0x3b: {  	_ = 	snop  }
0x3c: {  	p2 =	seq.s32 s10, $0x1;
	s10 =	sld [smem:$0x3FB3]  }
0x3d: {  	_ =	shalt  }
0x3e: {  	_ =	shalt  }
0x3f: {  	_ =	shalt  }
0x40: {  	_ =	shalt  }
0x41: {  	_ =	shalt  }
0x42: {  	_ =	shalt  }
0x43: {  	_ =	shalt  }
0x44: {  	_ =	shalt  }
0x45: {  	_ =	shalt  }
0x46: {  	_ =	shalt  }
0x47: {  	_ =	shalt  }
0x48: {  	_ =	shalt  }
0x49: {  	_ =	shalt  }
0x4a: {  	_ =	shalt  }
0x4b: {  	_ =	shalt  }
0x4c: {  	_ =	shalt  }
0x4d: {  	_ =	shalt  }
0x4e: {  	_ =	shalt  }
0x4f: {  	_ =	shalt  }
0x50: {  	_ =	shalt  }
0x51: {  	_ =	shalt  }
0x52: {  	_ =	shalt  }
0x53: {  	_ =	shalt  }
0x54: {  	_ =	shalt  }
0x55: {  	_ =	shalt  }
0x56: {  	_ =	shalt  }
0x57: {  	_ =	shalt  }
0x58: {  	_ =	shalt  }
0x59: {  	_ =	shalt  }
0x5a: {  	_ =	shalt  }
0x5b: {  	_ =	shalt  }
0x5c: {  	_ =	shalt  }
0x5d: {  	_ =	shalt  }
0x5e: {  	_ =	shalt  }
0x5f: {  	_ =	shalt  }
0x60: {  	_ =	shalt  }
0x61: {  	_ =	shalt  }
0x62: {  	_ =	shalt  }
0x63: {  	_ =	shalt  }
0x64: {  	_ =	shalt  }
0x65: {  	_ =	shalt  }
0x66: {  	_ =	shalt  }
0x67: {  	_ =	shalt  }
0x68: {  	_ =	shalt  }
0x69: {  	_ =	shalt  }
0x6a: {  	_ =	shalt  }
0x6b: {  	_ =	shalt  }
0x6c: {  	_ =	shalt  }
0x6d: {  	_ =	shalt  }
0x6e: {  	_ =	shalt  }
0x6f: {  	_ =	shalt  }
0x70: {  	_ =	shalt  }
0x71: {  	_ =	shalt  }
0x72: {  	_ =	shalt  }
0x73: {  	_ =	shalt  }
0x74: {  	_ =	shalt  }
0x75: {  	_ =	shalt  }
0x76: {  	_ =	shalt  }
0x77: {  	_ =	shalt  }
0x78: {  	_ =	shalt  }
0x79: {  	_ =	shalt  }
0x7a: {  	_ =	shalt  }
0x7b: {  	_ =	shalt  }
0x7c: {  	_ =	shalt  }
0x7d: {  	_ =	shalt  }
0x7e: {  	_ =	shalt  }
0x7f: {  	_ =	shalt  }
0x80: {  	_ =	shalt  }
0x81: {  	_ =	shalt  }
0x82: {  	_ =	shalt  }
0x83: {  	_ =	shalt  }
0x84: {  	_ =	shalt  }
0x85: {  	_ =	shalt  }
0x86: {  	_ =	shalt  }
0x87: {  	_ =	shalt  }
.Lfunc_end0:
.L_simem_size_0:
called_computation.3_lowered:
.L_overlay_start_0:
0x88: {  	s2 =	sld [smem:$0x3FD9]  }
0x89: {  	s3 =	sld [smem:$0x3FFE];
	_ =	sdelay $0x1  }
0x8a: {  	s1 =	srdreg.scid  }
0x8b: {  	s0 =	sand.u32 $0x1, s1  }
0x8c: {  	s17 =	sshll.u32 s0, $0xA;
	s2 =	sadd.s32 s3, s2  }
0x8d: {  	s2 =	sadd.s32 s2, s17  }
0x8e: {  	[smem:$0x3FBF] =	sst s2  }
0x8f: {  	_ = 	snop  }
0x90: {  	s2 =	sld [smem:$0x3FC7]  }
0x91: {  	s18 =	sld [smem:$0x3FD0];
	(tm) =	ssettm $0x1  }
0x92: {  	s4 =	sld [smem:$0x3FFB];
	_ =	sdelay $0x3  }
0x93: {  	_ =	strace s4  }
0x94: {  	s4 =	sld [smem:$0x3FFC];
	_ =	sdelay $0x3  }
0x95: {  	_ =	strace s4  }
0x96: {  	s4 =	sld [smem:$0x3FFD];
	_ =	sdelay $0x3  }
0x97: {  	_ =	strace s4  }
0x98: {  	_ =	strace $0x8FFFFFFF  }
0x99: {  	s19 =	sld [smem:$0x3FDB];
	_ =	sdelay $0x1  }
0x9a: {  	s5 =	simm.s32 $_scs_section_size  }
0x9b: {  	s6 =	simm.s32 $_size__tile_overlayer_lowered;
	s7 =	simm.s32 $_tile_overlayer_lowered  }
0x9c: {  	s22 =	simm.s32 $0x1BFF;
	s21 =	sshll.u32 s7, $0x1;
	s4 =	sadd.s32 s5, s19  }
0x9d: {  	s8 =	simm.s32 $0x0;
	s20 =	sshll.u32 s6, $0x1;
	s6 =	sadd.s32 s21, s4  }
0x9e: {  	[timem:s8], [sflag:s22] =	dma.local [hbm:s6], s20  }
0x9f: {  	_ =	swait.ge [sflag:s22], s20  }
0xa0: {  	s5 =	ssub.s32 $0x0, s20;
	[sflag:s22] =	ssyncset.done $0x0  }
0xa1: {  	[sflag:s22] =	ssyncadd.s32 s5;
	_ =	sdelay $0x1  }
0xa2: {  	s23 =	simm.s32 $0x1B8B  }
0xa3: {  	_ =	swait.ge [sflag:s23], $0x1  }
0xa4: {  	[sflag:s23] =	ssyncset.done $0x0  }
0xa5: {  	s25 =	simm.s32 $0x1B8E;
	s24 =	sld [smem:$0x3FFE];
	[sflag:s23] =	ssyncadd.s32 $0xFFFFFFFF  }
0xa6: {  	s26 =	simm.s32 $execute0_lowered;
	[smem:$0x3FD2] =	sst s25  }
0xa7: {  	s6 =	sshll.u32 s26, $0x1;
	_ =	strace $0x8000004F;
	[dreg:$0x1] =	wrdreg $0xFFFFFFFF  }
0xa8: {  	s28 =	simm.s32 $_size_execute0_lowered;
	s4 =	sadd.s32 s4, s6;
	[dreg:$0x0] =	wrdreg $0x0  }
0xa9: {  	s6 =	sshll.u32 s28, $0x1;
	[dreg:$0x2] =	wrdreg s4  }
0xaa: {  	[dreg:$0x3] =	wrdreg s6  }
0xab: {  	[dreg:$0x4] =	wrdreg $0xC0  }
0xac: {  	_ =	task [dreg:s8], $0x5FFFF  }
0xad: {  	[dreg:$0x1] =	wrdreg $0xFFFFFFFF  }
0xae: {  	[dreg:$0x0] =	wrdreg $0x60  }
0xaf: {  	[dreg:$0x2] =	wrdreg s18  }
0xb0: {  	[dreg:$0x3] =	wrdreg s24  }
0xb1: {  	[dreg:$0x4] =	wrdreg s2  }
0xb2: {  	[dreg:$0x5] =	wrdreg $0x9  }
0xb3: {  	_ =	task.clear_ibuf [dreg:s8], $0x6FFFF;
	_ =	strace $0x9000004F  }
0xb4: {  	s29 =	simm.s32 $0x9;
	_ =	strace $0x80000051  }
0xb5: {  	_ =	swait.ge [sflag:s29], $0x1  }
0xb6: {  	[sflag:s29] =	ssyncadd.s32 $0xFFFFFFFF  }
0xb7: {  	_ =	strace $0x90000051  }
0xb8: {  	_ =	sfence  }
0xb9: {  	s30 =	sld [smem:$0x0];
	_ =	sdelay $0x2  }
0xba: {  	s31 =	sshll.u32 s1, $0xD;
	s1 =	sshrl.u32 s1, $0x2  }
0xbb: {  	s3 =	sand.u32 $0x4000, s31;
	s1 =	sadd.s32 s1, s30  }
0xbc: {  	s0 =	sor.u32 s3, s0;
	s1 =	sshll.u32 s1, $0x11  }
0xbd: {  	s0 =	sor.u32 s1, s0  }
0xbe: {  	s0 =	sadd.s32 $0x8F2B, s0  }
0xbf: {  	[sflag:s0] =	ssyncadd.remote.s32 $0x1  }
0xc0: {  	_ =	sfence.sel $0xFFFF  }
0xc1: {  	[dreg:$0x0] =	wrdreg $0xFFFFFFFF;
	(pc) =	sbr.abs _section_cstart, $3  }
0xc2: {  	[dreg:$0x1] =	wrdreg $0xFFFFFFFF  }
0xc3: {  	_ =	task.clear_ibuf [dreg:s8], $0x2FFFF;
	_ =	strace $0x9FFFFFFF  }
0xc4: {  	(tm) =	ssettm $0x7FFFFFFF  }
0xc5: {  	_ =	shalt  }
tec
execute0_lowered:
.L_overlay_start_1:
0x0: {  	(tag) =	ssettag $0x1  }
0x1: {  	s1 =	rddreg [dreg:$0x0];
	s2 =	srdreg.scid  }
0x2: {  	s0 =	stileid.u32;
	s4 =	rddreg [dreg:$0x1]  }
0x3: {  	s6 =	rddreg [dreg:$0x2];
	s3 =	simm.s32 $0x0;
	s11 =	simm.s32 $0x2  }
0x4: {  	s12 =	simm.s32 $0x1;
	s13 =	simm.s32 $0x2780;
	s14 =	simm.s32 $0x4F00  }
0x5: {  	s15 =	simm.s32 $0x80;
	s5 =	sand.u32 $0x1, s2;
	s31 =	sshll.u32 s0, $0x1  }
0x6: {  	s16 =	simm.s32 $0x100;
	s17 =	simm.s32 $0x3;
	s7 =	sor.u32 s5, s31  }
0x7: {  	s18 =	simm.s32 $0x0;
	s5 =	ssub.s32 $0x2, s5;
	s8 =	smul.u32 $0x4E2, s7  }
0x8: {  	[smem:$0x7FF] =	sst s3;
	s7 =	smul.u32 $0x9E0, s7;
	s9 =	sshrl.u32 s5, $0x1  }
0x9: {  	s2 =	rddreg [dreg:$0x3];
	_ =	strace $0x80000050;
	s9 =	ssub.s32 s5, s9  }
0xa: {  	s10 =	sadd.s32 s8, s4;
	s7 =	sadd.s32 s7, s4;
	s5 =	sadd.s32 s6, s8  }
0xb: {  	s8 =	smax.u32 s9, $0x1;
	s9 =	simm.s32 $0x7680;
	s4 =	sadd.s32 $0x20E00, s10  }
0xc: {  	v0 =	vimm.f32 $0.0e+00;
	s6 =	sadd.s32 $0x3400, s7;
	s7 =	sadd.s32 $0x3410, s7;
	s10 =	simm.s32 $0x9E00  }
.LBB2_1:
0xd: {  	[tilespmem:s9], [sflag:$0x1] =	stream.linear.gather [hbm4b:s4+s3], $0x2710, $0x38;
	[tilespmem:$0xC580] =	vst v63  }
0xe: {  	_ = 	snop  }
0xf: {  	[tilespmem:s10], [sflag:$0x1] =	stream.linear.gather [hbm4b:s5+s3], $0x2710, $0x38;
	[tilespmem:$0xC580] =	vst v63  }
0x10: {  	s20 =	simm.s32 $0x27A0  }
0x11: {  	[tilespmem:s3], [sflag:$0x2] =	stream.linear.gather [hbm4b:s1+s3], $0x2780, $0x38;
	[tilespmem:$0xC580] =	vst v63  }
0x12: {  	[tilespmem:s20+$0xFFFFFFF0] =	vst v0  }
0x13: {  	[tilespmem:s20+$0x0] =	vst v0  }
0x14: {  	[tilespmem:s20+$0x10] =	vst v0  }
0x15: {  	s19 =	simm.s32 $0x4F20;
	[tilespmem:s20+$0xFFFFFFE0] =	vst v0  }
0x16: {  	[tilespmem:s19+$0xFFFFFFF0] =	vst v0  }
0x17: {  	[tilespmem:s19+$0x0] =	vst v0  }
0x18: {  	[tilespmem:s19+$0x10] =	vst v0  }
0x19: {  	s21 =	simm.s32 $0x27E0;
	s20 =	simm.s32 $0x0;
	[tilespmem:s19+$0xFFFFFFE0] =	vst v0  }
.LBB2_2:
0x1a: {  	[tilespmem:s21+$0xFFFFFFF0] =	vst v0;
	s19 =	sadd.s32 $0x40, s19  }
0x1b: {  	s20 =	sadd.s32 $0x40, s20;
	[tilespmem:s19+$0xFFFFFFF0] =	vst v0  }
0x1c: {  	p0 =	slt.u32 s20, $0x26C0;
	[tilespmem:s21+$0x0] =	vst v0  }
.Ltmp0:
0x1d: {  	[tilespmem:s19+$0x0] =	vst v0;
	(pc) =	sbr.rel @p0 .LBB2_2-.Ltmp0, $4  }
0x1e: {  	[tilespmem:s21+$0x10] =	vst v0  }
0x1f: {  	[tilespmem:s19+$0x10] =	vst v0  }
0x20: {  	[tilespmem:s21+$0xFFFFFFE0] =	vst v0  }
0x21: {  	s21 =	sadd.s32 $0x40, s21;
	[tilespmem:s19+$0xFFFFFFE0] =	vst v0  }
0x22: {  	[tilespmem:$0x4E80] =	vst v0  }
0x23: {  	[tilespmem:$0x7600] =	vst v0  }
0x24: {  	_ =	swait.ge [sflag:s11], $0x2780  }
0x25: {  	[sflag:s11] =	ssyncset.done $0x0  }
0x26: {  	[sflag:s11] =	ssyncadd.s32 $0xFFFFD880  }
0x27: {  	_ =	swait.ge [sflag:s12], $0x2710  }
0x28: {  	[sflag:s12] =	ssyncset.done $0x0  }
0x29: {  	[sflag:s12] =	ssyncadd.s32 $0xFFFFD8F0  }
0x2a: {  	_ =	swait.ge [sflag:s12], $0x2710  }
0x2b: {  	[sflag:s12] =	ssyncset.done $0x0  }
0x2c: {  	s19 =	simm.s32 $0x76C0;
	[sflag:s12] =	ssyncadd.s32 $0xFFFFD8F0  }
0x2d: {  	v1 =	vld [tilespmem:s19+$0x30]  }
0x2e: {  	v2 =	vld [tilespmem:s19+$0xFFFFFFD0]  }
0x2f: {  	v3 =	vld [tilespmem:s19+$0xFFFFFFE0]  }
0x30: {  	v4 =	vld [tilespmem:s19+$0xFFFFFFF0]  }
0x31: {  	v5 =	vld [tilespmem:s19+$0x0]  }
0x32: {  	v7 =	vld [tilespmem:s19+$0x10]  }
0x33: {  	v9 =	vld [tilespmem:s19+$0xFFFFFFC0]  }
0x34: {  	v10 =	vld [tilespmem:s19+$0x20];
	s19 =	simm.s32 $0x9E40;
	v6 =	vand.u32 $0xFFFF, v1  }
0x35: {  	v16 =	vld [tilespmem:s19+$0x30]  }
0x36: {  	v53 =	vld [tilespmem:s19+$0xFFFFFFD0]  }
0x37: {  	v54 =	vld [tilespmem:s19+$0xFFFFFFE0]  }
0x38: {  	v55 =	vld [tilespmem:s19+$0xFFFFFFF0];
	v8 =	vand.u32 $0xFFFF, v2  }
0x39: {  	v11 =	vand.u32 $0xFFFF, v3;
	v6 =	vld.idx.msk [tilespmem:v6+s3+$0x0], $0xffff  }
0x3a: {  	v20 =	vld [tilespmem:s19+$0x0];
	v12 =	vand.u32 $0xFFFF, v4  }
0x3b: {  	v21 =	vld [tilespmem:s19+$0x10];
	v15 =	vand.u32 $0xFFFF, v9  }
0x3c: {  	v56 =	vld [tilespmem:s19+$0x20];
	v1 =	vshra.s32 v1, $0x10  }
0x3d: {  	v8 =	vld.idx.msk [tilespmem:v8+s3+$0x0], $0xffff  }
0x3e: {  	v11 =	vld.idx.msk [tilespmem:v11+s3+$0x0], $0xffff;
	v18 =	vshll.u32 v6, $0x10  }
0x3f: {  	v13 =	vand.u32 $0xFFFF, v5;
	v12 =	vld.idx.msk [tilespmem:v12+s3+$0x0], $0xffff;
	v6 =	vand.u32 $0xFFFF0000, v6;
	v18 =	vmul.f32 v18, v16  }
0x40: {  	v14 =	vand.u32 $0xFFFF, v7;
	v15 =	vld.idx.msk [tilespmem:v15+s3+$0x0], $0xffff;
	v6 =	vmul.f32 v6, v16  }
0x41: {  	v17 =	vand.u32 $0xFFFF, v10;
	[tilespmem:v1+s13+$0x0] =	vst.idx.add.f32.msk $0xffff, v18  }
0x42: {  	v2 =	vshra.s32 v2, $0x10;
	[tilespmem:v1+s14+$0x0] =	vst.idx.add.f32.msk $0xffff, v6  }
0x43: {  	v3 =	vshra.s32 v3, $0x10;
	v1 =	vld [tilespmem:s19+$0xFFFFFFC0]  }
0x44: {  	v13 =	vld.idx.msk [tilespmem:v13+s3+$0x0], $0xffff;
	v22 =	vshll.u32 v8, $0x10  }
0x45: {  	v9 =	vshra.s32 v9, $0x10;
	v14 =	vld.idx.msk [tilespmem:v14+s3+$0x0], $0xffff;
	v57 =	vshll.u32 v11, $0x10;
	v22 =	vmul.f32 v22, v53  }
0x46: {  	v17 =	vld.idx.msk [tilespmem:v17+s3+$0x0], $0xffff;
	v8 =	vand.u32 $0xFFFF0000, v8;
	v58 =	vmul.f32 v57, v54  }
0x47: {  	v4 =	vshra.s32 v4, $0x10;
	v19 =	vshll.u32 v15, $0x10;
	[tilespmem:v2+s13+$0x0] =	vst.idx.add.f32.msk $0xffff, v22;
	v6 =	vmul.f32 v8, v53  }
0x48: {  	v15 =	vand.u32 $0xFFFF0000, v15;
	[tilespmem:v3+s13+$0x0] =	vst.idx.add.f32.msk $0xffff, v58;
	v19 =	vmul.f32 v19, v1  }
0x49: {  	v59 =	vshll.u32 v12, $0x10;
	[tilespmem:v2+s14+$0x0] =	vst.idx.add.f32.msk $0xffff, v6;
	v1 =	vmul.f32 v15, v1  }
0x4a: {  	v7 =	vshra.s32 v7, $0x10;
	v60 =	vmul.f32 v59, v55;
	v2 =	vand.u32 $0xFFFF0000, v12;
	[tilespmem:v9+s13+$0x0] =	vst.idx.add.f32.msk $0xffff, v19  }
0x4b: {  	v5 =	vshra.s32 v5, $0x10;
	v2 =	vmul.f32 v2, v55;
	[tilespmem:v9+s14+$0x0] =	vst.idx.add.f32.msk $0xffff, v1;
	v1 =	vand.u32 $0xFFFF0000, v11  }
0x4c: {  	v62 =	vshll.u32 v14, $0x10;
	[tilespmem:v4+s13+$0x0] =	vst.idx.add.f32.msk $0xffff, v60;
	v1 =	vmul.f32 v1, v54  }
0x4d: {  	v61 =	vshll.u32 v13, $0x10;
	[tilespmem:v4+s14+$0x0] =	vst.idx.add.f32.msk $0xffff, v2;
	v4 =	vmul.f32 v62, v21  }
0x4e: {  	[tilespmem:v3+s14+$0x0] =	vst.idx.add.f32.msk $0xffff, v1;
	v1 =	vand.u32 $0xFFFF0000, v13;
	v3 =	vmul.f32 v61, v20  }
0x4f: {  	v2 =	vand.u32 $0xFFFF0000, v14;
	[tilespmem:v7+s13+$0x0] =	vst.idx.add.f32.msk $0xffff, v4;
	v1 =	vmul.f32 v1, v20  }
0x50: {  	v63 =	vmul.f32 v2, v21;
	[tilespmem:v5+s13+$0x0] =	vst.idx.add.f32.msk $0xffff, v3  }
0x51: {  	v2 =	vshll.u32 v17, $0x10;
	[tilespmem:v5+s14+$0x0] =	vst.idx.add.f32.msk $0xffff, v1;
	v5 =	vand.u32 $0xFFFF0000, v17  }
0x52: {  	s20 =	simm.s32 $0x0;
	s21 =	simm.s32 $0x7740;
	[tilespmem:v7+s14+$0x0] =	vst.idx.add.f32.msk $0xffff, v63;
	v3 =	vmul.f32 v2, v56;
	v1 =	vshra.s32 v10, $0x10;
	v2 =	vmul.f32 v5, v56  }
.LBB2_4:
0x53: {  	v4 =	vld [tilespmem:s21+$0x30]  }
0x54: {  	s20 =	sadd.s32 $0x80, s20;
	v5 =	vld [tilespmem:s21+$0xFFFFFFD0]  }
0x55: {  	p0 =	slt.u32 s20, $0x2680;
	v6 =	vld [tilespmem:s21+$0xFFFFFFE0]  }
0x56: {  	v7 =	vld [tilespmem:s21+$0xFFFFFFF0]  }
0x57: {  	v8 =	vld [tilespmem:s21+$0x0]  }
0x58: {  	v9 =	vld [tilespmem:s21+$0x10];
	v10 =	vand.u32 $0xFFFF, v4  }
0x59: {  	v11 =	vshra.s32 v5, $0x10;
	v5 =	vand.u32 $0xFFFF, v5;
	v12 =	vld [tilespmem:s21+$0x20]  }
0x5a: {  	v13 =	vld [tilespmem:s21+$0xFFFFFFC0];
	v14 =	vshra.s32 v6, $0x10;
	v6 =	vand.u32 $0xFFFF, v6  }
0x5b: {  	v15 =	vshra.s32 v7, $0x10;
	v7 =	vand.u32 $0xFFFF, v7;
	[tilespmem:v1+s13+$0x0] =	vst.idx.add.f32.msk $0xffff, v3  }
0x5c: {  	v16 =	vshra.s32 v8, $0x10;
	v3 =	vand.u32 $0xFFFF, v8;
	[tilespmem:v1+s14+$0x0] =	vst.idx.add.f32.msk $0xffff, v2  }
0x5d: {  	v8 =	vshra.s32 v9, $0x10;
	v2 =	vand.u32 $0xFFFF, v9;
	v9 =	vld.idx.msk [tilespmem:v10+s3+$0x0], $0xffff  }
0x5e: {  	s19 =	sadd.s32 $0x80, s19;
	v5 =	vld.idx.msk [tilespmem:v5+s3+$0x0], $0xffff;
	v1 =	vshra.s32 v12, $0x10;
	v10 =	vand.u32 $0xFFFF, v12  }
0x5f: {  	v12 =	vshra.s32 v13, $0x10;
	v13 =	vand.u32 $0xFFFF, v13;
	v17 =	vld [tilespmem:s19+$0x30]  }
0x60: {  	v6 =	vld.idx.msk [tilespmem:v6+s3+$0x0], $0xffff  }
0x61: {  	v4 =	vshra.s32 v4, $0x10;
	v7 =	vld.idx.msk [tilespmem:v7+s3+$0x0], $0xffff  }
0x62: {  	v3 =	vld.idx.msk [tilespmem:v3+s3+$0x0], $0xffff  }
0x63: {  	v18 =	vshll.u32 v9, $0x10;
	v2 =	vld.idx.msk [tilespmem:v2+s3+$0x0], $0xffff  }
0x64: {  	v9 =	vand.u32 $0xFFFF0000, v9;
	v19 =	vshll.u32 v5, $0x10;
	v13 =	vld.idx.msk [tilespmem:v13+s3+$0x0], $0xffff;
	v18 =	vmul.f32 v18, v17  }
0x65: {  	v5 =	vand.u32 $0xFFFF0000, v5;
	v9 =	vmul.f32 v9, v17;
	v10 =	vld.idx.msk [tilespmem:v10+s3+$0x0], $0xffff  }
0x66: {  	v17 =	vshll.u32 v6, $0x10;
	v6 =	vand.u32 $0xFFFF0000, v6;
	[tilespmem:v4+s13+$0x0] =	vst.idx.add.f32.msk $0xffff, v18  }
0x67: {  	v18 =	vshll.u32 v7, $0x10;
	v7 =	vand.u32 $0xFFFF0000, v7;
	[tilespmem:v4+s14+$0x0] =	vst.idx.add.f32.msk $0xffff, v9  }
0x68: {  	v9 =	vshll.u32 v3, $0x10;
	v3 =	vand.u32 $0xFFFF0000, v3;
	v4 =	vld [tilespmem:s19+$0xFFFFFFC0]  }
0x69: {  	v21 =	vshll.u32 v2, $0x10;
	v2 =	vand.u32 $0xFFFF0000, v2;
	v20 =	vld [tilespmem:s19+$0xFFFFFFD0]  }
0x6a: {  	v22 =	vshll.u32 v13, $0x10;
	v13 =	vand.u32 $0xFFFF0000, v13;
	v23 =	vld [tilespmem:s19+$0xFFFFFFE0]  }
0x6b: {  	v25 =	vshll.u32 v10, $0x10;
	v10 =	vand.u32 $0xFFFF0000, v10;
	v24 =	vld [tilespmem:s19+$0xFFFFFFF0]  }
0x6c: {  	v26 =	vld [tilespmem:s19+$0x0]  }
0x6d: {  	v22 =	vmul.f32 v22, v4;
	v4 =	vmul.f32 v13, v4;
	v13 =	vld [tilespmem:s19+$0x10]  }
0x6e: {  	v19 =	vmul.f32 v19, v20;
	v5 =	vmul.f32 v5, v20;
	v20 =	vld [tilespmem:s19+$0x20]  }
0x6f: {  	[tilespmem:v12+s13+$0x0] =	vst.idx.add.f32.msk $0xffff, v22;
	v17 =	vmul.f32 v17, v23;
	v6 =	vmul.f32 v6, v23  }
0x70: {  	[tilespmem:v12+s14+$0x0] =	vst.idx.add.f32.msk $0xffff, v4;
	v4 =	vmul.f32 v18, v24;
	v7 =	vmul.f32 v7, v24  }
0x71: {  	[tilespmem:v11+s13+$0x0] =	vst.idx.add.f32.msk $0xffff, v19;
	v9 =	vmul.f32 v9, v26;
	v12 =	vmul.f32 v3, v26  }
0x72: {  	[tilespmem:v11+s14+$0x0] =	vst.idx.add.f32.msk $0xffff, v5;
	v5 =	vmul.f32 v21, v13;
	v11 =	vmul.f32 v2, v13  }
0x73: {  	[tilespmem:v14+s13+$0x0] =	vst.idx.add.f32.msk $0xffff, v17;
	v3 =	vmul.f32 v25, v20;
	v2 =	vmul.f32 v10, v20  }
0x74: {  	[tilespmem:v14+s14+$0x0] =	vst.idx.add.f32.msk $0xffff, v6  }
0x75: {  	[tilespmem:v15+s13+$0x0] =	vst.idx.add.f32.msk $0xffff, v4  }
.Ltmp1:
0x76: {  	[tilespmem:v15+s14+$0x0] =	vst.idx.add.f32.msk $0xffff, v7;
	(pc) =	sbr.rel @p0 .LBB2_4-.Ltmp1, $4  }
0x77: {  	[tilespmem:v16+s13+$0x0] =	vst.idx.add.f32.msk $0xffff, v9  }
0x78: {  	[tilespmem:v16+s14+$0x0] =	vst.idx.add.f32.msk $0xffff, v12  }
0x79: {  	[tilespmem:v8+s13+$0x0] =	vst.idx.add.f32.msk $0xffff, v5  }
0x7a: {  	s21 =	sadd.s32 $0x80, s21;
	[tilespmem:v8+s14+$0x0] =	vst.idx.add.f32.msk $0xffff, v11  }
0x7b: {  	_ =	sdelay $0x3  }
0x7c: {  	[tilespmem:v1+s13+$0x0] =	vst.idx.add.f32.msk $0xffff, v3  }
0x7d: {  	[tilespmem:v1+s14+$0x0] =	vst.idx.add.f32.msk $0xffff, v2  }
0x7e: {  	v1 =	vld [tilespmem:$0x9D80];
	_ =	sdelay $0x4  }
0x7f: {  	v2 =	vand.u32 $0xFFFF, v1;
	_ =	sdelay $0x4  }
0x80: {  	v2 =	vld.idx.msk [tilespmem:v2+s3+$0x0], $0xffff  }
0x81: {  	v3 =	vld [tilespmem:$0xC500];
	_ =	sdelay $0x1  }
0x82: {  	v1 =	vshra.s32 v1, $0x10;
	_ =	sdelay $0x1  }
0x83: {  	v4 =	vshll.u32 v2, $0x10  }
0x84: {  	v2 =	vand.u32 $0xFFFF0000, v2;
	v4 =	vmul.f32 v4, v3  }
0x85: {  	v2 =	vmul.f32 v2, v3  }
0x86: {  	[tilespmem:v1+s13+$0x0] =	vst.idx.add.f32.msk $0xffff, v4  }
0x87: {  	[tilespmem:v1+s14+$0x0] =	vst.idx.add.f32.msk $0xffff, v2  }
0x88: {  	[hbm4b:s6+s15] =	stream.strided.scatter [tilespmem:s13], [sflag:$0x3], $0x2780, s16, s15, $0x38;
	[tilespmem:$0xC580] =	vst v63  }
0x89: {  	s18 =	sadd.s32 $0x1, s18;
	_ =	swait.ge [sflag:s17], $0x2780  }
0x8a: {  	p0 =	sne.s32 s18, s8;
	[sflag:s17] =	ssyncset.done $0x0  }
.Ltmp2:
0x8b: {  	[sflag:s17] =	ssyncadd.s32 $0xFFFFD880;
	(pc) =	sbr.rel @p0 .LBB2_1-.Ltmp2, $4  }
0x8c: {  	[hbm4b:s7+s15] =	stream.strided.scatter [tilespmem:s14], [sflag:$0x3], $0x2780, s16, s15, $0x38;
	[tilespmem:$0xC580] =	vst v63  }
0x8d: {  	_ =	swait.ge [sflag:s17], $0x2780  }
0x8e: {  	[sflag:s17] =	ssyncset.done $0x0  }
0x8f: {  	[sflag:s17] =	ssyncadd.s32 $0xFFFFD880  }
0x90: {  	_ =	sfence.sel $0x180000  }
0x91: {  	[bflag:$0x0] =	sbarrier.arrive $0xFFFF  }
0x92: {  	p0 =	sne.s32 s0, $0x0;
	_ =	strace $0x90000050  }
0x93: {  	s0 =	sadd.s32 @!p0 $0x100000, s2;
	[bflag:$0x2] =	sbarrier.arrive $0xFFFF  }
0x94: {  	[sflag:s0] =	ssyncadd.tile.s32 @!p0 $0x1;
	_ =	shalt  }
.Lfunc_end2:
_tile_overlayer_lowered:
.L_overlay_start_2:
0x95: {  	(tag) =	ssettag $0x2  }
0x96: {  	s0 =	rddreg [dreg:$0x0];
	s2 =	stileid.u32  }
0x97: {  	s1 =	rddreg [dreg:$0x1];
	p0 =	sne.s32 s2, $0x0  }
0x98: {  	s3 =	rddreg [dreg:$0x2];
	[bflag:$0x3] =	sbarrier.arrive $0xFFFF;
	s2 =	simm.s32 @!p0 $0x1C03  }
0x99: {  	[timem:s3], [sflag:s2] =	dma.local @!p0 [hbm:s0], s1  }
0x9a: {  	s0 =	simm.s32 @!p0 $0x3  }
0x9b: {  	_ =	swait.ge @!p0 [sflag:s0], s1  }
0x9c: {  	s1 =	ssub.s32 @!p0 $0x0, s1;
	[sflag:s0] =	ssyncset.done @!p0 $0x0  }
0x9d: {  	[sflag:s0] =	ssyncadd.s32 @!p0 s1  }
0x9e: {  	[bflag:$0x3] =	sbarrier.arrive $0xFFFF  }
0x9f: {  	_ =	shalt  }

</sc_bundles>
